<compile_context>
chip_gen: v7x
topology: tpu7x:2x2x1
jax: 0.10.2.dev20260603
libtpu: 0.0.44.dev20260713+nightly
codegen_flags: <defaults>
</compile_context>

<pallas_src>
import functools

import jax
import jax.numpy as jnp
from jax import lax
from jax.experimental import pallas as pl
from jax.experimental.pallas import tpu as pltpu
from jax.experimental.pallas import tpu_sc as plsc

N = 10000
D = 128
NC = 2
NS = 16
NW = NC * NS
N_PAD = 10240
RPS = N_PAD // NS
IB = RPS // 128
K = 128
BLK = 1024
F32 = jnp.float32

def _mesh():
    return plsc.VectorSubcoreMesh(
        core_axis_name="c", subcore_axis_name="s",
        num_cores=NC, num_subcores=NS,
    )


def _deg_call(dst3d, ident, C):

    @functools.partial(
        pl.kernel,
        mesh=_mesh(),
        out_type=jax.ShapeDtypeStruct((NC * N_PAD, D), F32),
        scratch_types=[
            pltpu.VMEM((C, K), jnp.int32),
            pltpu.VMEM((IB, K), jnp.int32),
            pltpu.VMEM((K, D), F32),
            pltpu.VMEM((K, D), F32),
            pltpu.VMEM_SHARED((N_PAD, D), F32),
            pltpu.SemaphoreType.DMA,
        ],
    )
    def deg_kernel(dst_hbm, id_hbm, out_hbm, idx_v, idv, ones_v, rows, tab, sem):
        cid = lax.axis_index("c")
        sid = lax.axis_index("s")
        wid = cid * NS + sid

        def fill_ones(i, _):
            for j in range(D // 16):
                ones_v[i, pl.ds(j * 16, 16)] = jnp.ones((16,), F32)
                rows[i, pl.ds(j * 16, 16)] = jnp.zeros((16,), F32)
            return 0

        lax.fori_loop(0, K, fill_ones, 0)
        pltpu.sync_copy(id_hbm.at[sid], idv)
        for b in range(IB):
            pltpu.sync_copy(rows, tab.at[idv.at[b]])
        pltpu.sync_copy(dst_hbm.at[wid], idx_v)
        plsc.subcore_barrier()

        def step(c, carry):
            pltpu.sync_copy(ones_v, tab.at[idx_v.at[c]], add=True)
            return carry

        lax.fori_loop(0, C, step, 0)
        plsc.subcore_barrier()
        for b in range(IB):
            pltpu.async_copy(tab.at[idv.at[b]], rows, sem).wait()
            pltpu.sync_copy(
                rows, out_hbm.at[pl.ds(cid * N_PAD + sid * RPS + b * K, K)]
            )

    return deg_kernel(dst3d, ident)


def _agg_call(hs, src3d, dst3d, ident, C):

    @functools.partial(
        pl.kernel,
        mesh=_mesh(),
        out_type=jax.ShapeDtypeStruct((NC * N_PAD, D), F32),
        scratch_types=[
            pltpu.VMEM((C, K), jnp.int32),
            pltpu.VMEM((C, K), jnp.int32),
            pltpu.VMEM((IB, K), jnp.int32),
            pltpu.VMEM((K, D), F32),
            pltpu.VMEM_SHARED((N_PAD, D), F32),
            pltpu.SemaphoreType.DMA,
        ],
    )
    def agg_kernel(hs_hbm, src_hbm, dst_hbm, id_hbm, out_hbm,
                   sidx, didx, idv, rows, acc, sem):
        cid = lax.axis_index("c")
        sid = lax.axis_index("s")
        wid = cid * NS + sid
        pltpu.sync_copy(id_hbm.at[sid], idv)
        for b in range(IB):
            pltpu.sync_copy(hs_hbm.at[pl.ds(sid * RPS + b * K, K)], rows)
            pltpu.sync_copy(rows, acc.at[idv.at[b]])
        pltpu.sync_copy(src_hbm.at[wid], sidx)
        pltpu.sync_copy(dst_hbm.at[wid], didx)
        plsc.subcore_barrier()

        def step(c, carry):
            pltpu.async_copy(hs_hbm.at[sidx.at[c]], rows, sem).wait()
            pltpu.sync_copy(rows, acc.at[didx.at[c]], add=True)
            return carry

        lax.fori_loop(0, C, step, 0)
        plsc.subcore_barrier()
        for b in range(IB):
            pltpu.async_copy(acc.at[idv.at[b]], rows, sem).wait()
            pltpu.sync_copy(
                rows, out_hbm.at[pl.ds(cid * N_PAD + sid * RPS + b * K, K)]
            )

    return agg_kernel(hs, src3d, dst3d, ident)


def _tc1(x_pad, W1, deg_flat):
    def body(x_ref, w_ref, d0_ref, d1_ref, hs_ref, dinv_ref):
        deg = d0_ref[:, 0:1] + d1_ref[:, 0:1] + 1.0
        dinv = lax.rsqrt(deg)
        h = jnp.dot(x_ref[...], w_ref[...], preferred_element_type=F32)
        hs_ref[...] = h * dinv
        dinv_ref[...] = dinv

    return pl.pallas_call(
        body,
        grid=(N_PAD // BLK,),
        in_specs=[
            pl.BlockSpec((BLK, D), lambda i: (i, 0)),
            pl.BlockSpec((D, D), lambda i: (0, 0)),
            pl.BlockSpec((BLK, D), lambda i: (i, 0)),
            pl.BlockSpec((BLK, D), lambda i: (i + N_PAD // BLK, 0)),
        ],
        out_specs=[
            pl.BlockSpec((BLK, D), lambda i: (i, 0)),
            pl.BlockSpec((BLK, 1), lambda i: (i, 0)),
        ],
        out_shape=[
            jax.ShapeDtypeStruct((N_PAD, D), F32),
            jax.ShapeDtypeStruct((N_PAD, 1), F32),
        ],
    )(x_pad, W1, deg_flat, deg_flat)


def _tc2(acc, hs1, dinv, b1r, W2):
    def body(a0_ref, a1_ref, hs_ref, di_ref, b_ref, w_ref, out_ref):
        di = di_ref[...]
        z = (a0_ref[...] + a1_ref[...] - hs_ref[...]) * di + b_ref[...]
        z = jnp.maximum(z, 0.0)
        out_ref[...] = jnp.dot(z, w_ref[...], preferred_element_type=F32) * di

    return pl.pallas_call(
        body,
        grid=(N_PAD // BLK,),
        in_specs=[
            pl.BlockSpec((BLK, D), lambda i: (i, 0)),
            pl.BlockSpec((BLK, D), lambda i: (i + N_PAD // BLK, 0)),
            pl.BlockSpec((BLK, D), lambda i: (i, 0)),
            pl.BlockSpec((BLK, 1), lambda i: (i, 0)),
            pl.BlockSpec((1, D), lambda i: (0, 0)),
            pl.BlockSpec((D, D), lambda i: (0, 0)),
        ],
        out_specs=pl.BlockSpec((BLK, D), lambda i: (i, 0)),
        out_shape=jax.ShapeDtypeStruct((N_PAD, D), F32),
    )(acc, acc, hs1, dinv, b1r, W2)


def _tc3(acc, hs2, dinv, b2r):
    def body(a0_ref, a1_ref, hs_ref, di_ref, b_ref, out_ref):
        o = (a0_ref[...] + a1_ref[...] - hs_ref[...]) * di_ref[...] + b_ref[...]
        m = jnp.max(o, axis=1, keepdims=True)
        lse = jnp.log(jnp.sum(jnp.exp(o - m), axis=1, keepdims=True)) + m
        out_ref[...] = o - lse

    return pl.pallas_call(
        body,
        grid=(N_PAD // BLK,),
        in_specs=[
            pl.BlockSpec((BLK, D), lambda i: (i, 0)),
            pl.BlockSpec((BLK, D), lambda i: (i + N_PAD // BLK, 0)),
            pl.BlockSpec((BLK, D), lambda i: (i, 0)),
            pl.BlockSpec((BLK, 1), lambda i: (i, 0)),
            pl.BlockSpec((1, D), lambda i: (0, 0)),
        ],
        out_specs=pl.BlockSpec((BLK, D), lambda i: (i, 0)),
        out_shape=jax.ShapeDtypeStruct((N_PAD, D), F32),
    )(acc, acc, hs2, dinv, b2r)


def kernel(x, edge_index, W1, b1, W2, b2):
    src = edge_index[0]
    dst = edge_index[1]
    E = src.shape[0]
    C = -(-E // (NW * K))
    EP = NW * C * K

    src3d = jnp.pad(src, (0, EP - E), constant_values=N).reshape(NW, C, K)
    dst3d = jnp.pad(dst, (0, EP - E), constant_values=N).reshape(NW, C, K)
    x_pad = jnp.pad(x, ((0, N_PAD - N), (0, 0)))
    b1r = b1.reshape(1, D)
    b2r = b2.reshape(1, D)
    ident = jnp.arange(N_PAD, dtype=jnp.int32).reshape(NS, IB, K)

    deg_flat = _deg_call(dst3d, ident, C)
    hs1, dinv = _tc1(x_pad, W1, deg_flat)
    acc1 = _agg_call(hs1, src3d, dst3d, ident, C)
    hs2 = _tc2(acc1, hs1, dinv, b1r, W2)
    acc2 = _agg_call(hs2, src3d, dst3d, ident, C)
    out = _tc3(acc2, hs2, dinv, b2r)
    return out[:N]

# --- scband reference (transcript-rebuilt; emitter-appended) ---
"""Pipeline reference for scband-simple-gnn-39058432589890 (READ-ONLY COPY).

The authoritative reference and input builder live on the scoring server;
editing this copy changes nothing except your own understanding.
"""

import jax, jax.numpy as jnp
import numpy as np

N = 10000
E = 320000
D_IN = 128
D_H = 128
D_OUT = 128


def _glorot(key, shape):
    fan_in, fan_out = shape[0], shape[1]
    limit = jnp.sqrt(6.0 / (fan_in + fan_out))
    return jax.random.uniform(key, shape, minval=-limit, maxval=limit, dtype=jnp.float32)


def setup_inputs(seed: int = 0) -> dict:
    key = jax.random.key(seed)
    k1, k2, k3, k4 = jax.random.split(key, 4)
    x = jax.random.normal(k1, (N, D_IN), dtype=jnp.float32)
    edge_index = jax.random.randint(k2, (2, E), 0, N, dtype=jnp.int32)
    W1 = _glorot(k3, (D_IN, D_H))
    b1 = jnp.zeros((D_H,), dtype=jnp.float32)
    W2 = _glorot(k4, (D_H, D_OUT))
    b2 = jnp.zeros((D_OUT,), dtype=jnp.float32)
    return {"x": x, "edge_index": edge_index, "W1": W1, "b1": b1, "W2": W2, "b2": b2}


def _gcn_conv(x, src, dst, W, b):
    n = x.shape[0]
    # add self-loops (PyG GCNConv default)
    loop = jnp.arange(n, dtype=src.dtype)
    src_sl = jnp.concatenate([src, loop])
    dst_sl = jnp.concatenate([dst, loop])
    # symmetric normalization: deg^{-1/2}[src] * deg^{-1/2}[dst]
    deg = jnp.zeros((n,), dtype=x.dtype).at[dst_sl].add(1.0)
    deg_inv_sqrt = jnp.where(deg > 0, 1.0 / jnp.sqrt(deg), 0.0)
    norm = deg_inv_sqrt[src_sl] * deg_inv_sqrt[dst_sl]
    h = x @ W
    msg = h[src_sl] * norm[:, None]
    out = jnp.zeros((n, h.shape[1]), dtype=x.dtype).at[dst_sl].add(msg)
    return out + b


def reference(x, edge_index, W1, b1, W2, b2):
    src = edge_index[0]
    dst = edge_index[1]
    h = _gcn_conv(x, src, dst, W1, b1)
    h = jax.nn.relu(h)
    # F.dropout(p=0.5, training=self.training): identity in eval mode
    h = _gcn_conv(h, src, dst, W2, b2)
    return jax.nn.log_softmax(h, axis=1)

if __name__ == "__main__":
    import jax
    _d = setup_inputs()
    print(jax.jit(kernel)(*tuple(_d.values())))

</pallas_src>

<mosaic_0001>
#map = affine_map<(d0, d1) -> (0, 0, 0)>
#map1 = affine_map<(d0, d1) -> (0, 0)>
module attributes {stable_mosaic.version = 14 : i64} {
  func.func @deg_kernel(%arg0: i32, %arg1: i32, %arg2: memref<32x79x128xi32, #tpu.memory_space<hbm>>, %arg3: memref<16x5x128xi32, #tpu.memory_space<hbm>>, %arg4: memref<20480x128xf32, #tpu.memory_space<hbm>>, %arg5: memref<79x128xi32, #tpu.memory_space<vmem>>, %arg6: memref<5x128xi32, #tpu.memory_space<vmem>>, %arg7: memref<128x128xf32, #tpu.memory_space<vmem>>, %arg8: memref<128x128xf32, #tpu.memory_space<vmem>>, %arg9: memref<10240x128xf32, #tpu.memory_space<vmem_shared>>, %arg10: memref<!tpu.dma_semaphore, #tpu.memory_space<semaphore_mem>>) attributes {dimension_semantics = [#tpu.dimension_semantics<core_parallel>, #tpu.dimension_semantics<subcore_parallel>], iteration_bounds = array<i64: 2, 16>, scalar_prefetch = 0 : i64, scratch_operands = 6 : i64, tpu.core_type = #tpu.core_type<sc_vector_subcore>, window_params = [{transform_indices = #map}, {transform_indices = #map}, {transform_indices = #map1}]} {
    %mul3A = arith.constant 16 : i32
    %mul3A_0 = arith.muli %arg0, %mul3A : i32
    %add3A = arith.addi %mul3A_0, %arg1 : i32
    %scan3A = arith.constant 0 : i32
    %scan3A_1 = arith.constant 0 : i32
    %scan3A_2 = arith.constant 128 : i32
    %scan3A_3 = arith.addi %scan3A_1, %scan3A_2 : i32
    %scan3A_4 = arith.constant 1 : i32
    %scan3A_5 = scf.for %scan3A_121 = %scan3A_1 to %scan3A_3 step %scan3A_4 iter_args(%scan3A_122 = %scan3A) -> (i32)  : i32 {
      %broadcast_in_dim3A = arith.constant 1.000000e+00 : f32
      %broadcast_in_dim3A_123 = vector.broadcast %broadcast_in_dim3A : f32 to vector<16xf32>
      %swap3A = arith.index_cast %scan3A_121 : i32 to index
      %swap3A_124 = arith.constant 0 : index
      %swap3A_125 = tpu.vector_load %arg7[%swap3A, %swap3A_124] {strides = array<i32>} : memref<128x128xf32, #tpu.memory_space<vmem>>, vector<1x16xf32>,
      %swap3A_126 = vector.shape_cast %swap3A_125 : vector<1x16xf32> to vector<16xf32>
      %swap3A_127 = vector.shape_cast %broadcast_in_dim3A_123 : vector<16xf32> to vector<1x16xf32>
      tpu.vector_store %arg7[%swap3A, %swap3A_124], %swap3A_127 {strides = array<i32>} : memref<128x128xf32, #tpu.memory_space<vmem>>, vector<1x16xf32>,
      %broadcast_in_dim3A_128 = arith.constant 0.000000e+00 : f32
      %broadcast_in_dim3A_129 = vector.broadcast %broadcast_in_dim3A_128 : f32 to vector<16xf32>
      %swap3A_130 = arith.index_cast %scan3A_121 : i32 to index
      %swap3A_131 = arith.constant 0 : index
      %swap3A_132 = tpu.vector_load %arg8[%swap3A_130, %swap3A_131] {strides = array<i32>} : memref<128x128xf32, #tpu.memory_space<vmem>>, vector<1x16xf32>,
      %swap3A_133 = vector.shape_cast %swap3A_132 : vector<1x16xf32> to vector<16xf32>
      %swap3A_134 = vector.shape_cast %broadcast_in_dim3A_129 : vector<16xf32> to vector<1x16xf32>
      tpu.vector_store %arg8[%swap3A_130, %swap3A_131], %swap3A_134 {strides = array<i32>} : memref<128x128xf32, #tpu.memory_space<vmem>>, vector<1x16xf32>,
      %broadcast_in_dim3A_135 = arith.constant 1.000000e+00 : f32
      %broadcast_in_dim3A_136 = vector.broadcast %broadcast_in_dim3A_135 : f32 to vector<16xf32>
      %swap3A_137 = arith.index_cast %scan3A_121 : i32 to index
      %swap3A_138 = arith.constant 16 : index
      %swap3A_139 = tpu.vector_load %arg7[%swap3A_137, %swap3A_138] {strides = array<i32>} : memref<128x128xf32, #tpu.memory_space<vmem>>, vector<1x16xf32>,
      %swap3A_140 = vector.shape_cast %swap3A_139 : vector<1x16xf32> to vector<16xf32>
      %swap3A_141 = vector.shape_cast %broadcast_in_dim3A_136 : vector<16xf32> to vector<1x16xf32>
      tpu.vector_store %arg7[%swap3A_137, %swap3A_138], %swap3A_141 {strides = array<i32>} : memref<128x128xf32, #tpu.memory_space<vmem>>, vector<1x16xf32>,
      %broadcast_in_dim3A_142 = arith.constant 0.000000e+00 : f32
      %broadcast_in_dim3A_143 = vector.broadcast %broadcast_in_dim3A_142 : f32 to vector<16xf32>
      %swap3A_144 = arith.index_cast %scan3A_121 : i32 to index
      %swap3A_145 = arith.constant 16 : index
      %swap3A_146 = tpu.vector_load %arg8[%swap3A_144, %swap3A_145] {strides = array<i32>} : memref<128x128xf32, #tpu.memory_space<vmem>>, vector<1x16xf32>,
      %swap3A_147 = vector.shape_cast %swap3A_146 : vector<1x16xf32> to vector<16xf32>
      %swap3A_148 = vector.shape_cast %broadcast_in_dim3A_143 : vector<16xf32> to vector<1x16xf32>
      tpu.vector_store %arg8[%swap3A_144, %swap3A_145], %swap3A_148 {strides = array<i32>} : memref<128x128xf32, #tpu.memory_space<vmem>>, vector<1x16xf32>,
      %broadcast_in_dim3A_149 = arith.constant 1.000000e+00 : f32
      %broadcast_in_dim3A_150 = vector.broadcast %broadcast_in_dim3A_149 : f32 to vector<16xf32>
      %swap3A_151 = arith.index_cast %scan3A_121 : i32 to index
      %swap3A_152 = arith.constant 32 : index
      %swap3A_153 = tpu.vector_load %arg7[%swap3A_151, %swap3A_152] {strides = array<i32>} : memref<128x128xf32, #tpu.memory_space<vmem>>, vector<1x16xf32>,
      %swap3A_154 = vector.shape_cast %swap3A_153 : vector<1x16xf32> to vector<16xf32>
      %swap3A_155 = vector.shape_cast %broadcast_in_dim3A_150 : vector<16xf32> to vector<1x16xf32>
      tpu.vector_store %arg7[%swap3A_151, %swap3A_152], %swap3A_155 {strides = array<i32>} : memref<128x128xf32, #tpu.memory_space<vmem>>, vector<1x16xf32>,
      %broadcast_in_dim3A_156 = arith.constant 0.000000e+00 : f32
      %broadcast_in_dim3A_157 = vector.broadcast %broadcast_in_dim3A_156 : f32 to vector<16xf32>
      %swap3A_158 = arith.index_cast %scan3A_121 : i32 to index
      %swap3A_159 = arith.constant 32 : index
      %swap3A_160 = tpu.vector_load %arg8[%swap3A_158, %swap3A_159] {strides = array<i32>} : memref<128x128xf32, #tpu.memory_space<vmem>>, vector<1x16xf32>,
      %swap3A_161 = vector.shape_cast %swap3A_160 : vector<1x16xf32> to vector<16xf32>
      %swap3A_162 = vector.shape_cast %broadcast_in_dim3A_157 : vector<16xf32> to vector<1x16xf32>
      tpu.vector_store %arg8[%swap3A_158, %swap3A_159], %swap3A_162 {strides = array<i32>} : memref<128x128xf32, #tpu.memory_space<vmem>>, vector<1x16xf32>,
      %broadcast_in_dim3A_163 = arith.constant 1.000000e+00 : f32
      %broadcast_in_dim3A_164 = vector.broadcast %broadcast_in_dim3A_163 : f32 to vector<16xf32>
      %swap3A_165 = arith.index_cast %scan3A_121 : i32 to index
      %swap3A_166 = arith.constant 48 : index
      %swap3A_167 = tpu.vector_load %arg7[%swap3A_165, %swap3A_166] {strides = array<i32>} : memref<128x128xf32, #tpu.memory_space<vmem>>, vector<1x16xf32>,
      %swap3A_168 = vector.shape_cast %swap3A_167 : vector<1x16xf32> to vector<16xf32>
      %swap3A_169 = vector.shape_cast %broadcast_in_dim3A_164 : vector<16xf32> to vector<1x16xf32>
      tpu.vector_store %arg7[%swap3A_165, %swap3A_166], %swap3A_169 {strides = array<i32>} : memref<128x128xf32, #tpu.memory_space<vmem>>, vector<1x16xf32>,
      %broadcast_in_dim3A_170 = arith.constant 0.000000e+00 : f32
      %broadcast_in_dim3A_171 = vector.broadcast %broadcast_in_dim3A_170 : f32 to vector<16xf32>
      %swap3A_172 = arith.index_cast %scan3A_121 : i32 to index
      %swap3A_173 = arith.constant 48 : index
      %swap3A_174 = tpu.vector_load %arg8[%swap3A_172, %swap3A_173] {strides = array<i32>} : memref<128x128xf32, #tpu.memory_space<vmem>>, vector<1x16xf32>,
      %swap3A_175 = vector.shape_cast %swap3A_174 : vector<1x16xf32> to vector<16xf32>
      %swap3A_176 = vector.shape_cast %broadcast_in_dim3A_171 : vector<16xf32> to vector<1x16xf32>
      tpu.vector_store %arg8[%swap3A_172, %swap3A_173], %swap3A_176 {strides = array<i32>} : memref<128x128xf32, #tpu.memory_space<vmem>>, vector<1x16xf32>,
      %broadcast_in_dim3A_177 = arith.constant 1.000000e+00 : f32
      %broadcast_in_dim3A_178 = vector.broadcast %broadcast_in_dim3A_177 : f32 to vector<16xf32>
      %swap3A_179 = arith.index_cast %scan3A_121 : i32 to index
      %swap3A_180 = arith.constant 64 : index
      %swap3A_181 = tpu.vector_load %arg7[%swap3A_179, %swap3A_180] {strides = array<i32>} : memref<128x128xf32, #tpu.memory_space<vmem>>, vector<1x16xf32>,
      %swap3A_182 = vector.shape_cast %swap3A_181 : vector<1x16xf32> to vector<16xf32>
      %swap3A_183 = vector.shape_cast %broadcast_in_dim3A_178 : vector<16xf32> to vector<1x16xf32>
      tpu.vector_store %arg7[%swap3A_179, %swap3A_180], %swap3A_183 {strides = array<i32>} : memref<128x128xf32, #tpu.memory_space<vmem>>, vector<1x16xf32>,
      %broadcast_in_dim3A_184 = arith.constant 0.000000e+00 : f32
      %broadcast_in_dim3A_185 = vector.broadcast %broadcast_in_dim3A_184 : f32 to vector<16xf32>
      %swap3A_186 = arith.index_cast %scan3A_121 : i32 to index
      %swap3A_187 = arith.constant 64 : index
      %swap3A_188 = tpu.vector_load %arg8[%swap3A_186, %swap3A_187] {strides = array<i32>} : memref<128x128xf32, #tpu.memory_space<vmem>>, vector<1x16xf32>,
      %swap3A_189 = vector.shape_cast %swap3A_188 : vector<1x16xf32> to vector<16xf32>
      %swap3A_190 = vector.shape_cast %broadcast_in_dim3A_185 : vector<16xf32> to vector<1x16xf32>
      tpu.vector_store %arg8[%swap3A_186, %swap3A_187], %swap3A_190 {strides = array<i32>} : memref<128x128xf32, #tpu.memory_space<vmem>>, vector<1x16xf32>,
      %broadcast_in_dim3A_191 = arith.constant 1.000000e+00 : f32
      %broadcast_in_dim3A_192 = vector.broadcast %broadcast_in_dim3A_191 : f32 to vector<16xf32>
      %swap3A_193 = arith.index_cast %scan3A_121 : i32 to index
      %swap3A_194 = arith.constant 80 : index
      %swap3A_195 = tpu.vector_load %arg7[%swap3A_193, %swap3A_194] {strides = array<i32>} : memref<128x128xf32, #tpu.memory_space<vmem>>, vector<1x16xf32>,
      %swap3A_196 = vector.shape_cast %swap3A_195 : vector<1x16xf32> to vector<16xf32>
      %swap3A_197 = vector.shape_cast %broadcast_in_dim3A_192 : vector<16xf32> to vector<1x16xf32>
      tpu.vector_store %arg7[%swap3A_193, %swap3A_194], %swap3A_197 {strides = array<i32>} : memref<128x128xf32, #tpu.memory_space<vmem>>, vector<1x16xf32>,
      %broadcast_in_dim3A_198 = arith.constant 0.000000e+00 : f32
      %broadcast_in_dim3A_199 = vector.broadcast %broadcast_in_dim3A_198 : f32 to vector<16xf32>
      %swap3A_200 = arith.index_cast %scan3A_121 : i32 to index
      %swap3A_201 = arith.constant 80 : index
      %swap3A_202 = tpu.vector_load %arg8[%swap3A_200, %swap3A_201] {strides = array<i32>} : memref<128x128xf32, #tpu.memory_space<vmem>>, vector<1x16xf32>,
      %swap3A_203 = vector.shape_cast %swap3A_202 : vector<1x16xf32> to vector<16xf32>
      %swap3A_204 = vector.shape_cast %broadcast_in_dim3A_199 : vector<16xf32> to vector<1x16xf32>
      tpu.vector_store %arg8[%swap3A_200, %swap3A_201], %swap3A_204 {strides = array<i32>} : memref<128x128xf32, #tpu.memory_space<vmem>>, vector<1x16xf32>,
      %broadcast_in_dim3A_205 = arith.constant 1.000000e+00 : f32
      %broadcast_in_dim3A_206 = vector.broadcast %broadcast_in_dim3A_205 : f32 to vector<16xf32>
      %swap3A_207 = arith.index_cast %scan3A_121 : i32 to index
      %swap3A_208 = arith.constant 96 : index
      %swap3A_209 = tpu.vector_load %arg7[%swap3A_207, %swap3A_208] {strides = array<i32>} : memref<128x128xf32, #tpu.memory_space<vmem>>, vector<1x16xf32>,
      %swap3A_210 = vector.shape_cast %swap3A_209 : vector<1x16xf32> to vector<16xf32>
      %swap3A_211 = vector.shape_cast %broadcast_in_dim3A_206 : vector<16xf32> to vector<1x16xf32>
      tpu.vector_store %arg7[%swap3A_207, %swap3A_208], %swap3A_211 {strides = array<i32>} : memref<128x128xf32, #tpu.memory_space<vmem>>, vector<1x16xf32>,
      %broadcast_in_dim3A_212 = arith.constant 0.000000e+00 : f32
      %broadcast_in_dim3A_213 = vector.broadcast %broadcast_in_dim3A_212 : f32 to vector<16xf32>
      %swap3A_214 = arith.index_cast %scan3A_121 : i32 to index
      %swap3A_215 = arith.constant 96 : index
      %swap3A_216 = tpu.vector_load %arg8[%swap3A_214, %swap3A_215] {strides = array<i32>} : memref<128x128xf32, #tpu.memory_space<vmem>>, vector<1x16xf32>,
      %swap3A_217 = vector.shape_cast %swap3A_216 : vector<1x16xf32> to vector<16xf32>
      %swap3A_218 = vector.shape_cast %broadcast_in_dim3A_213 : vector<16xf32> to vector<1x16xf32>
      tpu.vector_store %arg8[%swap3A_214, %swap3A_215], %swap3A_218 {strides = array<i32>} : memref<128x128xf32, #tpu.memory_space<vmem>>, vector<1x16xf32>,
      %broadcast_in_dim3A_219 = arith.constant 1.000000e+00 : f32
      %broadcast_in_dim3A_220 = vector.broadcast %broadcast_in_dim3A_219 : f32 to vector<16xf32>
      %swap3A_221 = arith.index_cast %scan3A_121 : i32 to index
      %swap3A_222 = arith.constant 112 : index
      %swap3A_223 = tpu.vector_load %arg7[%swap3A_221, %swap3A_222] {strides = array<i32>} : memref<128x128xf32, #tpu.memory_space<vmem>>, vector<1x16xf32>,
      %swap3A_224 = vector.shape_cast %swap3A_223 : vector<1x16xf32> to vector<16xf32>
      %swap3A_225 = vector.shape_cast %broadcast_in_dim3A_220 : vector<16xf32> to vector<1x16xf32>
      tpu.vector_store %arg7[%swap3A_221, %swap3A_222], %swap3A_225 {strides = array<i32>} : memref<128x128xf32, #tpu.memory_space<vmem>>, vector<1x16xf32>,
      %broadcast_in_dim3A_226 = arith.constant 0.000000e+00 : f32
      %broadcast_in_dim3A_227 = vector.broadcast %broadcast_in_dim3A_226 : f32 to vector<16xf32>
      %swap3A_228 = arith.index_cast %scan3A_121 : i32 to index
      %swap3A_229 = arith.constant 112 : index
      %swap3A_230 = tpu.vector_load %arg8[%swap3A_228, %swap3A_229] {strides = array<i32>} : memref<128x128xf32, #tpu.memory_space<vmem>>, vector<1x16xf32>,
      %swap3A_231 = vector.shape_cast %swap3A_230 : vector<1x16xf32> to vector<16xf32>
      %swap3A_232 = vector.shape_cast %broadcast_in_dim3A_227 : vector<16xf32> to vector<1x16xf32>
      tpu.vector_store %arg8[%swap3A_228, %swap3A_229], %swap3A_232 {strides = array<i32>} : memref<128x128xf32, #tpu.memory_space<vmem>>, vector<1x16xf32>,
      %scan3A_233 = arith.constant 0 : i32
      scf.yield %scan3A_233 : i32
    }
    %scan3A_6 = arith.constant 128 : i32
    "tpu.region"() ({
      %run_scoped3A_121 = tpu.sem_alloc : memref<!tpu.dma_semaphore, #tpu.memory_space<semaphore_mem>>
      %dma_start3A_122 = arith.constant 0 : i32
      %dma_start3A_123 = arith.constant 0 : i32
      %dma_start3A_124 = tpu.memref_slice %arg3[%arg1, %dma_start3A_122, %dma_start3A_123] : memref<16x5x128xi32, #tpu.memory_space<hbm>> -> memref<1x5x128xi32, #tpu.memory_space<hbm>>
      %dma_start3A_125 = tpu.memref_squeeze %dma_start3A_124 : memref<1x5x128xi32, #tpu.memory_space<hbm>> -> memref<5x128xi32, #tpu.memory_space<hbm>>
      %dma_start3A_126 = arith.constant 0 : i32
      %dma_start3A_127 = arith.constant 0 : i32
      %dma_start3A_128 = tpu.memref_slice %arg3[%arg1, %dma_start3A_126, %dma_start3A_127] : memref<16x5x128xi32, #tpu.memory_space<hbm>> -> memref<1x5x128xi32, #tpu.memory_space<hbm>>
      %dma_start3A_129 = tpu.memref_squeeze %dma_start3A_128 : memref<1x5x128xi32, #tpu.memory_space<hbm>> -> memref<5x128xi32, #tpu.memory_space<hbm>>
      tpu.enqueue_dma source(%dma_start3A_129 : memref<5x128xi32, #tpu.memory_space<hbm>>) target(%arg6 : memref<5x128xi32, #tpu.memory_space<vmem>>) target_semaphore(%run_scoped3A_121 : memref<!tpu.dma_semaphore, #tpu.memory_space<semaphore_mem>>)
      %dma_wait3A_130 = arith.constant 0 : i32
      %dma_wait3A_131 = arith.constant 0 : i32
      %dma_wait3A_132 = tpu.memref_slice %arg3[%arg1, %dma_wait3A_130, %dma_wait3A_131] : memref<16x5x128xi32, #tpu.memory_space<hbm>> -> memref<1x5x128xi32, #tpu.memory_space<hbm>>
      %dma_wait3A_133 = tpu.memref_squeeze %dma_wait3A_132 : memref<1x5x128xi32, #tpu.memory_space<hbm>> -> memref<5x128xi32, #tpu.memory_space<hbm>>
      %dma_wait3A_134 = arith.constant 0 : i32
      %dma_wait3A_135 = arith.constant 0 : i32
      %dma_wait3A_136 = tpu.memref_slice %arg3[%arg1, %dma_wait3A_134, %dma_wait3A_135] : memref<16x5x128xi32, #tpu.memory_space<hbm>> -> memref<1x5x128xi32, #tpu.memory_space<hbm>>
      %dma_wait3A_137 = tpu.memref_squeeze %dma_wait3A_136 : memref<1x5x128xi32, #tpu.memory_space<hbm>> -> memref<5x128xi32, #tpu.memory_space<hbm>>
      tpu.wait_dma2 semaphore(%run_scoped3A_121 : memref<!tpu.dma_semaphore, #tpu.memory_space<semaphore_mem>>) src(%dma_wait3A_137 : memref<5x128xi32, #tpu.memory_space<hbm>>) dst(%arg6 : memref<5x128xi32, #tpu.memory_space<vmem>>)
      tpu.yield
    }) : () -> ()
    %run_scoped3A = arith.constant 0 : i32
    "tpu.region"() ({
      %run_scoped3A_121 = tpu.sem_alloc : memref<!tpu.dma_semaphore, #tpu.memory_space<semaphore_mem>>
      %dma_start3A_122 = arith.constant 0 : i32
      %dma_start3A_123 = tpu.memref_slice %arg6[%run_scoped3A, %dma_start3A_122] : memref<5x128xi32, #tpu.memory_space<vmem>> -> memref<1x128xi32, #tpu.memory_space<vmem>>
      %dma_start3A_124 = tpu.memref_squeeze %dma_start3A_123 : memref<1x128xi32, #tpu.memory_space<vmem>> -> memref<128xi32, #tpu.memory_space<vmem>>
      %dma_start3A_125 = arith.constant 0 : i32
      %dma_start3A_126 = arith.constant 0 : i32
      %dma_start3A_127 = tpu.memref_slice %arg9[%dma_start3A_125, %dma_start3A_126] : memref<10240x128xf32, #tpu.memory_space<vmem_shared>> -> memref<10240x128xf32, #tpu.memory_space<vmem_shared>>
      tpu.enqueue_indirect_dma source(%arg8 : memref<128x128xf32, #tpu.memory_space<vmem>>) target(%dma_start3A_127 : memref<10240x128xf32, #tpu.memory_space<vmem_shared>>) offsets(%dma_start3A_124 : memref<128xi32, #tpu.memory_space<vmem>>) semaphore(%run_scoped3A_121 : memref<!tpu.dma_semaphore, #tpu.memory_space<semaphore_mem>>)
      %dma_wait3A_128 = arith.constant 0 : i32
      %dma_wait3A_129 = tpu.memref_slice %arg6[%run_scoped3A, %dma_wait3A_128] : memref<5x128xi32, #tpu.memory_space<vmem>> -> memref<1x128xi32, #tpu.memory_space<vmem>>
      %dma_wait3A_130 = tpu.memref_squeeze %dma_wait3A_129 : memref<1x128xi32, #tpu.memory_space<vmem>> -> memref<128xi32, #tpu.memory_space<vmem>>
      %dma_wait3A_131 = arith.constant 0 : i32
      %dma_wait3A_132 = arith.constant 0 : i32
      %dma_wait3A_133 = tpu.memref_slice %arg9[%dma_wait3A_131, %dma_wait3A_132] : memref<10240x128xf32, #tpu.memory_space<vmem_shared>> -> memref<10240x128xf32, #tpu.memory_space<vmem_shared>>
      tpu.wait_indirect_dma semaphore(%run_scoped3A_121 : memref<!tpu.dma_semaphore, #tpu.memory_space<semaphore_mem>>) src(%arg8 : memref<128x128xf32, #tpu.memory_space<vmem>>) dst(%dma_wait3A_133 : memref<10240x128xf32, #tpu.memory_space<vmem_shared>>)
      tpu.yield
    }) : () -> ()
    %run_scoped3A_7 = arith.constant 1 : i32
    "tpu.region"() ({
      %run_scoped3A_121 = tpu.sem_alloc : memref<!tpu.dma_semaphore, #tpu.memory_space<semaphore_mem>>
      %dma_start3A_122 = arith.constant 0 : i32
      %dma_start3A_123 = tpu.memref_slice %arg6[%run_scoped3A_7, %dma_start3A_122] : memref<5x128xi32, #tpu.memory_space<vmem>> -> memref<1x128xi32, #tpu.memory_space<vmem>>
      %dma_start3A_124 = tpu.memref_squeeze %dma_start3A_123 : memref<1x128xi32, #tpu.memory_space<vmem>> -> memref<128xi32, #tpu.memory_space<vmem>>
      %dma_start3A_125 = arith.constant 0 : i32
      %dma_start3A_126 = arith.constant 0 : i32
      %dma_start3A_127 = tpu.memref_slice %arg9[%dma_start3A_125, %dma_start3A_126] : memref<10240x128xf32, #tpu.memory_space<vmem_shared>> -> memref<10240x128xf32, #tpu.memory_space<vmem_shared>>
      tpu.enqueue_indirect_dma source(%arg8 : memref<128x128xf32, #tpu.memory_space<vmem>>) target(%dma_start3A_127 : memref<10240x128xf32, #tpu.memory_space<vmem_shared>>) offsets(%dma_start3A_124 : memref<128xi32, #tpu.memory_space<vmem>>) semaphore(%run_scoped3A_121 : memref<!tpu.dma_semaphore, #tpu.memory_space<semaphore_mem>>)
      %dma_wait3A_128 = arith.constant 0 : i32
      %dma_wait3A_129 = tpu.memref_slice %arg6[%run_scoped3A_7, %dma_wait3A_128] : memref<5x128xi32, #tpu.memory_space<vmem>> -> memref<1x128xi32, #tpu.memory_space<vmem>>
      %dma_wait3A_130 = tpu.memref_squeeze %dma_wait3A_129 : memref<1x128xi32, #tpu.memory_space<vmem>> -> memref<128xi32, #tpu.memory_space<vmem>>
      %dma_wait3A_131 = arith.constant 0 : i32
      %dma_wait3A_132 = arith.constant 0 : i32
      %dma_wait3A_133 = tpu.memref_slice %arg9[%dma_wait3A_131, %dma_wait3A_132] : memref<10240x128xf32, #tpu.memory_space<vmem_shared>> -> memref<10240x128xf32, #tpu.memory_space<vmem_shared>>
      tpu.wait_indirect_dma semaphore(%run_scoped3A_121 : memref<!tpu.dma_semaphore, #tpu.memory_space<semaphore_mem>>) src(%arg8 : memref<128x128xf32, #tpu.memory_space<vmem>>) dst(%dma_wait3A_133 : memref<10240x128xf32, #tpu.memory_space<vmem_shared>>)
      tpu.yield
    }) : () -> ()
    %run_scoped3A_8 = arith.constant 2 : i32
    "tpu.region"() ({
      %run_scoped3A_121 = tpu.sem_alloc : memref<!tpu.dma_semaphore, #tpu.memory_space<semaphore_mem>>
      %dma_start3A_122 = arith.constant 0 : i32
      %dma_start3A_123 = tpu.memref_slice %arg6[%run_scoped3A_8, %dma_start3A_122] : memref<5x128xi32, #tpu.memory_space<vmem>> -> memref<1x128xi32, #tpu.memory_space<vmem>>
      %dma_start3A_124 = tpu.memref_squeeze %dma_start3A_123 : memref<1x128xi32, #tpu.memory_space<vmem>> -> memref<128xi32, #tpu.memory_space<vmem>>
      %dma_start3A_125 = arith.constant 0 : i32
      %dma_start3A_126 = arith.constant 0 : i32
      %dma_start3A_127 = tpu.memref_slice %arg9[%dma_start3A_125, %dma_start3A_126] : memref<10240x128xf32, #tpu.memory_space<vmem_shared>> -> memref<10240x128xf32, #tpu.memory_space<vmem_shared>>
      tpu.enqueue_indirect_dma source(%arg8 : memref<128x128xf32, #tpu.memory_space<vmem>>) target(%dma_start3A_127 : memref<10240x128xf32, #tpu.memory_space<vmem_shared>>) offsets(%dma_start3A_124 : memref<128xi32, #tpu.memory_space<vmem>>) semaphore(%run_scoped3A_121 : memref<!tpu.dma_semaphore, #tpu.memory_space<semaphore_mem>>)
      %dma_wait3A_128 = arith.constant 0 : i32
      %dma_wait3A_129 = tpu.memref_slice %arg6[%run_scoped3A_8, %dma_wait3A_128] : memref<5x128xi32, #tpu.memory_space<vmem>> -> memref<1x128xi32, #tpu.memory_space<vmem>>
      %dma_wait3A_130 = tpu.memref_squeeze %dma_wait3A_129 : memref<1x128xi32, #tpu.memory_space<vmem>> -> memref<128xi32, #tpu.memory_space<vmem>>
      %dma_wait3A_131 = arith.constant 0 : i32
      %dma_wait3A_132 = arith.constant 0 : i32
      %dma_wait3A_133 = tpu.memref_slice %arg9[%dma_wait3A_131, %dma_wait3A_132] : memref<10240x128xf32, #tpu.memory_space<vmem_shared>> -> memref<10240x128xf32, #tpu.memory_space<vmem_shared>>
      tpu.wait_indirect_dma semaphore(%run_scoped3A_121 : memref<!tpu.dma_semaphore, #tpu.memory_space<semaphore_mem>>) src(%arg8 : memref<128x128xf32, #tpu.memory_space<vmem>>) dst(%dma_wait3A_133 : memref<10240x128xf32, #tpu.memory_space<vmem_shared>>)
      tpu.yield
    }) : () -> ()
    %run_scoped3A_9 = arith.constant 3 : i32
    "tpu.region"() ({
      %run_scoped3A_121 = tpu.sem_alloc : memref<!tpu.dma_semaphore, #tpu.memory_space<semaphore_mem>>
      %dma_start3A_122 = arith.constant 0 : i32
      %dma_start3A_123 = tpu.memref_slice %arg6[%run_scoped3A_9, %dma_start3A_122] : memref<5x128xi32, #tpu.memory_space<vmem>> -> memref<1x128xi32, #tpu.memory_space<vmem>>
      %dma_start3A_124 = tpu.memref_squeeze %dma_start3A_123 : memref<1x128xi32, #tpu.memory_space<vmem>> -> memref<128xi32, #tpu.memory_space<vmem>>
      %dma_start3A_125 = arith.constant 0 : i32
      %dma_start3A_126 = arith.constant 0 : i32
      %dma_start3A_127 = tpu.memref_slice %arg9[%dma_start3A_125, %dma_start3A_126] : memref<10240x128xf32, #tpu.memory_space<vmem_shared>> -> memref<10240x128xf32, #tpu.memory_space<vmem_shared>>
      tpu.enqueue_indirect_dma source(%arg8 : memref<128x128xf32, #tpu.memory_space<vmem>>) target(%dma_start3A_127 : memref<10240x128xf32, #tpu.memory_space<vmem_shared>>) offsets(%dma_start3A_124 : memref<128xi32, #tpu.memory_space<vmem>>) semaphore(%run_scoped3A_121 : memref<!tpu.dma_semaphore, #tpu.memory_space<semaphore_mem>>)
      %dma_wait3A_128 = arith.constant 0 : i32
      %dma_wait3A_129 = tpu.memref_slice %arg6[%run_scoped3A_9, %dma_wait3A_128] : memref<5x128xi32, #tpu.memory_space<vmem>> -> memref<1x128xi32, #tpu.memory_space<vmem>>
      %dma_wait3A_130 = tpu.memref_squeeze %dma_wait3A_129 : memref<1x128xi32, #tpu.memory_space<vmem>> -> memref<128xi32, #tpu.memory_space<vmem>>
      %dma_wait3A_131 = arith.constant 0 : i32
      %dma_wait3A_132 = arith.constant 0 : i32
      %dma_wait3A_133 = tpu.memref_slice %arg9[%dma_wait3A_131, %dma_wait3A_132] : memref<10240x128xf32, #tpu.memory_space<vmem_shared>> -> memref<10240x128xf32, #tpu.memory_space<vmem_shared>>
      tpu.wait_indirect_dma semaphore(%run_scoped3A_121 : memref<!tpu.dma_semaphore, #tpu.memory_space<semaphore_mem>>) src(%arg8 : memref<128x128xf32, #tpu.memory_space<vmem>>) dst(%dma_wait3A_133 : memref<10240x128xf32, #tpu.memory_space<vmem_shared>>)
      tpu.yield
    }) : () -> ()
    %run_scoped3A_10 = arith.constant 4 : i32
    "tpu.region"() ({
      %run_scoped3A_121 = tpu.sem_alloc : memref<!tpu.dma_semaphore, #tpu.memory_space<semaphore_mem>>
      %dma_start3A_122 = arith.constant 0 : i32
      %dma_start3A_123 = tpu.memref_slice %arg6[%run_scoped3A_10, %dma_start3A_122] : memref<5x128xi32, #tpu.memory_space<vmem>> -> memref<1x128xi32, #tpu.memory_space<vmem>>
      %dma_start3A_124 = tpu.memref_squeeze %dma_start3A_123 : memref<1x128xi32, #tpu.memory_space<vmem>> -> memref<128xi32, #tpu.memory_space<vmem>>
      %dma_start3A_125 = arith.constant 0 : i32
      %dma_start3A_126 = arith.constant 0 : i32
      %dma_start3A_127 = tpu.memref_slice %arg9[%dma_start3A_125, %dma_start3A_126] : memref<10240x128xf32, #tpu.memory_space<vmem_shared>> -> memref<10240x128xf32, #tpu.memory_space<vmem_shared>>
      tpu.enqueue_indirect_dma source(%arg8 : memref<128x128xf32, #tpu.memory_space<vmem>>) target(%dma_start3A_127 : memref<10240x128xf32, #tpu.memory_space<vmem_shared>>) offsets(%dma_start3A_124 : memref<128xi32, #tpu.memory_space<vmem>>) semaphore(%run_scoped3A_121 : memref<!tpu.dma_semaphore, #tpu.memory_space<semaphore_mem>>)
      %dma_wait3A_128 = arith.constant 0 : i32
      %dma_wait3A_129 = tpu.memref_slice %arg6[%run_scoped3A_10, %dma_wait3A_128] : memref<5x128xi32, #tpu.memory_space<vmem>> -> memref<1x128xi32, #tpu.memory_space<vmem>>
      %dma_wait3A_130 = tpu.memref_squeeze %dma_wait3A_129 : memref<1x128xi32, #tpu.memory_space<vmem>> -> memref<128xi32, #tpu.memory_space<vmem>>
      %dma_wait3A_131 = arith.constant 0 : i32
      %dma_wait3A_132 = arith.constant 0 : i32
      %dma_wait3A_133 = tpu.memref_slice %arg9[%dma_wait3A_131, %dma_wait3A_132] : memref<10240x128xf32, #tpu.memory_space<vmem_shared>> -> memref<10240x128xf32, #tpu.memory_space<vmem_shared>>
      tpu.wait_indirect_dma semaphore(%run_scoped3A_121 : memref<!tpu.dma_semaphore, #tpu.memory_space<semaphore_mem>>) src(%arg8 : memref<128x128xf32, #tpu.memory_space<vmem>>) dst(%dma_wait3A_133 : memref<10240x128xf32, #tpu.memory_space<vmem_shared>>)
      tpu.yield
    }) : () -> ()
    "tpu.region"() ({
      %run_scoped3A_121 = tpu.sem_alloc : memref<!tpu.dma_semaphore, #tpu.memory_space<semaphore_mem>>
      %dma_start3A_122 = arith.constant 0 : i32
      %dma_start3A_123 = arith.constant 0 : i32
      %dma_start3A_124 = tpu.memref_slice %arg2[%add3A, %dma_start3A_122, %dma_start3A_123] : memref<32x79x128xi32, #tpu.memory_space<hbm>> -> memref<1x79x128xi32, #tpu.memory_space<hbm>>
      %dma_start3A_125 = tpu.memref_squeeze %dma_start3A_124 : memref<1x79x128xi32, #tpu.memory_space<hbm>> -> memref<79x128xi32, #tpu.memory_space<hbm>>
      %dma_start3A_126 = arith.constant 0 : i32
      %dma_start3A_127 = arith.constant 0 : i32
      %dma_start3A_128 = tpu.memref_slice %arg2[%add3A, %dma_start3A_126, %dma_start3A_127] : memref<32x79x128xi32, #tpu.memory_space<hbm>> -> memref<1x79x128xi32, #tpu.memory_space<hbm>>
      %dma_start3A_129 = tpu.memref_squeeze %dma_start3A_128 : memref<1x79x128xi32, #tpu.memory_space<hbm>> -> memref<79x128xi32, #tpu.memory_space<hbm>>
      tpu.enqueue_dma source(%dma_start3A_129 : memref<79x128xi32, #tpu.memory_space<hbm>>) target(%arg5 : memref<79x128xi32, #tpu.memory_space<vmem>>) target_semaphore(%run_scoped3A_121 : memref<!tpu.dma_semaphore, #tpu.memory_space<semaphore_mem>>)
      %dma_wait3A_130 = arith.constant 0 : i32
      %dma_wait3A_131 = arith.constant 0 : i32
      %dma_wait3A_132 = tpu.memref_slice %arg2[%add3A, %dma_wait3A_130, %dma_wait3A_131] : memref<32x79x128xi32, #tpu.memory_space<hbm>> -> memref<1x79x128xi32, #tpu.memory_space<hbm>>
      %dma_wait3A_133 = tpu.memref_squeeze %dma_wait3A_132 : memref<1x79x128xi32, #tpu.memory_space<hbm>> -> memref<79x128xi32, #tpu.memory_space<hbm>>
      %dma_wait3A_134 = arith.constant 0 : i32
      %dma_wait3A_135 = arith.constant 0 : i32
      %dma_wait3A_136 = tpu.memref_slice %arg2[%add3A, %dma_wait3A_134, %dma_wait3A_135] : memref<32x79x128xi32, #tpu.memory_space<hbm>> -> memref<1x79x128xi32, #tpu.memory_space<hbm>>
      %dma_wait3A_137 = tpu.memref_squeeze %dma_wait3A_136 : memref<1x79x128xi32, #tpu.memory_space<hbm>> -> memref<79x128xi32, #tpu.memory_space<hbm>>
      tpu.wait_dma2 semaphore(%run_scoped3A_121 : memref<!tpu.dma_semaphore, #tpu.memory_space<semaphore_mem>>) src(%dma_wait3A_137 : memref<79x128xi32, #tpu.memory_space<hbm>>) dst(%arg5 : memref<79x128xi32, #tpu.memory_space<vmem>>)
      tpu.yield
    }) : () -> ()
    %barrier3A = arith.constant 0 : index
    tpu.barrier barrier_id(%barrier3A)
    %scan3A_11 = arith.constant 0 : i32
    %scan3A_12 = arith.constant 0 : i32
    %scan3A_13 = arith.constant 79 : i32
    %scan3A_14 = arith.addi %scan3A_12, %scan3A_13 : i32
    %scan3A_15 = arith.constant 1 : i32
    scf.for %scan3A_121 = %scan3A_12 to %scan3A_14 step %scan3A_15  : i32 {
      "tpu.region"() ({
        %run_scoped3A_122 = tpu.sem_alloc : memref<!tpu.dma_semaphore, #tpu.memory_space<semaphore_mem>>
        %dma_start3A_123 = arith.constant 0 : i32
        %dma_start3A_124 = tpu.memref_slice %arg5[%scan3A_121, %dma_start3A_123] : memref<79x128xi32, #tpu.memory_space<vmem>> -> memref<1x128xi32, #tpu.memory_space<vmem>>
        %dma_start3A_125 = tpu.memref_squeeze %dma_start3A_124 : memref<1x128xi32, #tpu.memory_space<vmem>> -> memref<128xi32, #tpu.memory_space<vmem>>
        %dma_start3A_126 = arith.constant 0 : i32
        %dma_start3A_127 = arith.constant 0 : i32
        %dma_start3A_128 = tpu.memref_slice %arg9[%dma_start3A_126, %dma_start3A_127] : memref<10240x128xf32, #tpu.memory_space<vmem_shared>> -> memref<10240x128xf32, #tpu.memory_space<vmem_shared>>
        tpu.enqueue_indirect_dma source(%arg7 : memref<128x128xf32, #tpu.memory_space<vmem>>) target(%dma_start3A_128 : memref<10240x128xf32, #tpu.memory_space<vmem_shared>>) offsets(%dma_start3A_125 : memref<128xi32, #tpu.memory_space<vmem>>) semaphore(%run_scoped3A_122 : memref<!tpu.dma_semaphore, #tpu.memory_space<semaphore_mem>>) {add = true}
        %dma_wait3A_129 = arith.constant 0 : i32
        %dma_wait3A_130 = tpu.memref_slice %arg5[%scan3A_121, %dma_wait3A_129] : memref<79x128xi32, #tpu.memory_space<vmem>> -> memref<1x128xi32, #tpu.memory_space<vmem>>
        %dma_wait3A_131 = tpu.memref_squeeze %dma_wait3A_130 : memref<1x128xi32, #tpu.memory_space<vmem>> -> memref<128xi32, #tpu.memory_space<vmem>>
        %dma_wait3A_132 = arith.constant 0 : i32
        %dma_wait3A_133 = arith.constant 0 : i32
        %dma_wait3A_134 = tpu.memref_slice %arg9[%dma_wait3A_132, %dma_wait3A_133] : memref<10240x128xf32, #tpu.memory_space<vmem_shared>> -> memref<10240x128xf32, #tpu.memory_space<vmem_shared>>
        tpu.wait_indirect_dma semaphore(%run_scoped3A_122 : memref<!tpu.dma_semaphore, #tpu.memory_space<semaphore_mem>>) src(%arg7 : memref<128x128xf32, #tpu.memory_space<vmem>>) dst(%dma_wait3A_134 : memref<10240x128xf32, #tpu.memory_space<vmem_shared>>)
        tpu.yield
      }) : () -> ()
    }
    %scan3A_16 = arith.constant 79 : i32
    %barrier3A_17 = arith.constant 0 : index
    tpu.barrier barrier_id(%barrier3A_17)
    %dma_start3A = arith.constant 0 : i32
    %dma_start3A_18 = arith.constant 0 : i32
    %dma_start3A_19 = tpu.memref_slice %arg6[%dma_start3A, %dma_start3A_18] : memref<5x128xi32, #tpu.memory_space<vmem>> -> memref<1x128xi32, #tpu.memory_space<vmem>>
    %dma_start3A_20 = tpu.memref_squeeze %dma_start3A_19 : memref<1x128xi32, #tpu.memory_space<vmem>> -> memref<128xi32, #tpu.memory_space<vmem>>
    %dma_start3A_21 = arith.constant 0 : i32
    %dma_start3A_22 = arith.constant 0 : i32
    %dma_start3A_23 = tpu.memref_slice %arg9[%dma_start3A_21, %dma_start3A_22] : memref<10240x128xf32, #tpu.memory_space<vmem_shared>> -> memref<10240x128xf32, #tpu.memory_space<vmem_shared>>
    tpu.enqueue_indirect_dma source(%dma_start3A_23 : memref<10240x128xf32, #tpu.memory_space<vmem_shared>>) target(%arg8 : memref<128x128xf32, #tpu.memory_space<vmem>>) offsets(%dma_start3A_20 : memref<128xi32, #tpu.memory_space<vmem>>) semaphore(%arg10 : memref<!tpu.dma_semaphore, #tpu.memory_space<semaphore_mem>>)
    %dma_wait3A = arith.constant 0 : i32
    %dma_wait3A_24 = arith.constant 0 : i32
    %dma_wait3A_25 = tpu.memref_slice %arg6[%dma_wait3A, %dma_wait3A_24] : memref<5x128xi32, #tpu.memory_space<vmem>> -> memref<1x128xi32, #tpu.memory_space<vmem>>
    %dma_wait3A_26 = tpu.memref_squeeze %dma_wait3A_25 : memref<1x128xi32, #tpu.memory_space<vmem>> -> memref<128xi32, #tpu.memory_space<vmem>>
    %dma_wait3A_27 = arith.constant 0 : i32
    %dma_wait3A_28 = arith.constant 0 : i32
    %dma_wait3A_29 = tpu.memref_slice %arg9[%dma_wait3A_27, %dma_wait3A_28] : memref<10240x128xf32, #tpu.memory_space<vmem_shared>> -> memref<10240x128xf32, #tpu.memory_space<vmem_shared>>
    tpu.wait_indirect_dma semaphore(%arg10 : memref<!tpu.dma_semaphore, #tpu.memory_space<semaphore_mem>>) src(%dma_wait3A_29 : memref<10240x128xf32, #tpu.memory_space<vmem_shared>>) dst(%arg8 : memref<128x128xf32, #tpu.memory_space<vmem>>)
    %mul3A_30 = arith.constant 10240 : i32
    %mul3A_31 = arith.muli %arg0, %mul3A_30 : i32
    %mul3A_32 = arith.constant 640 : i32
    %mul3A_33 = arith.muli %arg1, %mul3A_32 : i32
    %add3A_34 = arith.addi %mul3A_31, %mul3A_33 : i32
    %add3A_35 = arith.constant 0 : i32
    %add3A_36 = arith.addi %add3A_34, %add3A_35 : i32
    "tpu.region"() ({
      %run_scoped3A_121 = tpu.sem_alloc : memref<!tpu.dma_semaphore, #tpu.memory_space<semaphore_mem>>
      %dma_start3A_122 = arith.constant 0 : i32
      %dma_start3A_123 = tpu.memref_slice %arg4[%add3A_36, %dma_start3A_122] : memref<20480x128xf32, #tpu.memory_space<hbm>> -> memref<128x128xf32, #tpu.memory_space<hbm>>
      %dma_start3A_124 = arith.constant 0 : i32
      %dma_start3A_125 = tpu.memref_slice %arg4[%add3A_36, %dma_start3A_124] : memref<20480x128xf32, #tpu.memory_space<hbm>> -> memref<128x128xf32, #tpu.memory_space<hbm>>
      tpu.enqueue_dma source(%arg8 : memref<128x128xf32, #tpu.memory_space<vmem>>) target(%dma_start3A_125 : memref<128x128xf32, #tpu.memory_space<hbm>>) target_semaphore(%run_scoped3A_121 : memref<!tpu.dma_semaphore, #tpu.memory_space<semaphore_mem>>)
      %dma_wait3A_126 = arith.constant 0 : i32
      %dma_wait3A_127 = tpu.memref_slice %arg4[%add3A_36, %dma_wait3A_126] : memref<20480x128xf32, #tpu.memory_space<hbm>> -> memref<128x128xf32, #tpu.memory_space<hbm>>
      %dma_wait3A_128 = arith.constant 0 : i32
      %dma_wait3A_129 = tpu.memref_slice %arg4[%add3A_36, %dma_wait3A_128] : memref<20480x128xf32, #tpu.memory_space<hbm>> -> memref<128x128xf32, #tpu.memory_space<hbm>>
      tpu.wait_dma2 semaphore(%run_scoped3A_121 : memref<!tpu.dma_semaphore, #tpu.memory_space<semaphore_mem>>) src(%arg8 : memref<128x128xf32, #tpu.memory_space<vmem>>) dst(%dma_wait3A_129 : memref<128x128xf32, #tpu.memory_space<hbm>>)
      tpu.yield
    }) : () -> ()
    %dma_start3A_37 = arith.constant 1 : i32
    %dma_start3A_38 = arith.constant 0 : i32
    %dma_start3A_39 = tpu.memref_slice %arg6[%dma_start3A_37, %dma_start3A_38] : memref<5x128xi32, #tpu.memory_space<vmem>> -> memref<1x128xi32, #tpu.memory_space<vmem>>
    %dma_start3A_40 = tpu.memref_squeeze %dma_start3A_39 : memref<1x128xi32, #tpu.memory_space<vmem>> -> memref<128xi32, #tpu.memory_space<vmem>>
    %dma_start3A_41 = arith.constant 0 : i32
    %dma_start3A_42 = arith.constant 0 : i32
    %dma_start3A_43 = tpu.memref_slice %arg9[%dma_start3A_41, %dma_start3A_42] : memref<10240x128xf32, #tpu.memory_space<vmem_shared>> -> memref<10240x128xf32, #tpu.memory_space<vmem_shared>>
    tpu.enqueue_indirect_dma source(%dma_start3A_43 : memref<10240x128xf32, #tpu.memory_space<vmem_shared>>) target(%arg8 : memref<128x128xf32, #tpu.memory_space<vmem>>) offsets(%dma_start3A_40 : memref<128xi32, #tpu.memory_space<vmem>>) semaphore(%arg10 : memref<!tpu.dma_semaphore, #tpu.memory_space<semaphore_mem>>)
    %dma_wait3A_44 = arith.constant 1 : i32
    %dma_wait3A_45 = arith.constant 0 : i32
    %dma_wait3A_46 = tpu.memref_slice %arg6[%dma_wait3A_44, %dma_wait3A_45] : memref<5x128xi32, #tpu.memory_space<vmem>> -> memref<1x128xi32, #tpu.memory_space<vmem>>
    %dma_wait3A_47 = tpu.memref_squeeze %dma_wait3A_46 : memref<1x128xi32, #tpu.memory_space<vmem>> -> memref<128xi32, #tpu.memory_space<vmem>>
    %dma_wait3A_48 = arith.constant 0 : i32
    %dma_wait3A_49 = arith.constant 0 : i32
    %dma_wait3A_50 = tpu.memref_slice %arg9[%dma_wait3A_48, %dma_wait3A_49] : memref<10240x128xf32, #tpu.memory_space<vmem_shared>> -> memref<10240x128xf32, #tpu.memory_space<vmem_shared>>
    tpu.wait_indirect_dma semaphore(%arg10 : memref<!tpu.dma_semaphore, #tpu.memory_space<semaphore_mem>>) src(%dma_wait3A_50 : memref<10240x128xf32, #tpu.memory_space<vmem_shared>>) dst(%arg8 : memref<128x128xf32, #tpu.memory_space<vmem>>)
    %mul3A_51 = arith.constant 10240 : i32
    %mul3A_52 = arith.muli %arg0, %mul3A_51 : i32
    %mul3A_53 = arith.constant 640 : i32
    %mul3A_54 = arith.muli %arg1, %mul3A_53 : i32
    %add3A_55 = arith.addi %mul3A_52, %mul3A_54 : i32
    %add3A_56 = arith.constant 128 : i32
    %add3A_57 = arith.addi %add3A_55, %add3A_56 : i32
    "tpu.region"() ({
      %run_scoped3A_121 = tpu.sem_alloc : memref<!tpu.dma_semaphore, #tpu.memory_space<semaphore_mem>>
      %dma_start3A_122 = arith.constant 0 : i32
      %dma_start3A_123 = tpu.memref_slice %arg4[%add3A_57, %dma_start3A_122] : memref<20480x128xf32, #tpu.memory_space<hbm>> -> memref<128x128xf32, #tpu.memory_space<hbm>>
      %dma_start3A_124 = arith.constant 0 : i32
      %dma_start3A_125 = tpu.memref_slice %arg4[%add3A_57, %dma_start3A_124] : memref<20480x128xf32, #tpu.memory_space<hbm>> -> memref<128x128xf32, #tpu.memory_space<hbm>>
      tpu.enqueue_dma source(%arg8 : memref<128x128xf32, #tpu.memory_space<vmem>>) target(%dma_start3A_125 : memref<128x128xf32, #tpu.memory_space<hbm>>) target_semaphore(%run_scoped3A_121 : memref<!tpu.dma_semaphore, #tpu.memory_space<semaphore_mem>>)
      %dma_wait3A_126 = arith.constant 0 : i32
      %dma_wait3A_127 = tpu.memref_slice %arg4[%add3A_57, %dma_wait3A_126] : memref<20480x128xf32, #tpu.memory_space<hbm>> -> memref<128x128xf32, #tpu.memory_space<hbm>>
      %dma_wait3A_128 = arith.constant 0 : i32
      %dma_wait3A_129 = tpu.memref_slice %arg4[%add3A_57, %dma_wait3A_128] : memref<20480x128xf32, #tpu.memory_space<hbm>> -> memref<128x128xf32, #tpu.memory_space<hbm>>
      tpu.wait_dma2 semaphore(%run_scoped3A_121 : memref<!tpu.dma_semaphore, #tpu.memory_space<semaphore_mem>>) src(%arg8 : memref<128x128xf32, #tpu.memory_space<vmem>>) dst(%dma_wait3A_129 : memref<128x128xf32, #tpu.memory_space<hbm>>)
      tpu.yield
    }) : () -> ()
    %dma_start3A_58 = arith.constant 2 : i32
    %dma_start3A_59 = arith.constant 0 : i32
    %dma_start3A_60 = tpu.memref_slice %arg6[%dma_start3A_58, %dma_start3A_59] : memref<5x128xi32, #tpu.memory_space<vmem>> -> memref<1x128xi32, #tpu.memory_space<vmem>>
    %dma_start3A_61 = tpu.memref_squeeze %dma_start3A_60 : memref<1x128xi32, #tpu.memory_space<vmem>> -> memref<128xi32, #tpu.memory_space<vmem>>
    %dma_start3A_62 = arith.constant 0 : i32
    %dma_start3A_63 = arith.constant 0 : i32
    %dma_start3A_64 = tpu.memref_slice %arg9[%dma_start3A_62, %dma_start3A_63] : memref<10240x128xf32, #tpu.memory_space<vmem_shared>> -> memref<10240x128xf32, #tpu.memory_space<vmem_shared>>
    tpu.enqueue_indirect_dma source(%dma_start3A_64 : memref<10240x128xf32, #tpu.memory_space<vmem_shared>>) target(%arg8 : memref<128x128xf32, #tpu.memory_space<vmem>>) offsets(%dma_start3A_61 : memref<128xi32, #tpu.memory_space<vmem>>) semaphore(%arg10 : memref<!tpu.dma_semaphore, #tpu.memory_space<semaphore_mem>>)
    %dma_wait3A_65 = arith.constant 2 : i32
    %dma_wait3A_66 = arith.constant 0 : i32
    %dma_wait3A_67 = tpu.memref_slice %arg6[%dma_wait3A_65, %dma_wait3A_66] : memref<5x128xi32, #tpu.memory_space<vmem>> -> memref<1x128xi32, #tpu.memory_space<vmem>>
    %dma_wait3A_68 = tpu.memref_squeeze %dma_wait3A_67 : memref<1x128xi32, #tpu.memory_space<vmem>> -> memref<128xi32, #tpu.memory_space<vmem>>
    %dma_wait3A_69 = arith.constant 0 : i32
    %dma_wait3A_70 = arith.constant 0 : i32
    %dma_wait3A_71 = tpu.memref_slice %arg9[%dma_wait3A_69, %dma_wait3A_70] : memref<10240x128xf32, #tpu.memory_space<vmem_shared>> -> memref<10240x128xf32, #tpu.memory_space<vmem_shared>>
    tpu.wait_indirect_dma semaphore(%arg10 : memref<!tpu.dma_semaphore, #tpu.memory_space<semaphore_mem>>) src(%dma_wait3A_71 : memref<10240x128xf32, #tpu.memory_space<vmem_shared>>) dst(%arg8 : memref<128x128xf32, #tpu.memory_space<vmem>>)
    %mul3A_72 = arith.constant 10240 : i32
    %mul3A_73 = arith.muli %arg0, %mul3A_72 : i32
    %mul3A_74 = arith.constant 640 : i32
    %mul3A_75 = arith.muli %arg1, %mul3A_74 : i32
    %add3A_76 = arith.addi %mul3A_73, %mul3A_75 : i32
    %add3A_77 = arith.constant 256 : i32
    %add3A_78 = arith.addi %add3A_76, %add3A_77 : i32
    "tpu.region"() ({
      %run_scoped3A_121 = tpu.sem_alloc : memref<!tpu.dma_semaphore, #tpu.memory_space<semaphore_mem>>
      %dma_start3A_122 = arith.constant 0 : i32
      %dma_start3A_123 = tpu.memref_slice %arg4[%add3A_78, %dma_start3A_122] : memref<20480x128xf32, #tpu.memory_space<hbm>> -> memref<128x128xf32, #tpu.memory_space<hbm>>
      %dma_start3A_124 = arith.constant 0 : i32
      %dma_start3A_125 = tpu.memref_slice %arg4[%add3A_78, %dma_start3A_124] : memref<20480x128xf32, #tpu.memory_space<hbm>> -> memref<128x128xf32, #tpu.memory_space<hbm>>
      tpu.enqueue_dma source(%arg8 : memref<128x128xf32, #tpu.memory_space<vmem>>) target(%dma_start3A_125 : memref<128x128xf32, #tpu.memory_space<hbm>>) target_semaphore(%run_scoped3A_121 : memref<!tpu.dma_semaphore, #tpu.memory_space<semaphore_mem>>)
      %dma_wait3A_126 = arith.constant 0 : i32
      %dma_wait3A_127 = tpu.memref_slice %arg4[%add3A_78, %dma_wait3A_126] : memref<20480x128xf32, #tpu.memory_space<hbm>> -> memref<128x128xf32, #tpu.memory_space<hbm>>
      %dma_wait3A_128 = arith.constant 0 : i32
      %dma_wait3A_129 = tpu.memref_slice %arg4[%add3A_78, %dma_wait3A_128] : memref<20480x128xf32, #tpu.memory_space<hbm>> -> memref<128x128xf32, #tpu.memory_space<hbm>>
      tpu.wait_dma2 semaphore(%run_scoped3A_121 : memref<!tpu.dma_semaphore, #tpu.memory_space<semaphore_mem>>) src(%arg8 : memref<128x128xf32, #tpu.memory_space<vmem>>) dst(%dma_wait3A_129 : memref<128x128xf32, #tpu.memory_space<hbm>>)
      tpu.yield
    }) : () -> ()
    %dma_start3A_79 = arith.constant 3 : i32
    %dma_start3A_80 = arith.constant 0 : i32
    %dma_start3A_81 = tpu.memref_slice %arg6[%dma_start3A_79, %dma_start3A_80] : memref<5x128xi32, #tpu.memory_space<vmem>> -> memref<1x128xi32, #tpu.memory_space<vmem>>
    %dma_start3A_82 = tpu.memref_squeeze %dma_start3A_81 : memref<1x128xi32, #tpu.memory_space<vmem>> -> memref<128xi32, #tpu.memory_space<vmem>>
    %dma_start3A_83 = arith.constant 0 : i32
    %dma_start3A_84 = arith.constant 0 : i32
    %dma_start3A_85 = tpu.memref_slice %arg9[%dma_start3A_83, %dma_start3A_84] : memref<10240x128xf32, #tpu.memory_space<vmem_shared>> -> memref<10240x128xf32, #tpu.memory_space<vmem_shared>>
    tpu.enqueue_indirect_dma source(%dma_start3A_85 : memref<10240x128xf32, #tpu.memory_space<vmem_shared>>) target(%arg8 : memref<128x128xf32, #tpu.memory_space<vmem>>) offsets(%dma_start3A_82 : memref<128xi32, #tpu.memory_space<vmem>>) semaphore(%arg10 : memref<!tpu.dma_semaphore, #tpu.memory_space<semaphore_mem>>)
    %dma_wait3A_86 = arith.constant 3 : i32
    %dma_wait3A_87 = arith.constant 0 : i32
    %dma_wait3A_88 = tpu.memref_slice %arg6[%dma_wait3A_86, %dma_wait3A_87] : memref<5x128xi32, #tpu.memory_space<vmem>> -> memref<1x128xi32, #tpu.memory_space<vmem>>
    %dma_wait3A_89 = tpu.memref_squeeze %dma_wait3A_88 : memref<1x128xi32, #tpu.memory_space<vmem>> -> memref<128xi32, #tpu.memory_space<vmem>>
    %dma_wait3A_90 = arith.constant 0 : i32
    %dma_wait3A_91 = arith.constant 0 : i32
    %dma_wait3A_92 = tpu.memref_slice %arg9[%dma_wait3A_90, %dma_wait3A_91] : memref<10240x128xf32, #tpu.memory_space<vmem_shared>> -> memref<10240x128xf32, #tpu.memory_space<vmem_shared>>
    tpu.wait_indirect_dma semaphore(%arg10 : memref<!tpu.dma_semaphore, #tpu.memory_space<semaphore_mem>>) src(%dma_wait3A_92 : memref<10240x128xf32, #tpu.memory_space<vmem_shared>>) dst(%arg8 : memref<128x128xf32, #tpu.memory_space<vmem>>)
    %mul3A_93 = arith.constant 10240 : i32
    %mul3A_94 = arith.muli %arg0, %mul3A_93 : i32
    %mul3A_95 = arith.constant 640 : i32
    %mul3A_96 = arith.muli %arg1, %mul3A_95 : i32
    %add3A_97 = arith.addi %mul3A_94, %mul3A_96 : i32
    %add3A_98 = arith.constant 384 : i32
    %add3A_99 = arith.addi %add3A_97, %add3A_98 : i32
    "tpu.region"() ({
      %run_scoped3A_121 = tpu.sem_alloc : memref<!tpu.dma_semaphore, #tpu.memory_space<semaphore_mem>>
      %dma_start3A_122 = arith.constant 0 : i32
      %dma_start3A_123 = tpu.memref_slice %arg4[%add3A_99, %dma_start3A_122] : memref<20480x128xf32, #tpu.memory_space<hbm>> -> memref<128x128xf32, #tpu.memory_space<hbm>>
      %dma_start3A_124 = arith.constant 0 : i32
      %dma_start3A_125 = tpu.memref_slice %arg4[%add3A_99, %dma_start3A_124] : memref<20480x128xf32, #tpu.memory_space<hbm>> -> memref<128x128xf32, #tpu.memory_space<hbm>>
      tpu.enqueue_dma source(%arg8 : memref<128x128xf32, #tpu.memory_space<vmem>>) target(%dma_start3A_125 : memref<128x128xf32, #tpu.memory_space<hbm>>) target_semaphore(%run_scoped3A_121 : memref<!tpu.dma_semaphore, #tpu.memory_space<semaphore_mem>>)
      %dma_wait3A_126 = arith.constant 0 : i32
      %dma_wait3A_127 = tpu.memref_slice %arg4[%add3A_99, %dma_wait3A_126] : memref<20480x128xf32, #tpu.memory_space<hbm>> -> memref<128x128xf32, #tpu.memory_space<hbm>>
      %dma_wait3A_128 = arith.constant 0 : i32
      %dma_wait3A_129 = tpu.memref_slice %arg4[%add3A_99, %dma_wait3A_128] : memref<20480x128xf32, #tpu.memory_space<hbm>> -> memref<128x128xf32, #tpu.memory_space<hbm>>
      tpu.wait_dma2 semaphore(%run_scoped3A_121 : memref<!tpu.dma_semaphore, #tpu.memory_space<semaphore_mem>>) src(%arg8 : memref<128x128xf32, #tpu.memory_space<vmem>>) dst(%dma_wait3A_129 : memref<128x128xf32, #tpu.memory_space<hbm>>)
      tpu.yield
    }) : () -> ()
    %dma_start3A_100 = arith.constant 4 : i32
    %dma_start3A_101 = arith.constant 0 : i32
    %dma_start3A_102 = tpu.memref_slice %arg6[%dma_start3A_100, %dma_start3A_101] : memref<5x128xi32, #tpu.memory_space<vmem>> -> memref<1x128xi32, #tpu.memory_space<vmem>>
    %dma_start3A_103 = tpu.memref_squeeze %dma_start3A_102 : memref<1x128xi32, #tpu.memory_space<vmem>> -> memref<128xi32, #tpu.memory_space<vmem>>
    %dma_start3A_104 = arith.constant 0 : i32
    %dma_start3A_105 = arith.constant 0 : i32
    %dma_start3A_106 = tpu.memref_slice %arg9[%dma_start3A_104, %dma_start3A_105] : memref<10240x128xf32, #tpu.memory_space<vmem_shared>> -> memref<10240x128xf32, #tpu.memory_space<vmem_shared>>
    tpu.enqueue_indirect_dma source(%dma_start3A_106 : memref<10240x128xf32, #tpu.memory_space<vmem_shared>>) target(%arg8 : memref<128x128xf32, #tpu.memory_space<vmem>>) offsets(%dma_start3A_103 : memref<128xi32, #tpu.memory_space<vmem>>) semaphore(%arg10 : memref<!tpu.dma_semaphore, #tpu.memory_space<semaphore_mem>>)
    %dma_wait3A_107 = arith.constant 4 : i32
    %dma_wait3A_108 = arith.constant 0 : i32
    %dma_wait3A_109 = tpu.memref_slice %arg6[%dma_wait3A_107, %dma_wait3A_108] : memref<5x128xi32, #tpu.memory_space<vmem>> -> memref<1x128xi32, #tpu.memory_space<vmem>>
    %dma_wait3A_110 = tpu.memref_squeeze %dma_wait3A_109 : memref<1x128xi32, #tpu.memory_space<vmem>> -> memref<128xi32, #tpu.memory_space<vmem>>
    %dma_wait3A_111 = arith.constant 0 : i32
    %dma_wait3A_112 = arith.constant 0 : i32
    %dma_wait3A_113 = tpu.memref_slice %arg9[%dma_wait3A_111, %dma_wait3A_112] : memref<10240x128xf32, #tpu.memory_space<vmem_shared>> -> memref<10240x128xf32, #tpu.memory_space<vmem_shared>>
    tpu.wait_indirect_dma semaphore(%arg10 : memref<!tpu.dma_semaphore, #tpu.memory_space<semaphore_mem>>) src(%dma_wait3A_113 : memref<10240x128xf32, #tpu.memory_space<vmem_shared>>) dst(%arg8 : memref<128x128xf32, #tpu.memory_space<vmem>>)
    %mul3A_114 = arith.constant 10240 : i32
    %mul3A_115 = arith.muli %arg0, %mul3A_114 : i32
    %mul3A_116 = arith.constant 640 : i32
    %mul3A_117 = arith.muli %arg1, %mul3A_116 : i32
    %add3A_118 = arith.addi %mul3A_115, %mul3A_117 : i32
    %add3A_119 = arith.constant 512 : i32
    %add3A_120 = arith.addi %add3A_118, %add3A_119 : i32
    "tpu.region"() ({
      %run_scoped3A_121 = tpu.sem_alloc : memref<!tpu.dma_semaphore, #tpu.memory_space<semaphore_mem>>
      %dma_start3A_122 = arith.constant 0 : i32
      %dma_start3A_123 = tpu.memref_slice %arg4[%add3A_120, %dma_start3A_122] : memref<20480x128xf32, #tpu.memory_space<hbm>> -> memref<128x128xf32, #tpu.memory_space<hbm>>
      %dma_start3A_124 = arith.constant 0 : i32
      %dma_start3A_125 = tpu.memref_slice %arg4[%add3A_120, %dma_start3A_124] : memref<20480x128xf32, #tpu.memory_space<hbm>> -> memref<128x128xf32, #tpu.memory_space<hbm>>
      tpu.enqueue_dma source(%arg8 : memref<128x128xf32, #tpu.memory_space<vmem>>) target(%dma_start3A_125 : memref<128x128xf32, #tpu.memory_space<hbm>>) target_semaphore(%run_scoped3A_121 : memref<!tpu.dma_semaphore, #tpu.memory_space<semaphore_mem>>)
      %dma_wait3A_126 = arith.constant 0 : i32
      %dma_wait3A_127 = tpu.memref_slice %arg4[%add3A_120, %dma_wait3A_126] : memref<20480x128xf32, #tpu.memory_space<hbm>> -> memref<128x128xf32, #tpu.memory_space<hbm>>
      %dma_wait3A_128 = arith.constant 0 : i32
      %dma_wait3A_129 = tpu.memref_slice %arg4[%add3A_120, %dma_wait3A_128] : memref<20480x128xf32, #tpu.memory_space<hbm>> -> memref<128x128xf32, #tpu.memory_space<hbm>>
      tpu.wait_dma2 semaphore(%run_scoped3A_121 : memref<!tpu.dma_semaphore, #tpu.memory_space<semaphore_mem>>) src(%arg8 : memref<128x128xf32, #tpu.memory_space<vmem>>) dst(%dma_wait3A_129 : memref<128x128xf32, #tpu.memory_space<hbm>>)
      tpu.yield
    }) : () -> ()
    return
  }
}

#map = affine_map<(d0, d1) -> (0, 0)>
#map1 = affine_map<(d0, d1) -> (0, 0, 0)>
module attributes {stable_mosaic.version = 14 : i64} {
  func.func @agg_kernel(%arg0: i32, %arg1: i32, %arg2: memref<10240x128xf32, #tpu.memory_space<hbm>>, %arg3: memref<32x79x128xi32, #tpu.memory_space<hbm>>, %arg4: memref<32x79x128xi32, #tpu.memory_space<hbm>>, %arg5: memref<16x5x128xi32, #tpu.memory_space<hbm>>, %arg6: memref<20480x128xf32, #tpu.memory_space<hbm>>, %arg7: memref<79x128xi32, #tpu.memory_space<vmem>>, %arg8: memref<79x128xi32, #tpu.memory_space<vmem>>, %arg9: memref<5x128xi32, #tpu.memory_space<vmem>>, %arg10: memref<128x128xf32, #tpu.memory_space<vmem>>, %arg11: memref<10240x128xf32, #tpu.memory_space<vmem_shared>>, %arg12: memref<!tpu.dma_semaphore, #tpu.memory_space<semaphore_mem>>) attributes {dimension_semantics = [#tpu.dimension_semantics<core_parallel>, #tpu.dimension_semantics<subcore_parallel>], iteration_bounds = array<i64: 2, 16>, scalar_prefetch = 0 : i64, scratch_operands = 6 : i64, tpu.core_type = #tpu.core_type<sc_vector_subcore>, window_params = [{transform_indices = #map}, {transform_indices = #map1}, {transform_indices = #map1}, {transform_indices = #map1}, {transform_indices = #map}]} {
    %mul3A = arith.constant 16 : i32
    %mul3A_0 = arith.muli %arg0, %mul3A : i32
    %add3A = arith.addi %mul3A_0, %arg1 : i32
    "tpu.region"() ({
      %run_scoped3A_134 = tpu.sem_alloc : memref<!tpu.dma_semaphore, #tpu.memory_space<semaphore_mem>>
      %dma_start3A_135 = arith.constant 0 : i32
      %dma_start3A_136 = arith.constant 0 : i32
      %dma_start3A_137 = tpu.memref_slice %arg5[%arg1, %dma_start3A_135, %dma_start3A_136] : memref<16x5x128xi32, #tpu.memory_space<hbm>> -> memref<1x5x128xi32, #tpu.memory_space<hbm>>
      %dma_start3A_138 = tpu.memref_squeeze %dma_start3A_137 : memref<1x5x128xi32, #tpu.memory_space<hbm>> -> memref<5x128xi32, #tpu.memory_space<hbm>>
      %dma_start3A_139 = arith.constant 0 : i32
      %dma_start3A_140 = arith.constant 0 : i32
      %dma_start3A_141 = tpu.memref_slice %arg5[%arg1, %dma_start3A_139, %dma_start3A_140] : memref<16x5x128xi32, #tpu.memory_space<hbm>> -> memref<1x5x128xi32, #tpu.memory_space<hbm>>
      %dma_start3A_142 = tpu.memref_squeeze %dma_start3A_141 : memref<1x5x128xi32, #tpu.memory_space<hbm>> -> memref<5x128xi32, #tpu.memory_space<hbm>>
      tpu.enqueue_dma source(%dma_start3A_142 : memref<5x128xi32, #tpu.memory_space<hbm>>) target(%arg9 : memref<5x128xi32, #tpu.memory_space<vmem>>) target_semaphore(%run_scoped3A_134 : memref<!tpu.dma_semaphore, #tpu.memory_space<semaphore_mem>>)
      %dma_wait3A_143 = arith.constant 0 : i32
      %dma_wait3A_144 = arith.constant 0 : i32
      %dma_wait3A_145 = tpu.memref_slice %arg5[%arg1, %dma_wait3A_143, %dma_wait3A_144] : memref<16x5x128xi32, #tpu.memory_space<hbm>> -> memref<1x5x128xi32, #tpu.memory_space<hbm>>
      %dma_wait3A_146 = tpu.memref_squeeze %dma_wait3A_145 : memref<1x5x128xi32, #tpu.memory_space<hbm>> -> memref<5x128xi32, #tpu.memory_space<hbm>>
      %dma_wait3A_147 = arith.constant 0 : i32
      %dma_wait3A_148 = arith.constant 0 : i32
      %dma_wait3A_149 = tpu.memref_slice %arg5[%arg1, %dma_wait3A_147, %dma_wait3A_148] : memref<16x5x128xi32, #tpu.memory_space<hbm>> -> memref<1x5x128xi32, #tpu.memory_space<hbm>>
      %dma_wait3A_150 = tpu.memref_squeeze %dma_wait3A_149 : memref<1x5x128xi32, #tpu.memory_space<hbm>> -> memref<5x128xi32, #tpu.memory_space<hbm>>
      tpu.wait_dma2 semaphore(%run_scoped3A_134 : memref<!tpu.dma_semaphore, #tpu.memory_space<semaphore_mem>>) src(%dma_wait3A_150 : memref<5x128xi32, #tpu.memory_space<hbm>>) dst(%arg9 : memref<5x128xi32, #tpu.memory_space<vmem>>)
      tpu.yield
    }) : () -> ()
    %mul3A_1 = arith.constant 640 : i32
    %mul3A_2 = arith.muli %arg1, %mul3A_1 : i32
    %add3A_3 = arith.constant 0 : i32
    %add3A_4 = arith.addi %mul3A_2, %add3A_3 : i32
    "tpu.region"() ({
      %run_scoped3A_134 = tpu.sem_alloc : memref<!tpu.dma_semaphore, #tpu.memory_space<semaphore_mem>>
      %dma_start3A_135 = arith.constant 0 : i32
      %dma_start3A_136 = tpu.memref_slice %arg2[%add3A_4, %dma_start3A_135] : memref<10240x128xf32, #tpu.memory_space<hbm>> -> memref<128x128xf32, #tpu.memory_space<hbm>>
      %dma_start3A_137 = arith.constant 0 : i32
      %dma_start3A_138 = tpu.memref_slice %arg2[%add3A_4, %dma_start3A_137] : memref<10240x128xf32, #tpu.memory_space<hbm>> -> memref<128x128xf32, #tpu.memory_space<hbm>>
      tpu.enqueue_dma source(%dma_start3A_138 : memref<128x128xf32, #tpu.memory_space<hbm>>) target(%arg10 : memref<128x128xf32, #tpu.memory_space<vmem>>) target_semaphore(%run_scoped3A_134 : memref<!tpu.dma_semaphore, #tpu.memory_space<semaphore_mem>>)
      %dma_wait3A_139 = arith.constant 0 : i32
      %dma_wait3A_140 = tpu.memref_slice %arg2[%add3A_4, %dma_wait3A_139] : memref<10240x128xf32, #tpu.memory_space<hbm>> -> memref<128x128xf32, #tpu.memory_space<hbm>>
      %dma_wait3A_141 = arith.constant 0 : i32
      %dma_wait3A_142 = tpu.memref_slice %arg2[%add3A_4, %dma_wait3A_141] : memref<10240x128xf32, #tpu.memory_space<hbm>> -> memref<128x128xf32, #tpu.memory_space<hbm>>
      tpu.wait_dma2 semaphore(%run_scoped3A_134 : memref<!tpu.dma_semaphore, #tpu.memory_space<semaphore_mem>>) src(%dma_wait3A_142 : memref<128x128xf32, #tpu.memory_space<hbm>>) dst(%arg10 : memref<128x128xf32, #tpu.memory_space<vmem>>)
      tpu.yield
    }) : () -> ()
    %run_scoped3A = arith.constant 0 : i32
    "tpu.region"() ({
      %run_scoped3A_134 = tpu.sem_alloc : memref<!tpu.dma_semaphore, #tpu.memory_space<semaphore_mem>>
      %dma_start3A_135 = arith.constant 0 : i32
      %dma_start3A_136 = tpu.memref_slice %arg9[%run_scoped3A, %dma_start3A_135] : memref<5x128xi32, #tpu.memory_space<vmem>> -> memref<1x128xi32, #tpu.memory_space<vmem>>
      %dma_start3A_137 = tpu.memref_squeeze %dma_start3A_136 : memref<1x128xi32, #tpu.memory_space<vmem>> -> memref<128xi32, #tpu.memory_space<vmem>>
      %dma_start3A_138 = arith.constant 0 : i32
      %dma_start3A_139 = arith.constant 0 : i32
      %dma_start3A_140 = tpu.memref_slice %arg11[%dma_start3A_138, %dma_start3A_139] : memref<10240x128xf32, #tpu.memory_space<vmem_shared>> -> memref<10240x128xf32, #tpu.memory_space<vmem_shared>>
      tpu.enqueue_indirect_dma source(%arg10 : memref<128x128xf32, #tpu.memory_space<vmem>>) target(%dma_start3A_140 : memref<10240x128xf32, #tpu.memory_space<vmem_shared>>) offsets(%dma_start3A_137 : memref<128xi32, #tpu.memory_space<vmem>>) semaphore(%run_scoped3A_134 : memref<!tpu.dma_semaphore, #tpu.memory_space<semaphore_mem>>)
      %dma_wait3A_141 = arith.constant 0 : i32
      %dma_wait3A_142 = tpu.memref_slice %arg9[%run_scoped3A, %dma_wait3A_141] : memref<5x128xi32, #tpu.memory_space<vmem>> -> memref<1x128xi32, #tpu.memory_space<vmem>>
      %dma_wait3A_143 = tpu.memref_squeeze %dma_wait3A_142 : memref<1x128xi32, #tpu.memory_space<vmem>> -> memref<128xi32, #tpu.memory_space<vmem>>
      %dma_wait3A_144 = arith.constant 0 : i32
      %dma_wait3A_145 = arith.constant 0 : i32
      %dma_wait3A_146 = tpu.memref_slice %arg11[%dma_wait3A_144, %dma_wait3A_145] : memref<10240x128xf32, #tpu.memory_space<vmem_shared>> -> memref<10240x128xf32, #tpu.memory_space<vmem_shared>>
      tpu.wait_indirect_dma semaphore(%run_scoped3A_134 : memref<!tpu.dma_semaphore, #tpu.memory_space<semaphore_mem>>) src(%arg10 : memref<128x128xf32, #tpu.memory_space<vmem>>) dst(%dma_wait3A_146 : memref<10240x128xf32, #tpu.memory_space<vmem_shared>>)
      tpu.yield
    }) : () -> ()
    %mul3A_5 = arith.constant 640 : i32
    %mul3A_6 = arith.muli %arg1, %mul3A_5 : i32
    %add3A_7 = arith.constant 128 : i32
    %add3A_8 = arith.addi %mul3A_6, %add3A_7 : i32
    "tpu.region"() ({
      %run_scoped3A_134 = tpu.sem_alloc : memref<!tpu.dma_semaphore, #tpu.memory_space<semaphore_mem>>
      %dma_start3A_135 = arith.constant 0 : i32
      %dma_start3A_136 = tpu.memref_slice %arg2[%add3A_8, %dma_start3A_135] : memref<10240x128xf32, #tpu.memory_space<hbm>> -> memref<128x128xf32, #tpu.memory_space<hbm>>
      %dma_start3A_137 = arith.constant 0 : i32
      %dma_start3A_138 = tpu.memref_slice %arg2[%add3A_8, %dma_start3A_137] : memref<10240x128xf32, #tpu.memory_space<hbm>> -> memref<128x128xf32, #tpu.memory_space<hbm>>
      tpu.enqueue_dma source(%dma_start3A_138 : memref<128x128xf32, #tpu.memory_space<hbm>>) target(%arg10 : memref<128x128xf32, #tpu.memory_space<vmem>>) target_semaphore(%run_scoped3A_134 : memref<!tpu.dma_semaphore, #tpu.memory_space<semaphore_mem>>)
      %dma_wait3A_139 = arith.constant 0 : i32
      %dma_wait3A_140 = tpu.memref_slice %arg2[%add3A_8, %dma_wait3A_139] : memref<10240x128xf32, #tpu.memory_space<hbm>> -> memref<128x128xf32, #tpu.memory_space<hbm>>
      %dma_wait3A_141 = arith.constant 0 : i32
      %dma_wait3A_142 = tpu.memref_slice %arg2[%add3A_8, %dma_wait3A_141] : memref<10240x128xf32, #tpu.memory_space<hbm>> -> memref<128x128xf32, #tpu.memory_space<hbm>>
      tpu.wait_dma2 semaphore(%run_scoped3A_134 : memref<!tpu.dma_semaphore, #tpu.memory_space<semaphore_mem>>) src(%dma_wait3A_142 : memref<128x128xf32, #tpu.memory_space<hbm>>) dst(%arg10 : memref<128x128xf32, #tpu.memory_space<vmem>>)
      tpu.yield
    }) : () -> ()
    %run_scoped3A_9 = arith.constant 1 : i32
    "tpu.region"() ({
      %run_scoped3A_134 = tpu.sem_alloc : memref<!tpu.dma_semaphore, #tpu.memory_space<semaphore_mem>>
      %dma_start3A_135 = arith.constant 0 : i32
      %dma_start3A_136 = tpu.memref_slice %arg9[%run_scoped3A_9, %dma_start3A_135] : memref<5x128xi32, #tpu.memory_space<vmem>> -> memref<1x128xi32, #tpu.memory_space<vmem>>
      %dma_start3A_137 = tpu.memref_squeeze %dma_start3A_136 : memref<1x128xi32, #tpu.memory_space<vmem>> -> memref<128xi32, #tpu.memory_space<vmem>>
      %dma_start3A_138 = arith.constant 0 : i32
      %dma_start3A_139 = arith.constant 0 : i32
      %dma_start3A_140 = tpu.memref_slice %arg11[%dma_start3A_138, %dma_start3A_139] : memref<10240x128xf32, #tpu.memory_space<vmem_shared>> -> memref<10240x128xf32, #tpu.memory_space<vmem_shared>>
      tpu.enqueue_indirect_dma source(%arg10 : memref<128x128xf32, #tpu.memory_space<vmem>>) target(%dma_start3A_140 : memref<10240x128xf32, #tpu.memory_space<vmem_shared>>) offsets(%dma_start3A_137 : memref<128xi32, #tpu.memory_space<vmem>>) semaphore(%run_scoped3A_134 : memref<!tpu.dma_semaphore, #tpu.memory_space<semaphore_mem>>)
      %dma_wait3A_141 = arith.constant 0 : i32
      %dma_wait3A_142 = tpu.memref_slice %arg9[%run_scoped3A_9, %dma_wait3A_141] : memref<5x128xi32, #tpu.memory_space<vmem>> -> memref<1x128xi32, #tpu.memory_space<vmem>>
      %dma_wait3A_143 = tpu.memref_squeeze %dma_wait3A_142 : memref<1x128xi32, #tpu.memory_space<vmem>> -> memref<128xi32, #tpu.memory_space<vmem>>
      %dma_wait3A_144 = arith.constant 0 : i32
      %dma_wait3A_145 = arith.constant 0 : i32
      %dma_wait3A_146 = tpu.memref_slice %arg11[%dma_wait3A_144, %dma_wait3A_145] : memref<10240x128xf32, #tpu.memory_space<vmem_shared>> -> memref<10240x128xf32, #tpu.memory_space<vmem_shared>>
      tpu.wait_indirect_dma semaphore(%run_scoped3A_134 : memref<!tpu.dma_semaphore, #tpu.memory_space<semaphore_mem>>) src(%arg10 : memref<128x128xf32, #tpu.memory_space<vmem>>) dst(%dma_wait3A_146 : memref<10240x128xf32, #tpu.memory_space<vmem_shared>>)
      tpu.yield
    }) : () -> ()
    %mul3A_10 = arith.constant 640 : i32
    %mul3A_11 = arith.muli %arg1, %mul3A_10 : i32
    %add3A_12 = arith.constant 256 : i32
    %add3A_13 = arith.addi %mul3A_11, %add3A_12 : i32
    "tpu.region"() ({
      %run_scoped3A_134 = tpu.sem_alloc : memref<!tpu.dma_semaphore, #tpu.memory_space<semaphore_mem>>
      %dma_start3A_135 = arith.constant 0 : i32
      %dma_start3A_136 = tpu.memref_slice %arg2[%add3A_13, %dma_start3A_135] : memref<10240x128xf32, #tpu.memory_space<hbm>> -> memref<128x128xf32, #tpu.memory_space<hbm>>
      %dma_start3A_137 = arith.constant 0 : i32
      %dma_start3A_138 = tpu.memref_slice %arg2[%add3A_13, %dma_start3A_137] : memref<10240x128xf32, #tpu.memory_space<hbm>> -> memref<128x128xf32, #tpu.memory_space<hbm>>
      tpu.enqueue_dma source(%dma_start3A_138 : memref<128x128xf32, #tpu.memory_space<hbm>>) target(%arg10 : memref<128x128xf32, #tpu.memory_space<vmem>>) target_semaphore(%run_scoped3A_134 : memref<!tpu.dma_semaphore, #tpu.memory_space<semaphore_mem>>)
      %dma_wait3A_139 = arith.constant 0 : i32
      %dma_wait3A_140 = tpu.memref_slice %arg2[%add3A_13, %dma_wait3A_139] : memref<10240x128xf32, #tpu.memory_space<hbm>> -> memref<128x128xf32, #tpu.memory_space<hbm>>
      %dma_wait3A_141 = arith.constant 0 : i32
      %dma_wait3A_142 = tpu.memref_slice %arg2[%add3A_13, %dma_wait3A_141] : memref<10240x128xf32, #tpu.memory_space<hbm>> -> memref<128x128xf32, #tpu.memory_space<hbm>>
      tpu.wait_dma2 semaphore(%run_scoped3A_134 : memref<!tpu.dma_semaphore, #tpu.memory_space<semaphore_mem>>) src(%dma_wait3A_142 : memref<128x128xf32, #tpu.memory_space<hbm>>) dst(%arg10 : memref<128x128xf32, #tpu.memory_space<vmem>>)
      tpu.yield
    }) : () -> ()
    %run_scoped3A_14 = arith.constant 2 : i32
    "tpu.region"() ({
      %run_scoped3A_134 = tpu.sem_alloc : memref<!tpu.dma_semaphore, #tpu.memory_space<semaphore_mem>>
      %dma_start3A_135 = arith.constant 0 : i32
      %dma_start3A_136 = tpu.memref_slice %arg9[%run_scoped3A_14, %dma_start3A_135] : memref<5x128xi32, #tpu.memory_space<vmem>> -> memref<1x128xi32, #tpu.memory_space<vmem>>
      %dma_start3A_137 = tpu.memref_squeeze %dma_start3A_136 : memref<1x128xi32, #tpu.memory_space<vmem>> -> memref<128xi32, #tpu.memory_space<vmem>>
      %dma_start3A_138 = arith.constant 0 : i32
      %dma_start3A_139 = arith.constant 0 : i32
      %dma_start3A_140 = tpu.memref_slice %arg11[%dma_start3A_138, %dma_start3A_139] : memref<10240x128xf32, #tpu.memory_space<vmem_shared>> -> memref<10240x128xf32, #tpu.memory_space<vmem_shared>>
      tpu.enqueue_indirect_dma source(%arg10 : memref<128x128xf32, #tpu.memory_space<vmem>>) target(%dma_start3A_140 : memref<10240x128xf32, #tpu.memory_space<vmem_shared>>) offsets(%dma_start3A_137 : memref<128xi32, #tpu.memory_space<vmem>>) semaphore(%run_scoped3A_134 : memref<!tpu.dma_semaphore, #tpu.memory_space<semaphore_mem>>)
      %dma_wait3A_141 = arith.constant 0 : i32
      %dma_wait3A_142 = tpu.memref_slice %arg9[%run_scoped3A_14, %dma_wait3A_141] : memref<5x128xi32, #tpu.memory_space<vmem>> -> memref<1x128xi32, #tpu.memory_space<vmem>>
      %dma_wait3A_143 = tpu.memref_squeeze %dma_wait3A_142 : memref<1x128xi32, #tpu.memory_space<vmem>> -> memref<128xi32, #tpu.memory_space<vmem>>
      %dma_wait3A_144 = arith.constant 0 : i32
      %dma_wait3A_145 = arith.constant 0 : i32
      %dma_wait3A_146 = tpu.memref_slice %arg11[%dma_wait3A_144, %dma_wait3A_145] : memref<10240x128xf32, #tpu.memory_space<vmem_shared>> -> memref<10240x128xf32, #tpu.memory_space<vmem_shared>>
      tpu.wait_indirect_dma semaphore(%run_scoped3A_134 : memref<!tpu.dma_semaphore, #tpu.memory_space<semaphore_mem>>) src(%arg10 : memref<128x128xf32, #tpu.memory_space<vmem>>) dst(%dma_wait3A_146 : memref<10240x128xf32, #tpu.memory_space<vmem_shared>>)
      tpu.yield
    }) : () -> ()
    %mul3A_15 = arith.constant 640 : i32
    %mul3A_16 = arith.muli %arg1, %mul3A_15 : i32
    %add3A_17 = arith.constant 384 : i32
    %add3A_18 = arith.addi %mul3A_16, %add3A_17 : i32
    "tpu.region"() ({
      %run_scoped3A_134 = tpu.sem_alloc : memref<!tpu.dma_semaphore, #tpu.memory_space<semaphore_mem>>
      %dma_start3A_135 = arith.constant 0 : i32
      %dma_start3A_136 = tpu.memref_slice %arg2[%add3A_18, %dma_start3A_135] : memref<10240x128xf32, #tpu.memory_space<hbm>> -> memref<128x128xf32, #tpu.memory_space<hbm>>
      %dma_start3A_137 = arith.constant 0 : i32
      %dma_start3A_138 = tpu.memref_slice %arg2[%add3A_18, %dma_start3A_137] : memref<10240x128xf32, #tpu.memory_space<hbm>> -> memref<128x128xf32, #tpu.memory_space<hbm>>
      tpu.enqueue_dma source(%dma_start3A_138 : memref<128x128xf32, #tpu.memory_space<hbm>>) target(%arg10 : memref<128x128xf32, #tpu.memory_space<vmem>>) target_semaphore(%run_scoped3A_134 : memref<!tpu.dma_semaphore, #tpu.memory_space<semaphore_mem>>)
      %dma_wait3A_139 = arith.constant 0 : i32
      %dma_wait3A_140 = tpu.memref_slice %arg2[%add3A_18, %dma_wait3A_139] : memref<10240x128xf32, #tpu.memory_space<hbm>> -> memref<128x128xf32, #tpu.memory_space<hbm>>
      %dma_wait3A_141 = arith.constant 0 : i32
      %dma_wait3A_142 = tpu.memref_slice %arg2[%add3A_18, %dma_wait3A_141] : memref<10240x128xf32, #tpu.memory_space<hbm>> -> memref<128x128xf32, #tpu.memory_space<hbm>>
      tpu.wait_dma2 semaphore(%run_scoped3A_134 : memref<!tpu.dma_semaphore, #tpu.memory_space<semaphore_mem>>) src(%dma_wait3A_142 : memref<128x128xf32, #tpu.memory_space<hbm>>) dst(%arg10 : memref<128x128xf32, #tpu.memory_space<vmem>>)
      tpu.yield
    }) : () -> ()
    %run_scoped3A_19 = arith.constant 3 : i32
    "tpu.region"() ({
      %run_scoped3A_134 = tpu.sem_alloc : memref<!tpu.dma_semaphore, #tpu.memory_space<semaphore_mem>>
      %dma_start3A_135 = arith.constant 0 : i32
      %dma_start3A_136 = tpu.memref_slice %arg9[%run_scoped3A_19, %dma_start3A_135] : memref<5x128xi32, #tpu.memory_space<vmem>> -> memref<1x128xi32, #tpu.memory_space<vmem>>
      %dma_start3A_137 = tpu.memref_squeeze %dma_start3A_136 : memref<1x128xi32, #tpu.memory_space<vmem>> -> memref<128xi32, #tpu.memory_space<vmem>>
      %dma_start3A_138 = arith.constant 0 : i32
      %dma_start3A_139 = arith.constant 0 : i32
      %dma_start3A_140 = tpu.memref_slice %arg11[%dma_start3A_138, %dma_start3A_139] : memref<10240x128xf32, #tpu.memory_space<vmem_shared>> -> memref<10240x128xf32, #tpu.memory_space<vmem_shared>>
      tpu.enqueue_indirect_dma source(%arg10 : memref<128x128xf32, #tpu.memory_space<vmem>>) target(%dma_start3A_140 : memref<10240x128xf32, #tpu.memory_space<vmem_shared>>) offsets(%dma_start3A_137 : memref<128xi32, #tpu.memory_space<vmem>>) semaphore(%run_scoped3A_134 : memref<!tpu.dma_semaphore, #tpu.memory_space<semaphore_mem>>)
      %dma_wait3A_141 = arith.constant 0 : i32
      %dma_wait3A_142 = tpu.memref_slice %arg9[%run_scoped3A_19, %dma_wait3A_141] : memref<5x128xi32, #tpu.memory_space<vmem>> -> memref<1x128xi32, #tpu.memory_space<vmem>>
      %dma_wait3A_143 = tpu.memref_squeeze %dma_wait3A_142 : memref<1x128xi32, #tpu.memory_space<vmem>> -> memref<128xi32, #tpu.memory_space<vmem>>
      %dma_wait3A_144 = arith.constant 0 : i32
      %dma_wait3A_145 = arith.constant 0 : i32
      %dma_wait3A_146 = tpu.memref_slice %arg11[%dma_wait3A_144, %dma_wait3A_145] : memref<10240x128xf32, #tpu.memory_space<vmem_shared>> -> memref<10240x128xf32, #tpu.memory_space<vmem_shared>>
      tpu.wait_indirect_dma semaphore(%run_scoped3A_134 : memref<!tpu.dma_semaphore, #tpu.memory_space<semaphore_mem>>) src(%arg10 : memref<128x128xf32, #tpu.memory_space<vmem>>) dst(%dma_wait3A_146 : memref<10240x128xf32, #tpu.memory_space<vmem_shared>>)
      tpu.yield
    }) : () -> ()
    %mul3A_20 = arith.constant 640 : i32
    %mul3A_21 = arith.muli %arg1, %mul3A_20 : i32
    %add3A_22 = arith.constant 512 : i32
    %add3A_23 = arith.addi %mul3A_21, %add3A_22 : i32
    "tpu.region"() ({
      %run_scoped3A_134 = tpu.sem_alloc : memref<!tpu.dma_semaphore, #tpu.memory_space<semaphore_mem>>
      %dma_start3A_135 = arith.constant 0 : i32
      %dma_start3A_136 = tpu.memref_slice %arg2[%add3A_23, %dma_start3A_135] : memref<10240x128xf32, #tpu.memory_space<hbm>> -> memref<128x128xf32, #tpu.memory_space<hbm>>
      %dma_start3A_137 = arith.constant 0 : i32
      %dma_start3A_138 = tpu.memref_slice %arg2[%add3A_23, %dma_start3A_137] : memref<10240x128xf32, #tpu.memory_space<hbm>> -> memref<128x128xf32, #tpu.memory_space<hbm>>
      tpu.enqueue_dma source(%dma_start3A_138 : memref<128x128xf32, #tpu.memory_space<hbm>>) target(%arg10 : memref<128x128xf32, #tpu.memory_space<vmem>>) target_semaphore(%run_scoped3A_134 : memref<!tpu.dma_semaphore, #tpu.memory_space<semaphore_mem>>)
      %dma_wait3A_139 = arith.constant 0 : i32
      %dma_wait3A_140 = tpu.memref_slice %arg2[%add3A_23, %dma_wait3A_139] : memref<10240x128xf32, #tpu.memory_space<hbm>> -> memref<128x128xf32, #tpu.memory_space<hbm>>
      %dma_wait3A_141 = arith.constant 0 : i32
      %dma_wait3A_142 = tpu.memref_slice %arg2[%add3A_23, %dma_wait3A_141] : memref<10240x128xf32, #tpu.memory_space<hbm>> -> memref<128x128xf32, #tpu.memory_space<hbm>>
      tpu.wait_dma2 semaphore(%run_scoped3A_134 : memref<!tpu.dma_semaphore, #tpu.memory_space<semaphore_mem>>) src(%dma_wait3A_142 : memref<128x128xf32, #tpu.memory_space<hbm>>) dst(%arg10 : memref<128x128xf32, #tpu.memory_space<vmem>>)
      tpu.yield
    }) : () -> ()
    %run_scoped3A_24 = arith.constant 4 : i32
    "tpu.region"() ({
      %run_scoped3A_134 = tpu.sem_alloc : memref<!tpu.dma_semaphore, #tpu.memory_space<semaphore_mem>>
      %dma_start3A_135 = arith.constant 0 : i32
      %dma_start3A_136 = tpu.memref_slice %arg9[%run_scoped3A_24, %dma_start3A_135] : memref<5x128xi32, #tpu.memory_space<vmem>> -> memref<1x128xi32, #tpu.memory_space<vmem>>
      %dma_start3A_137 = tpu.memref_squeeze %dma_start3A_136 : memref<1x128xi32, #tpu.memory_space<vmem>> -> memref<128xi32, #tpu.memory_space<vmem>>
      %dma_start3A_138 = arith.constant 0 : i32
      %dma_start3A_139 = arith.constant 0 : i32
      %dma_start3A_140 = tpu.memref_slice %arg11[%dma_start3A_138, %dma_start3A_139] : memref<10240x128xf32, #tpu.memory_space<vmem_shared>> -> memref<10240x128xf32, #tpu.memory_space<vmem_shared>>
      tpu.enqueue_indirect_dma source(%arg10 : memref<128x128xf32, #tpu.memory_space<vmem>>) target(%dma_start3A_140 : memref<10240x128xf32, #tpu.memory_space<vmem_shared>>) offsets(%dma_start3A_137 : memref<128xi32, #tpu.memory_space<vmem>>) semaphore(%run_scoped3A_134 : memref<!tpu.dma_semaphore, #tpu.memory_space<semaphore_mem>>)
      %dma_wait3A_141 = arith.constant 0 : i32
      %dma_wait3A_142 = tpu.memref_slice %arg9[%run_scoped3A_24, %dma_wait3A_141] : memref<5x128xi32, #tpu.memory_space<vmem>> -> memref<1x128xi32, #tpu.memory_space<vmem>>
      %dma_wait3A_143 = tpu.memref_squeeze %dma_wait3A_142 : memref<1x128xi32, #tpu.memory_space<vmem>> -> memref<128xi32, #tpu.memory_space<vmem>>
      %dma_wait3A_144 = arith.constant 0 : i32
      %dma_wait3A_145 = arith.constant 0 : i32
      %dma_wait3A_146 = tpu.memref_slice %arg11[%dma_wait3A_144, %dma_wait3A_145] : memref<10240x128xf32, #tpu.memory_space<vmem_shared>> -> memref<10240x128xf32, #tpu.memory_space<vmem_shared>>
      tpu.wait_indirect_dma semaphore(%run_scoped3A_134 : memref<!tpu.dma_semaphore, #tpu.memory_space<semaphore_mem>>) src(%arg10 : memref<128x128xf32, #tpu.memory_space<vmem>>) dst(%dma_wait3A_146 : memref<10240x128xf32, #tpu.memory_space<vmem_shared>>)
      tpu.yield
    }) : () -> ()
    "tpu.region"() ({
      %run_scoped3A_134 = tpu.sem_alloc : memref<!tpu.dma_semaphore, #tpu.memory_space<semaphore_mem>>
      %dma_start3A_135 = arith.constant 0 : i32
      %dma_start3A_136 = arith.constant 0 : i32
      %dma_start3A_137 = tpu.memref_slice %arg3[%add3A, %dma_start3A_135, %dma_start3A_136] : memref<32x79x128xi32, #tpu.memory_space<hbm>> -> memref<1x79x128xi32, #tpu.memory_space<hbm>>
      %dma_start3A_138 = tpu.memref_squeeze %dma_start3A_137 : memref<1x79x128xi32, #tpu.memory_space<hbm>> -> memref<79x128xi32, #tpu.memory_space<hbm>>
      %dma_start3A_139 = arith.constant 0 : i32
      %dma_start3A_140 = arith.constant 0 : i32
      %dma_start3A_141 = tpu.memref_slice %arg3[%add3A, %dma_start3A_139, %dma_start3A_140] : memref<32x79x128xi32, #tpu.memory_space<hbm>> -> memref<1x79x128xi32, #tpu.memory_space<hbm>>
      %dma_start3A_142 = tpu.memref_squeeze %dma_start3A_141 : memref<1x79x128xi32, #tpu.memory_space<hbm>> -> memref<79x128xi32, #tpu.memory_space<hbm>>
      tpu.enqueue_dma source(%dma_start3A_142 : memref<79x128xi32, #tpu.memory_space<hbm>>) target(%arg7 : memref<79x128xi32, #tpu.memory_space<vmem>>) target_semaphore(%run_scoped3A_134 : memref<!tpu.dma_semaphore, #tpu.memory_space<semaphore_mem>>)
      %dma_wait3A_143 = arith.constant 0 : i32
      %dma_wait3A_144 = arith.constant 0 : i32
      %dma_wait3A_145 = tpu.memref_slice %arg3[%add3A, %dma_wait3A_143, %dma_wait3A_144] : memref<32x79x128xi32, #tpu.memory_space<hbm>> -> memref<1x79x128xi32, #tpu.memory_space<hbm>>
      %dma_wait3A_146 = tpu.memref_squeeze %dma_wait3A_145 : memref<1x79x128xi32, #tpu.memory_space<hbm>> -> memref<79x128xi32, #tpu.memory_space<hbm>>
      %dma_wait3A_147 = arith.constant 0 : i32
      %dma_wait3A_148 = arith.constant 0 : i32
      %dma_wait3A_149 = tpu.memref_slice %arg3[%add3A, %dma_wait3A_147, %dma_wait3A_148] : memref<32x79x128xi32, #tpu.memory_space<hbm>> -> memref<1x79x128xi32, #tpu.memory_space<hbm>>
      %dma_wait3A_150 = tpu.memref_squeeze %dma_wait3A_149 : memref<1x79x128xi32, #tpu.memory_space<hbm>> -> memref<79x128xi32, #tpu.memory_space<hbm>>
      tpu.wait_dma2 semaphore(%run_scoped3A_134 : memref<!tpu.dma_semaphore, #tpu.memory_space<semaphore_mem>>) src(%dma_wait3A_150 : memref<79x128xi32, #tpu.memory_space<hbm>>) dst(%arg7 : memref<79x128xi32, #tpu.memory_space<vmem>>)
      tpu.yield
    }) : () -> ()
    "tpu.region"() ({
      %run_scoped3A_134 = tpu.sem_alloc : memref<!tpu.dma_semaphore, #tpu.memory_space<semaphore_mem>>
      %dma_start3A_135 = arith.constant 0 : i32
      %dma_start3A_136 = arith.constant 0 : i32
      %dma_start3A_137 = tpu.memref_slice %arg4[%add3A, %dma_start3A_135, %dma_start3A_136] : memref<32x79x128xi32, #tpu.memory_space<hbm>> -> memref<1x79x128xi32, #tpu.memory_space<hbm>>
      %dma_start3A_138 = tpu.memref_squeeze %dma_start3A_137 : memref<1x79x128xi32, #tpu.memory_space<hbm>> -> memref<79x128xi32, #tpu.memory_space<hbm>>
      %dma_start3A_139 = arith.constant 0 : i32
      %dma_start3A_140 = arith.constant 0 : i32
      %dma_start3A_141 = tpu.memref_slice %arg4[%add3A, %dma_start3A_139, %dma_start3A_140] : memref<32x79x128xi32, #tpu.memory_space<hbm>> -> memref<1x79x128xi32, #tpu.memory_space<hbm>>
      %dma_start3A_142 = tpu.memref_squeeze %dma_start3A_141 : memref<1x79x128xi32, #tpu.memory_space<hbm>> -> memref<79x128xi32, #tpu.memory_space<hbm>>
      tpu.enqueue_dma source(%dma_start3A_142 : memref<79x128xi32, #tpu.memory_space<hbm>>) target(%arg8 : memref<79x128xi32, #tpu.memory_space<vmem>>) target_semaphore(%run_scoped3A_134 : memref<!tpu.dma_semaphore, #tpu.memory_space<semaphore_mem>>)
      %dma_wait3A_143 = arith.constant 0 : i32
      %dma_wait3A_144 = arith.constant 0 : i32
      %dma_wait3A_145 = tpu.memref_slice %arg4[%add3A, %dma_wait3A_143, %dma_wait3A_144] : memref<32x79x128xi32, #tpu.memory_space<hbm>> -> memref<1x79x128xi32, #tpu.memory_space<hbm>>
      %dma_wait3A_146 = tpu.memref_squeeze %dma_wait3A_145 : memref<1x79x128xi32, #tpu.memory_space<hbm>> -> memref<79x128xi32, #tpu.memory_space<hbm>>
      %dma_wait3A_147 = arith.constant 0 : i32
      %dma_wait3A_148 = arith.constant 0 : i32
      %dma_wait3A_149 = tpu.memref_slice %arg4[%add3A, %dma_wait3A_147, %dma_wait3A_148] : memref<32x79x128xi32, #tpu.memory_space<hbm>> -> memref<1x79x128xi32, #tpu.memory_space<hbm>>
      %dma_wait3A_150 = tpu.memref_squeeze %dma_wait3A_149 : memref<1x79x128xi32, #tpu.memory_space<hbm>> -> memref<79x128xi32, #tpu.memory_space<hbm>>
      tpu.wait_dma2 semaphore(%run_scoped3A_134 : memref<!tpu.dma_semaphore, #tpu.memory_space<semaphore_mem>>) src(%dma_wait3A_150 : memref<79x128xi32, #tpu.memory_space<hbm>>) dst(%arg8 : memref<79x128xi32, #tpu.memory_space<vmem>>)
      tpu.yield
    }) : () -> ()
    %barrier3A = arith.constant 0 : index
    tpu.barrier barrier_id(%barrier3A)
    %scan3A = arith.constant 0 : i32
    %scan3A_25 = arith.constant 0 : i32
    %scan3A_26 = arith.constant 79 : i32
    %scan3A_27 = arith.addi %scan3A_25, %scan3A_26 : i32
    %scan3A_28 = arith.constant 1 : i32
    scf.for %scan3A_134 = %scan3A_25 to %scan3A_27 step %scan3A_28  : i32 {
      %dma_start3A_135 = arith.constant 0 : i32
      %dma_start3A_136 = tpu.memref_slice %arg7[%scan3A_134, %dma_start3A_135] : memref<79x128xi32, #tpu.memory_space<vmem>> -> memref<1x128xi32, #tpu.memory_space<vmem>>
      %dma_start3A_137 = tpu.memref_squeeze %dma_start3A_136 : memref<1x128xi32, #tpu.memory_space<vmem>> -> memref<128xi32, #tpu.memory_space<vmem>>
      %dma_start3A_138 = arith.constant 0 : i32
      %dma_start3A_139 = arith.constant 0 : i32
      %dma_start3A_140 = tpu.memref_slice %arg2[%dma_start3A_138, %dma_start3A_139] : memref<10240x128xf32, #tpu.memory_space<hbm>> -> memref<10240x128xf32, #tpu.memory_space<hbm>>
      tpu.enqueue_indirect_dma source(%dma_start3A_140 : memref<10240x128xf32, #tpu.memory_space<hbm>>) target(%arg10 : memref<128x128xf32, #tpu.memory_space<vmem>>) offsets(%dma_start3A_137 : memref<128xi32, #tpu.memory_space<vmem>>) semaphore(%arg12 : memref<!tpu.dma_semaphore, #tpu.memory_space<semaphore_mem>>)
      %dma_wait3A_141 = arith.constant 0 : i32
      %dma_wait3A_142 = tpu.memref_slice %arg7[%scan3A_134, %dma_wait3A_141] : memref<79x128xi32, #tpu.memory_space<vmem>> -> memref<1x128xi32, #tpu.memory_space<vmem>>
      %dma_wait3A_143 = tpu.memref_squeeze %dma_wait3A_142 : memref<1x128xi32, #tpu.memory_space<vmem>> -> memref<128xi32, #tpu.memory_space<vmem>>
      %dma_wait3A_144 = arith.constant 0 : i32
      %dma_wait3A_145 = arith.constant 0 : i32
      %dma_wait3A_146 = tpu.memref_slice %arg2[%dma_wait3A_144, %dma_wait3A_145] : memref<10240x128xf32, #tpu.memory_space<hbm>> -> memref<10240x128xf32, #tpu.memory_space<hbm>>
      tpu.wait_indirect_dma semaphore(%arg12 : memref<!tpu.dma_semaphore, #tpu.memory_space<semaphore_mem>>) src(%dma_wait3A_146 : memref<10240x128xf32, #tpu.memory_space<hbm>>) dst(%arg10 : memref<128x128xf32, #tpu.memory_space<vmem>>)
      "tpu.region"() ({
        %run_scoped3A_147 = tpu.sem_alloc : memref<!tpu.dma_semaphore, #tpu.memory_space<semaphore_mem>>
        %dma_start3A_148 = arith.constant 0 : i32
        %dma_start3A_149 = tpu.memref_slice %arg8[%scan3A_134, %dma_start3A_148] : memref<79x128xi32, #tpu.memory_space<vmem>> -> memref<1x128xi32, #tpu.memory_space<vmem>>
        %dma_start3A_150 = tpu.memref_squeeze %dma_start3A_149 : memref<1x128xi32, #tpu.memory_space<vmem>> -> memref<128xi32, #tpu.memory_space<vmem>>
        %dma_start3A_151 = arith.constant 0 : i32
        %dma_start3A_152 = arith.constant 0 : i32
        %dma_start3A_153 = tpu.memref_slice %arg11[%dma_start3A_151, %dma_start3A_152] : memref<10240x128xf32, #tpu.memory_space<vmem_shared>> -> memref<10240x128xf32, #tpu.memory_space<vmem_shared>>
        tpu.enqueue_indirect_dma source(%arg10 : memref<128x128xf32, #tpu.memory_space<vmem>>) target(%dma_start3A_153 : memref<10240x128xf32, #tpu.memory_space<vmem_shared>>) offsets(%dma_start3A_150 : memref<128xi32, #tpu.memory_space<vmem>>) semaphore(%run_scoped3A_147 : memref<!tpu.dma_semaphore, #tpu.memory_space<semaphore_mem>>) {add = true}
        %dma_wait3A_154 = arith.constant 0 : i32
        %dma_wait3A_155 = tpu.memref_slice %arg8[%scan3A_134, %dma_wait3A_154] : memref<79x128xi32, #tpu.memory_space<vmem>> -> memref<1x128xi32, #tpu.memory_space<vmem>>
        %dma_wait3A_156 = tpu.memref_squeeze %dma_wait3A_155 : memref<1x128xi32, #tpu.memory_space<vmem>> -> memref<128xi32, #tpu.memory_space<vmem>>
        %dma_wait3A_157 = arith.constant 0 : i32
        %dma_wait3A_158 = arith.constant 0 : i32
        %dma_wait3A_159 = tpu.memref_slice %arg11[%dma_wait3A_157, %dma_wait3A_158] : memref<10240x128xf32, #tpu.memory_space<vmem_shared>> -> memref<10240x128xf32, #tpu.memory_space<vmem_shared>>
        tpu.wait_indirect_dma semaphore(%run_scoped3A_147 : memref<!tpu.dma_semaphore, #tpu.memory_space<semaphore_mem>>) src(%arg10 : memref<128x128xf32, #tpu.memory_space<vmem>>) dst(%dma_wait3A_159 : memref<10240x128xf32, #tpu.memory_space<vmem_shared>>)
        tpu.yield
      }) : () -> ()
    }
    %scan3A_29 = arith.constant 79 : i32
    %barrier3A_30 = arith.constant 0 : index
    tpu.barrier barrier_id(%barrier3A_30)
    %dma_start3A = arith.constant 0 : i32
    %dma_start3A_31 = arith.constant 0 : i32
    %dma_start3A_32 = tpu.memref_slice %arg9[%dma_start3A, %dma_start3A_31] : memref<5x128xi32, #tpu.memory_space<vmem>> -> memref<1x128xi32, #tpu.memory_space<vmem>>
    %dma_start3A_33 = tpu.memref_squeeze %dma_start3A_32 : memref<1x128xi32, #tpu.memory_space<vmem>> -> memref<128xi32, #tpu.memory_space<vmem>>
    %dma_start3A_34 = arith.constant 0 : i32
    %dma_start3A_35 = arith.constant 0 : i32
    %dma_start3A_36 = tpu.memref_slice %arg11[%dma_start3A_34, %dma_start3A_35] : memref<10240x128xf32, #tpu.memory_space<vmem_shared>> -> memref<10240x128xf32, #tpu.memory_space<vmem_shared>>
    tpu.enqueue_indirect_dma source(%dma_start3A_36 : memref<10240x128xf32, #tpu.memory_space<vmem_shared>>) target(%arg10 : memref<128x128xf32, #tpu.memory_space<vmem>>) offsets(%dma_start3A_33 : memref<128xi32, #tpu.memory_space<vmem>>) semaphore(%arg12 : memref<!tpu.dma_semaphore, #tpu.memory_space<semaphore_mem>>)
    %dma_wait3A = arith.constant 0 : i32
    %dma_wait3A_37 = arith.constant 0 : i32
    %dma_wait3A_38 = tpu.memref_slice %arg9[%dma_wait3A, %dma_wait3A_37] : memref<5x128xi32, #tpu.memory_space<vmem>> -> memref<1x128xi32, #tpu.memory_space<vmem>>
    %dma_wait3A_39 = tpu.memref_squeeze %dma_wait3A_38 : memref<1x128xi32, #tpu.memory_space<vmem>> -> memref<128xi32, #tpu.memory_space<vmem>>
    %dma_wait3A_40 = arith.constant 0 : i32
    %dma_wait3A_41 = arith.constant 0 : i32
    %dma_wait3A_42 = tpu.memref_slice %arg11[%dma_wait3A_40, %dma_wait3A_41] : memref<10240x128xf32, #tpu.memory_space<vmem_shared>> -> memref<10240x128xf32, #tpu.memory_space<vmem_shared>>
    tpu.wait_indirect_dma semaphore(%arg12 : memref<!tpu.dma_semaphore, #tpu.memory_space<semaphore_mem>>) src(%dma_wait3A_42 : memref<10240x128xf32, #tpu.memory_space<vmem_shared>>) dst(%arg10 : memref<128x128xf32, #tpu.memory_space<vmem>>)
    %mul3A_43 = arith.constant 10240 : i32
    %mul3A_44 = arith.muli %arg0, %mul3A_43 : i32
    %mul3A_45 = arith.constant 640 : i32
    %mul3A_46 = arith.muli %arg1, %mul3A_45 : i32
    %add3A_47 = arith.addi %mul3A_44, %mul3A_46 : i32
    %add3A_48 = arith.constant 0 : i32
    %add3A_49 = arith.addi %add3A_47, %add3A_48 : i32
    "tpu.region"() ({
      %run_scoped3A_134 = tpu.sem_alloc : memref<!tpu.dma_semaphore, #tpu.memory_space<semaphore_mem>>
      %dma_start3A_135 = arith.constant 0 : i32
      %dma_start3A_136 = tpu.memref_slice %arg6[%add3A_49, %dma_start3A_135] : memref<20480x128xf32, #tpu.memory_space<hbm>> -> memref<128x128xf32, #tpu.memory_space<hbm>>
      %dma_start3A_137 = arith.constant 0 : i32
      %dma_start3A_138 = tpu.memref_slice %arg6[%add3A_49, %dma_start3A_137] : memref<20480x128xf32, #tpu.memory_space<hbm>> -> memref<128x128xf32, #tpu.memory_space<hbm>>
      tpu.enqueue_dma source(%arg10 : memref<128x128xf32, #tpu.memory_space<vmem>>) target(%dma_start3A_138 : memref<128x128xf32, #tpu.memory_space<hbm>>) target_semaphore(%run_scoped3A_134 : memref<!tpu.dma_semaphore, #tpu.memory_space<semaphore_mem>>)
      %dma_wait3A_139 = arith.constant 0 : i32
      %dma_wait3A_140 = tpu.memref_slice %arg6[%add3A_49, %dma_wait3A_139] : memref<20480x128xf32, #tpu.memory_space<hbm>> -> memref<128x128xf32, #tpu.memory_space<hbm>>
      %dma_wait3A_141 = arith.constant 0 : i32
      %dma_wait3A_142 = tpu.memref_slice %arg6[%add3A_49, %dma_wait3A_141] : memref<20480x128xf32, #tpu.memory_space<hbm>> -> memref<128x128xf32, #tpu.memory_space<hbm>>
      tpu.wait_dma2 semaphore(%run_scoped3A_134 : memref<!tpu.dma_semaphore, #tpu.memory_space<semaphore_mem>>) src(%arg10 : memref<128x128xf32, #tpu.memory_space<vmem>>) dst(%dma_wait3A_142 : memref<128x128xf32, #tpu.memory_space<hbm>>)
      tpu.yield
    }) : () -> ()
    %dma_start3A_50 = arith.constant 1 : i32
    %dma_start3A_51 = arith.constant 0 : i32
    %dma_start3A_52 = tpu.memref_slice %arg9[%dma_start3A_50, %dma_start3A_51] : memref<5x128xi32, #tpu.memory_space<vmem>> -> memref<1x128xi32, #tpu.memory_space<vmem>>
    %dma_start3A_53 = tpu.memref_squeeze %dma_start3A_52 : memref<1x128xi32, #tpu.memory_space<vmem>> -> memref<128xi32, #tpu.memory_space<vmem>>
    %dma_start3A_54 = arith.constant 0 : i32
    %dma_start3A_55 = arith.constant 0 : i32
    %dma_start3A_56 = tpu.memref_slice %arg11[%dma_start3A_54, %dma_start3A_55] : memref<10240x128xf32, #tpu.memory_space<vmem_shared>> -> memref<10240x128xf32, #tpu.memory_space<vmem_shared>>
    tpu.enqueue_indirect_dma source(%dma_start3A_56 : memref<10240x128xf32, #tpu.memory_space<vmem_shared>>) target(%arg10 : memref<128x128xf32, #tpu.memory_space<vmem>>) offsets(%dma_start3A_53 : memref<128xi32, #tpu.memory_space<vmem>>) semaphore(%arg12 : memref<!tpu.dma_semaphore, #tpu.memory_space<semaphore_mem>>)
    %dma_wait3A_57 = arith.constant 1 : i32
    %dma_wait3A_58 = arith.constant 0 : i32
    %dma_wait3A_59 = tpu.memref_slice %arg9[%dma_wait3A_57, %dma_wait3A_58] : memref<5x128xi32, #tpu.memory_space<vmem>> -> memref<1x128xi32, #tpu.memory_space<vmem>>
    %dma_wait3A_60 = tpu.memref_squeeze %dma_wait3A_59 : memref<1x128xi32, #tpu.memory_space<vmem>> -> memref<128xi32, #tpu.memory_space<vmem>>
    %dma_wait3A_61 = arith.constant 0 : i32
    %dma_wait3A_62 = arith.constant 0 : i32
    %dma_wait3A_63 = tpu.memref_slice %arg11[%dma_wait3A_61, %dma_wait3A_62] : memref<10240x128xf32, #tpu.memory_space<vmem_shared>> -> memref<10240x128xf32, #tpu.memory_space<vmem_shared>>
    tpu.wait_indirect_dma semaphore(%arg12 : memref<!tpu.dma_semaphore, #tpu.memory_space<semaphore_mem>>) src(%dma_wait3A_63 : memref<10240x128xf32, #tpu.memory_space<vmem_shared>>) dst(%arg10 : memref<128x128xf32, #tpu.memory_space<vmem>>)
    %mul3A_64 = arith.constant 10240 : i32
    %mul3A_65 = arith.muli %arg0, %mul3A_64 : i32
    %mul3A_66 = arith.constant 640 : i32
    %mul3A_67 = arith.muli %arg1, %mul3A_66 : i32
    %add3A_68 = arith.addi %mul3A_65, %mul3A_67 : i32
    %add3A_69 = arith.constant 128 : i32
    %add3A_70 = arith.addi %add3A_68, %add3A_69 : i32
    "tpu.region"() ({
      %run_scoped3A_134 = tpu.sem_alloc : memref<!tpu.dma_semaphore, #tpu.memory_space<semaphore_mem>>
      %dma_start3A_135 = arith.constant 0 : i32
      %dma_start3A_136 = tpu.memref_slice %arg6[%add3A_70, %dma_start3A_135] : memref<20480x128xf32, #tpu.memory_space<hbm>> -> memref<128x128xf32, #tpu.memory_space<hbm>>
      %dma_start3A_137 = arith.constant 0 : i32
      %dma_start3A_138 = tpu.memref_slice %arg6[%add3A_70, %dma_start3A_137] : memref<20480x128xf32, #tpu.memory_space<hbm>> -> memref<128x128xf32, #tpu.memory_space<hbm>>
      tpu.enqueue_dma source(%arg10 : memref<128x128xf32, #tpu.memory_space<vmem>>) target(%dma_start3A_138 : memref<128x128xf32, #tpu.memory_space<hbm>>) target_semaphore(%run_scoped3A_134 : memref<!tpu.dma_semaphore, #tpu.memory_space<semaphore_mem>>)
      %dma_wait3A_139 = arith.constant 0 : i32
      %dma_wait3A_140 = tpu.memref_slice %arg6[%add3A_70, %dma_wait3A_139] : memref<20480x128xf32, #tpu.memory_space<hbm>> -> memref<128x128xf32, #tpu.memory_space<hbm>>
      %dma_wait3A_141 = arith.constant 0 : i32
      %dma_wait3A_142 = tpu.memref_slice %arg6[%add3A_70, %dma_wait3A_141] : memref<20480x128xf32, #tpu.memory_space<hbm>> -> memref<128x128xf32, #tpu.memory_space<hbm>>
      tpu.wait_dma2 semaphore(%run_scoped3A_134 : memref<!tpu.dma_semaphore, #tpu.memory_space<semaphore_mem>>) src(%arg10 : memref<128x128xf32, #tpu.memory_space<vmem>>) dst(%dma_wait3A_142 : memref<128x128xf32, #tpu.memory_space<hbm>>)
      tpu.yield
    }) : () -> ()
    %dma_start3A_71 = arith.constant 2 : i32
    %dma_start3A_72 = arith.constant 0 : i32
    %dma_start3A_73 = tpu.memref_slice %arg9[%dma_start3A_71, %dma_start3A_72] : memref<5x128xi32, #tpu.memory_space<vmem>> -> memref<1x128xi32, #tpu.memory_space<vmem>>
    %dma_start3A_74 = tpu.memref_squeeze %dma_start3A_73 : memref<1x128xi32, #tpu.memory_space<vmem>> -> memref<128xi32, #tpu.memory_space<vmem>>
    %dma_start3A_75 = arith.constant 0 : i32
    %dma_start3A_76 = arith.constant 0 : i32
    %dma_start3A_77 = tpu.memref_slice %arg11[%dma_start3A_75, %dma_start3A_76] : memref<10240x128xf32, #tpu.memory_space<vmem_shared>> -> memref<10240x128xf32, #tpu.memory_space<vmem_shared>>
    tpu.enqueue_indirect_dma source(%dma_start3A_77 : memref<10240x128xf32, #tpu.memory_space<vmem_shared>>) target(%arg10 : memref<128x128xf32, #tpu.memory_space<vmem>>) offsets(%dma_start3A_74 : memref<128xi32, #tpu.memory_space<vmem>>) semaphore(%arg12 : memref<!tpu.dma_semaphore, #tpu.memory_space<semaphore_mem>>)
    %dma_wait3A_78 = arith.constant 2 : i32
    %dma_wait3A_79 = arith.constant 0 : i32
    %dma_wait3A_80 = tpu.memref_slice %arg9[%dma_wait3A_78, %dma_wait3A_79] : memref<5x128xi32, #tpu.memory_space<vmem>> -> memref<1x128xi32, #tpu.memory_space<vmem>>
    %dma_wait3A_81 = tpu.memref_squeeze %dma_wait3A_80 : memref<1x128xi32, #tpu.memory_space<vmem>> -> memref<128xi32, #tpu.memory_space<vmem>>
    %dma_wait3A_82 = arith.constant 0 : i32
    %dma_wait3A_83 = arith.constant 0 : i32
    %dma_wait3A_84 = tpu.memref_slice %arg11[%dma_wait3A_82, %dma_wait3A_83] : memref<10240x128xf32, #tpu.memory_space<vmem_shared>> -> memref<10240x128xf32, #tpu.memory_space<vmem_shared>>
    tpu.wait_indirect_dma semaphore(%arg12 : memref<!tpu.dma_semaphore, #tpu.memory_space<semaphore_mem>>) src(%dma_wait3A_84 : memref<10240x128xf32, #tpu.memory_space<vmem_shared>>) dst(%arg10 : memref<128x128xf32, #tpu.memory_space<vmem>>)
    %mul3A_85 = arith.constant 10240 : i32
    %mul3A_86 = arith.muli %arg0, %mul3A_85 : i32
    %mul3A_87 = arith.constant 640 : i32
    %mul3A_88 = arith.muli %arg1, %mul3A_87 : i32
    %add3A_89 = arith.addi %mul3A_86, %mul3A_88 : i32
    %add3A_90 = arith.constant 256 : i32
    %add3A_91 = arith.addi %add3A_89, %add3A_90 : i32
    "tpu.region"() ({
      %run_scoped3A_134 = tpu.sem_alloc : memref<!tpu.dma_semaphore, #tpu.memory_space<semaphore_mem>>
      %dma_start3A_135 = arith.constant 0 : i32
      %dma_start3A_136 = tpu.memref_slice %arg6[%add3A_91, %dma_start3A_135] : memref<20480x128xf32, #tpu.memory_space<hbm>> -> memref<128x128xf32, #tpu.memory_space<hbm>>
      %dma_start3A_137 = arith.constant 0 : i32
      %dma_start3A_138 = tpu.memref_slice %arg6[%add3A_91, %dma_start3A_137] : memref<20480x128xf32, #tpu.memory_space<hbm>> -> memref<128x128xf32, #tpu.memory_space<hbm>>
      tpu.enqueue_dma source(%arg10 : memref<128x128xf32, #tpu.memory_space<vmem>>) target(%dma_start3A_138 : memref<128x128xf32, #tpu.memory_space<hbm>>) target_semaphore(%run_scoped3A_134 : memref<!tpu.dma_semaphore, #tpu.memory_space<semaphore_mem>>)
      %dma_wait3A_139 = arith.constant 0 : i32
      %dma_wait3A_140 = tpu.memref_slice %arg6[%add3A_91, %dma_wait3A_139] : memref<20480x128xf32, #tpu.memory_space<hbm>> -> memref<128x128xf32, #tpu.memory_space<hbm>>
      %dma_wait3A_141 = arith.constant 0 : i32
      %dma_wait3A_142 = tpu.memref_slice %arg6[%add3A_91, %dma_wait3A_141] : memref<20480x128xf32, #tpu.memory_space<hbm>> -> memref<128x128xf32, #tpu.memory_space<hbm>>
      tpu.wait_dma2 semaphore(%run_scoped3A_134 : memref<!tpu.dma_semaphore, #tpu.memory_space<semaphore_mem>>) src(%arg10 : memref<128x128xf32, #tpu.memory_space<vmem>>) dst(%dma_wait3A_142 : memref<128x128xf32, #tpu.memory_space<hbm>>)
      tpu.yield
    }) : () -> ()
    %dma_start3A_92 = arith.constant 3 : i32
    %dma_start3A_93 = arith.constant 0 : i32
    %dma_start3A_94 = tpu.memref_slice %arg9[%dma_start3A_92, %dma_start3A_93] : memref<5x128xi32, #tpu.memory_space<vmem>> -> memref<1x128xi32, #tpu.memory_space<vmem>>
    %dma_start3A_95 = tpu.memref_squeeze %dma_start3A_94 : memref<1x128xi32, #tpu.memory_space<vmem>> -> memref<128xi32, #tpu.memory_space<vmem>>
    %dma_start3A_96 = arith.constant 0 : i32
    %dma_start3A_97 = arith.constant 0 : i32
    %dma_start3A_98 = tpu.memref_slice %arg11[%dma_start3A_96, %dma_start3A_97] : memref<10240x128xf32, #tpu.memory_space<vmem_shared>> -> memref<10240x128xf32, #tpu.memory_space<vmem_shared>>
    tpu.enqueue_indirect_dma source(%dma_start3A_98 : memref<10240x128xf32, #tpu.memory_space<vmem_shared>>) target(%arg10 : memref<128x128xf32, #tpu.memory_space<vmem>>) offsets(%dma_start3A_95 : memref<128xi32, #tpu.memory_space<vmem>>) semaphore(%arg12 : memref<!tpu.dma_semaphore, #tpu.memory_space<semaphore_mem>>)
    %dma_wait3A_99 = arith.constant 3 : i32
    %dma_wait3A_100 = arith.constant 0 : i32
    %dma_wait3A_101 = tpu.memref_slice %arg9[%dma_wait3A_99, %dma_wait3A_100] : memref<5x128xi32, #tpu.memory_space<vmem>> -> memref<1x128xi32, #tpu.memory_space<vmem>>
    %dma_wait3A_102 = tpu.memref_squeeze %dma_wait3A_101 : memref<1x128xi32, #tpu.memory_space<vmem>> -> memref<128xi32, #tpu.memory_space<vmem>>
    %dma_wait3A_103 = arith.constant 0 : i32
    %dma_wait3A_104 = arith.constant 0 : i32
    %dma_wait3A_105 = tpu.memref_slice %arg11[%dma_wait3A_103, %dma_wait3A_104] : memref<10240x128xf32, #tpu.memory_space<vmem_shared>> -> memref<10240x128xf32, #tpu.memory_space<vmem_shared>>
    tpu.wait_indirect_dma semaphore(%arg12 : memref<!tpu.dma_semaphore, #tpu.memory_space<semaphore_mem>>) src(%dma_wait3A_105 : memref<10240x128xf32, #tpu.memory_space<vmem_shared>>) dst(%arg10 : memref<128x128xf32, #tpu.memory_space<vmem>>)
    %mul3A_106 = arith.constant 10240 : i32
    %mul3A_107 = arith.muli %arg0, %mul3A_106 : i32
    %mul3A_108 = arith.constant 640 : i32
    %mul3A_109 = arith.muli %arg1, %mul3A_108 : i32
    %add3A_110 = arith.addi %mul3A_107, %mul3A_109 : i32
    %add3A_111 = arith.constant 384 : i32
    %add3A_112 = arith.addi %add3A_110, %add3A_111 : i32
    "tpu.region"() ({
      %run_scoped3A_134 = tpu.sem_alloc : memref<!tpu.dma_semaphore, #tpu.memory_space<semaphore_mem>>
      %dma_start3A_135 = arith.constant 0 : i32
      %dma_start3A_136 = tpu.memref_slice %arg6[%add3A_112, %dma_start3A_135] : memref<20480x128xf32, #tpu.memory_space<hbm>> -> memref<128x128xf32, #tpu.memory_space<hbm>>
      %dma_start3A_137 = arith.constant 0 : i32
      %dma_start3A_138 = tpu.memref_slice %arg6[%add3A_112, %dma_start3A_137] : memref<20480x128xf32, #tpu.memory_space<hbm>> -> memref<128x128xf32, #tpu.memory_space<hbm>>
      tpu.enqueue_dma source(%arg10 : memref<128x128xf32, #tpu.memory_space<vmem>>) target(%dma_start3A_138 : memref<128x128xf32, #tpu.memory_space<hbm>>) target_semaphore(%run_scoped3A_134 : memref<!tpu.dma_semaphore, #tpu.memory_space<semaphore_mem>>)
      %dma_wait3A_139 = arith.constant 0 : i32
      %dma_wait3A_140 = tpu.memref_slice %arg6[%add3A_112, %dma_wait3A_139] : memref<20480x128xf32, #tpu.memory_space<hbm>> -> memref<128x128xf32, #tpu.memory_space<hbm>>
      %dma_wait3A_141 = arith.constant 0 : i32
      %dma_wait3A_142 = tpu.memref_slice %arg6[%add3A_112, %dma_wait3A_141] : memref<20480x128xf32, #tpu.memory_space<hbm>> -> memref<128x128xf32, #tpu.memory_space<hbm>>
      tpu.wait_dma2 semaphore(%run_scoped3A_134 : memref<!tpu.dma_semaphore, #tpu.memory_space<semaphore_mem>>) src(%arg10 : memref<128x128xf32, #tpu.memory_space<vmem>>) dst(%dma_wait3A_142 : memref<128x128xf32, #tpu.memory_space<hbm>>)
      tpu.yield
    }) : () -> ()
    %dma_start3A_113 = arith.constant 4 : i32
    %dma_start3A_114 = arith.constant 0 : i32
    %dma_start3A_115 = tpu.memref_slice %arg9[%dma_start3A_113, %dma_start3A_114] : memref<5x128xi32, #tpu.memory_space<vmem>> -> memref<1x128xi32, #tpu.memory_space<vmem>>
    %dma_start3A_116 = tpu.memref_squeeze %dma_start3A_115 : memref<1x128xi32, #tpu.memory_space<vmem>> -> memref<128xi32, #tpu.memory_space<vmem>>
    %dma_start3A_117 = arith.constant 0 : i32
    %dma_start3A_118 = arith.constant 0 : i32
    %dma_start3A_119 = tpu.memref_slice %arg11[%dma_start3A_117, %dma_start3A_118] : memref<10240x128xf32, #tpu.memory_space<vmem_shared>> -> memref<10240x128xf32, #tpu.memory_space<vmem_shared>>
    tpu.enqueue_indirect_dma source(%dma_start3A_119 : memref<10240x128xf32, #tpu.memory_space<vmem_shared>>) target(%arg10 : memref<128x128xf32, #tpu.memory_space<vmem>>) offsets(%dma_start3A_116 : memref<128xi32, #tpu.memory_space<vmem>>) semaphore(%arg12 : memref<!tpu.dma_semaphore, #tpu.memory_space<semaphore_mem>>)
    %dma_wait3A_120 = arith.constant 4 : i32
    %dma_wait3A_121 = arith.constant 0 : i32
    %dma_wait3A_122 = tpu.memref_slice %arg9[%dma_wait3A_120, %dma_wait3A_121] : memref<5x128xi32, #tpu.memory_space<vmem>> -> memref<1x128xi32, #tpu.memory_space<vmem>>
    %dma_wait3A_123 = tpu.memref_squeeze %dma_wait3A_122 : memref<1x128xi32, #tpu.memory_space<vmem>> -> memref<128xi32, #tpu.memory_space<vmem>>
    %dma_wait3A_124 = arith.constant 0 : i32
    %dma_wait3A_125 = arith.constant 0 : i32
    %dma_wait3A_126 = tpu.memref_slice %arg11[%dma_wait3A_124, %dma_wait3A_125] : memref<10240x128xf32, #tpu.memory_space<vmem_shared>> -> memref<10240x128xf32, #tpu.memory_space<vmem_shared>>
    tpu.wait_indirect_dma semaphore(%arg12 : memref<!tpu.dma_semaphore, #tpu.memory_space<semaphore_mem>>) src(%dma_wait3A_126 : memref<10240x128xf32, #tpu.memory_space<vmem_shared>>) dst(%arg10 : memref<128x128xf32, #tpu.memory_space<vmem>>)
    %mul3A_127 = arith.constant 10240 : i32
    %mul3A_128 = arith.muli %arg0, %mul3A_127 : i32
    %mul3A_129 = arith.constant 640 : i32
    %mul3A_130 = arith.muli %arg1, %mul3A_129 : i32
    %add3A_131 = arith.addi %mul3A_128, %mul3A_130 : i32
    %add3A_132 = arith.constant 512 : i32
    %add3A_133 = arith.addi %add3A_131, %add3A_132 : i32
    "tpu.region"() ({
      %run_scoped3A_134 = tpu.sem_alloc : memref<!tpu.dma_semaphore, #tpu.memory_space<semaphore_mem>>
      %dma_start3A_135 = arith.constant 0 : i32
      %dma_start3A_136 = tpu.memref_slice %arg6[%add3A_133, %dma_start3A_135] : memref<20480x128xf32, #tpu.memory_space<hbm>> -> memref<128x128xf32, #tpu.memory_space<hbm>>
      %dma_start3A_137 = arith.constant 0 : i32
      %dma_start3A_138 = tpu.memref_slice %arg6[%add3A_133, %dma_start3A_137] : memref<20480x128xf32, #tpu.memory_space<hbm>> -> memref<128x128xf32, #tpu.memory_space<hbm>>
      tpu.enqueue_dma source(%arg10 : memref<128x128xf32, #tpu.memory_space<vmem>>) target(%dma_start3A_138 : memref<128x128xf32, #tpu.memory_space<hbm>>) target_semaphore(%run_scoped3A_134 : memref<!tpu.dma_semaphore, #tpu.memory_space<semaphore_mem>>)
      %dma_wait3A_139 = arith.constant 0 : i32
      %dma_wait3A_140 = tpu.memref_slice %arg6[%add3A_133, %dma_wait3A_139] : memref<20480x128xf32, #tpu.memory_space<hbm>> -> memref<128x128xf32, #tpu.memory_space<hbm>>
      %dma_wait3A_141 = arith.constant 0 : i32
      %dma_wait3A_142 = tpu.memref_slice %arg6[%add3A_133, %dma_wait3A_141] : memref<20480x128xf32, #tpu.memory_space<hbm>> -> memref<128x128xf32, #tpu.memory_space<hbm>>
      tpu.wait_dma2 semaphore(%run_scoped3A_134 : memref<!tpu.dma_semaphore, #tpu.memory_space<semaphore_mem>>) src(%arg10 : memref<128x128xf32, #tpu.memory_space<vmem>>) dst(%dma_wait3A_142 : memref<128x128xf32, #tpu.memory_space<hbm>>)
      tpu.yield
    }) : () -> ()
    return
  }
}

#map = affine_map<(d0, d1) -> (0, 0)>
#map1 = affine_map<(d0, d1) -> (0, 0, 0)>
module attributes {stable_mosaic.version = 14 : i64} {
  func.func @agg_kernel(%arg0: i32, %arg1: i32, %arg2: memref<10240x128xf32, #tpu.memory_space<hbm>>, %arg3: memref<32x79x128xi32, #tpu.memory_space<hbm>>, %arg4: memref<32x79x128xi32, #tpu.memory_space<hbm>>, %arg5: memref<16x5x128xi32, #tpu.memory_space<hbm>>, %arg6: memref<20480x128xf32, #tpu.memory_space<hbm>>, %arg7: memref<79x128xi32, #tpu.memory_space<vmem>>, %arg8: memref<79x128xi32, #tpu.memory_space<vmem>>, %arg9: memref<5x128xi32, #tpu.memory_space<vmem>>, %arg10: memref<128x128xf32, #tpu.memory_space<vmem>>, %arg11: memref<10240x128xf32, #tpu.memory_space<vmem_shared>>, %arg12: memref<!tpu.dma_semaphore, #tpu.memory_space<semaphore_mem>>) attributes {dimension_semantics = [#tpu.dimension_semantics<core_parallel>, #tpu.dimension_semantics<subcore_parallel>], iteration_bounds = array<i64: 2, 16>, scalar_prefetch = 0 : i64, scratch_operands = 6 : i64, tpu.core_type = #tpu.core_type<sc_vector_subcore>, window_params = [{transform_indices = #map}, {transform_indices = #map1}, {transform_indices = #map1}, {transform_indices = #map1}, {transform_indices = #map}]} {
    %mul3A = arith.constant 16 : i32
    %mul3A_0 = arith.muli %arg0, %mul3A : i32
    %add3A = arith.addi %mul3A_0, %arg1 : i32
    "tpu.region"() ({
      %run_scoped3A_134 = tpu.sem_alloc : memref<!tpu.dma_semaphore, #tpu.memory_space<semaphore_mem>>
      %dma_start3A_135 = arith.constant 0 : i32
      %dma_start3A_136 = arith.constant 0 : i32
      %dma_start3A_137 = tpu.memref_slice %arg5[%arg1, %dma_start3A_135, %dma_start3A_136] : memref<16x5x128xi32, #tpu.memory_space<hbm>> -> memref<1x5x128xi32, #tpu.memory_space<hbm>>
      %dma_start3A_138 = tpu.memref_squeeze %dma_start3A_137 : memref<1x5x128xi32, #tpu.memory_space<hbm>> -> memref<5x128xi32, #tpu.memory_space<hbm>>
      %dma_start3A_139 = arith.constant 0 : i32
      %dma_start3A_140 = arith.constant 0 : i32
      %dma_start3A_141 = tpu.memref_slice %arg5[%arg1, %dma_start3A_139, %dma_start3A_140] : memref<16x5x128xi32, #tpu.memory_space<hbm>> -> memref<1x5x128xi32, #tpu.memory_space<hbm>>
      %dma_start3A_142 = tpu.memref_squeeze %dma_start3A_141 : memref<1x5x128xi32, #tpu.memory_space<hbm>> -> memref<5x128xi32, #tpu.memory_space<hbm>>
      tpu.enqueue_dma source(%dma_start3A_142 : memref<5x128xi32, #tpu.memory_space<hbm>>) target(%arg9 : memref<5x128xi32, #tpu.memory_space<vmem>>) target_semaphore(%run_scoped3A_134 : memref<!tpu.dma_semaphore, #tpu.memory_space<semaphore_mem>>)
      %dma_wait3A_143 = arith.constant 0 : i32
      %dma_wait3A_144 = arith.constant 0 : i32
      %dma_wait3A_145 = tpu.memref_slice %arg5[%arg1, %dma_wait3A_143, %dma_wait3A_144] : memref<16x5x128xi32, #tpu.memory_space<hbm>> -> memref<1x5x128xi32, #tpu.memory_space<hbm>>
      %dma_wait3A_146 = tpu.memref_squeeze %dma_wait3A_145 : memref<1x5x128xi32, #tpu.memory_space<hbm>> -> memref<5x128xi32, #tpu.memory_space<hbm>>
      %dma_wait3A_147 = arith.constant 0 : i32
      %dma_wait3A_148 = arith.constant 0 : i32
      %dma_wait3A_149 = tpu.memref_slice %arg5[%arg1, %dma_wait3A_147, %dma_wait3A_148] : memref<16x5x128xi32, #tpu.memory_space<hbm>> -> memref<1x5x128xi32, #tpu.memory_space<hbm>>
      %dma_wait3A_150 = tpu.memref_squeeze %dma_wait3A_149 : memref<1x5x128xi32, #tpu.memory_space<hbm>> -> memref<5x128xi32, #tpu.memory_space<hbm>>
      tpu.wait_dma2 semaphore(%run_scoped3A_134 : memref<!tpu.dma_semaphore, #tpu.memory_space<semaphore_mem>>) src(%dma_wait3A_150 : memref<5x128xi32, #tpu.memory_space<hbm>>) dst(%arg9 : memref<5x128xi32, #tpu.memory_space<vmem>>)
      tpu.yield
    }) : () -> ()
    %mul3A_1 = arith.constant 640 : i32
    %mul3A_2 = arith.muli %arg1, %mul3A_1 : i32
    %add3A_3 = arith.constant 0 : i32
    %add3A_4 = arith.addi %mul3A_2, %add3A_3 : i32
    "tpu.region"() ({
      %run_scoped3A_134 = tpu.sem_alloc : memref<!tpu.dma_semaphore, #tpu.memory_space<semaphore_mem>>
      %dma_start3A_135 = arith.constant 0 : i32
      %dma_start3A_136 = tpu.memref_slice %arg2[%add3A_4, %dma_start3A_135] : memref<10240x128xf32, #tpu.memory_space<hbm>> -> memref<128x128xf32, #tpu.memory_space<hbm>>
      %dma_start3A_137 = arith.constant 0 : i32
      %dma_start3A_138 = tpu.memref_slice %arg2[%add3A_4, %dma_start3A_137] : memref<10240x128xf32, #tpu.memory_space<hbm>> -> memref<128x128xf32, #tpu.memory_space<hbm>>
      tpu.enqueue_dma source(%dma_start3A_138 : memref<128x128xf32, #tpu.memory_space<hbm>>) target(%arg10 : memref<128x128xf32, #tpu.memory_space<vmem>>) target_semaphore(%run_scoped3A_134 : memref<!tpu.dma_semaphore, #tpu.memory_space<semaphore_mem>>)
      %dma_wait3A_139 = arith.constant 0 : i32
      %dma_wait3A_140 = tpu.memref_slice %arg2[%add3A_4, %dma_wait3A_139] : memref<10240x128xf32, #tpu.memory_space<hbm>> -> memref<128x128xf32, #tpu.memory_space<hbm>>
      %dma_wait3A_141 = arith.constant 0 : i32
      %dma_wait3A_142 = tpu.memref_slice %arg2[%add3A_4, %dma_wait3A_141] : memref<10240x128xf32, #tpu.memory_space<hbm>> -> memref<128x128xf32, #tpu.memory_space<hbm>>
      tpu.wait_dma2 semaphore(%run_scoped3A_134 : memref<!tpu.dma_semaphore, #tpu.memory_space<semaphore_mem>>) src(%dma_wait3A_142 : memref<128x128xf32, #tpu.memory_space<hbm>>) dst(%arg10 : memref<128x128xf32, #tpu.memory_space<vmem>>)
      tpu.yield
    }) : () -> ()
    %run_scoped3A = arith.constant 0 : i32
    "tpu.region"() ({
      %run_scoped3A_134 = tpu.sem_alloc : memref<!tpu.dma_semaphore, #tpu.memory_space<semaphore_mem>>
      %dma_start3A_135 = arith.constant 0 : i32
      %dma_start3A_136 = tpu.memref_slice %arg9[%run_scoped3A, %dma_start3A_135] : memref<5x128xi32, #tpu.memory_space<vmem>> -> memref<1x128xi32, #tpu.memory_space<vmem>>
      %dma_start3A_137 = tpu.memref_squeeze %dma_start3A_136 : memref<1x128xi32, #tpu.memory_space<vmem>> -> memref<128xi32, #tpu.memory_space<vmem>>
      %dma_start3A_138 = arith.constant 0 : i32
      %dma_start3A_139 = arith.constant 0 : i32
      %dma_start3A_140 = tpu.memref_slice %arg11[%dma_start3A_138, %dma_start3A_139] : memref<10240x128xf32, #tpu.memory_space<vmem_shared>> -> memref<10240x128xf32, #tpu.memory_space<vmem_shared>>
      tpu.enqueue_indirect_dma source(%arg10 : memref<128x128xf32, #tpu.memory_space<vmem>>) target(%dma_start3A_140 : memref<10240x128xf32, #tpu.memory_space<vmem_shared>>) offsets(%dma_start3A_137 : memref<128xi32, #tpu.memory_space<vmem>>) semaphore(%run_scoped3A_134 : memref<!tpu.dma_semaphore, #tpu.memory_space<semaphore_mem>>)
      %dma_wait3A_141 = arith.constant 0 : i32
      %dma_wait3A_142 = tpu.memref_slice %arg9[%run_scoped3A, %dma_wait3A_141] : memref<5x128xi32, #tpu.memory_space<vmem>> -> memref<1x128xi32, #tpu.memory_space<vmem>>
      %dma_wait3A_143 = tpu.memref_squeeze %dma_wait3A_142 : memref<1x128xi32, #tpu.memory_space<vmem>> -> memref<128xi32, #tpu.memory_space<vmem>>
      %dma_wait3A_144 = arith.constant 0 : i32
      %dma_wait3A_145 = arith.constant 0 : i32
      %dma_wait3A_146 = tpu.memref_slice %arg11[%dma_wait3A_144, %dma_wait3A_145] : memref<10240x128xf32, #tpu.memory_space<vmem_shared>> -> memref<10240x128xf32, #tpu.memory_space<vmem_shared>>
      tpu.wait_indirect_dma semaphore(%run_scoped3A_134 : memref<!tpu.dma_semaphore, #tpu.memory_space<semaphore_mem>>) src(%arg10 : memref<128x128xf32, #tpu.memory_space<vmem>>) dst(%dma_wait3A_146 : memref<10240x128xf32, #tpu.memory_space<vmem_shared>>)
      tpu.yield
    }) : () -> ()
    %mul3A_5 = arith.constant 640 : i32
    %mul3A_6 = arith.muli %arg1, %mul3A_5 : i32
    %add3A_7 = arith.constant 128 : i32
    %add3A_8 = arith.addi %mul3A_6, %add3A_7 : i32
    "tpu.region"() ({
      %run_scoped3A_134 = tpu.sem_alloc : memref<!tpu.dma_semaphore, #tpu.memory_space<semaphore_mem>>
      %dma_start3A_135 = arith.constant 0 : i32
      %dma_start3A_136 = tpu.memref_slice %arg2[%add3A_8, %dma_start3A_135] : memref<10240x128xf32, #tpu.memory_space<hbm>> -> memref<128x128xf32, #tpu.memory_space<hbm>>
      %dma_start3A_137 = arith.constant 0 : i32
      %dma_start3A_138 = tpu.memref_slice %arg2[%add3A_8, %dma_start3A_137] : memref<10240x128xf32, #tpu.memory_space<hbm>> -> memref<128x128xf32, #tpu.memory_space<hbm>>
      tpu.enqueue_dma source(%dma_start3A_138 : memref<128x128xf32, #tpu.memory_space<hbm>>) target(%arg10 : memref<128x128xf32, #tpu.memory_space<vmem>>) target_semaphore(%run_scoped3A_134 : memref<!tpu.dma_semaphore, #tpu.memory_space<semaphore_mem>>)
      %dma_wait3A_139 = arith.constant 0 : i32
      %dma_wait3A_140 = tpu.memref_slice %arg2[%add3A_8, %dma_wait3A_139] : memref<10240x128xf32, #tpu.memory_space<hbm>> -> memref<128x128xf32, #tpu.memory_space<hbm>>
      %dma_wait3A_141 = arith.constant 0 : i32
      %dma_wait3A_142 = tpu.memref_slice %arg2[%add3A_8, %dma_wait3A_141] : memref<10240x128xf32, #tpu.memory_space<hbm>> -> memref<128x128xf32, #tpu.memory_space<hbm>>
      tpu.wait_dma2 semaphore(%run_scoped3A_134 : memref<!tpu.dma_semaphore, #tpu.memory_space<semaphore_mem>>) src(%dma_wait3A_142 : memref<128x128xf32, #tpu.memory_space<hbm>>) dst(%arg10 : memref<128x128xf32, #tpu.memory_space<vmem>>)
      tpu.yield
    }) : () -> ()
    %run_scoped3A_9 = arith.constant 1 : i32
    "tpu.region"() ({
      %run_scoped3A_134 = tpu.sem_alloc : memref<!tpu.dma_semaphore, #tpu.memory_space<semaphore_mem>>
      %dma_start3A_135 = arith.constant 0 : i32
      %dma_start3A_136 = tpu.memref_slice %arg9[%run_scoped3A_9, %dma_start3A_135] : memref<5x128xi32, #tpu.memory_space<vmem>> -> memref<1x128xi32, #tpu.memory_space<vmem>>
      %dma_start3A_137 = tpu.memref_squeeze %dma_start3A_136 : memref<1x128xi32, #tpu.memory_space<vmem>> -> memref<128xi32, #tpu.memory_space<vmem>>
      %dma_start3A_138 = arith.constant 0 : i32
      %dma_start3A_139 = arith.constant 0 : i32
      %dma_start3A_140 = tpu.memref_slice %arg11[%dma_start3A_138, %dma_start3A_139] : memref<10240x128xf32, #tpu.memory_space<vmem_shared>> -> memref<10240x128xf32, #tpu.memory_space<vmem_shared>>
      tpu.enqueue_indirect_dma source(%arg10 : memref<128x128xf32, #tpu.memory_space<vmem>>) target(%dma_start3A_140 : memref<10240x128xf32, #tpu.memory_space<vmem_shared>>) offsets(%dma_start3A_137 : memref<128xi32, #tpu.memory_space<vmem>>) semaphore(%run_scoped3A_134 : memref<!tpu.dma_semaphore, #tpu.memory_space<semaphore_mem>>)
      %dma_wait3A_141 = arith.constant 0 : i32
      %dma_wait3A_142 = tpu.memref_slice %arg9[%run_scoped3A_9, %dma_wait3A_141] : memref<5x128xi32, #tpu.memory_space<vmem>> -> memref<1x128xi32, #tpu.memory_space<vmem>>
      %dma_wait3A_143 = tpu.memref_squeeze %dma_wait3A_142 : memref<1x128xi32, #tpu.memory_space<vmem>> -> memref<128xi32, #tpu.memory_space<vmem>>
      %dma_wait3A_144 = arith.constant 0 : i32
      %dma_wait3A_145 = arith.constant 0 : i32
      %dma_wait3A_146 = tpu.memref_slice %arg11[%dma_wait3A_144, %dma_wait3A_145] : memref<10240x128xf32, #tpu.memory_space<vmem_shared>> -> memref<10240x128xf32, #tpu.memory_space<vmem_shared>>
      tpu.wait_indirect_dma semaphore(%run_scoped3A_134 : memref<!tpu.dma_semaphore, #tpu.memory_space<semaphore_mem>>) src(%arg10 : memref<128x128xf32, #tpu.memory_space<vmem>>) dst(%dma_wait3A_146 : memref<10240x128xf32, #tpu.memory_space<vmem_shared>>)
      tpu.yield
    }) : () -> ()
    %mul3A_10 = arith.constant 640 : i32
    %mul3A_11 = arith.muli %arg1, %mul3A_10 : i32
    %add3A_12 = arith.constant 256 : i32
    %add3A_13 = arith.addi %mul3A_11, %add3A_12 : i32
    "tpu.region"() ({
      %run_scoped3A_134 = tpu.sem_alloc : memref<!tpu.dma_semaphore, #tpu.memory_space<semaphore_mem>>
      %dma_start3A_135 = arith.constant 0 : i32
      %dma_start3A_136 = tpu.memref_slice %arg2[%add3A_13, %dma_start3A_135] : memref<10240x128xf32, #tpu.memory_space<hbm>> -> memref<128x128xf32, #tpu.memory_space<hbm>>
      %dma_start3A_137 = arith.constant 0 : i32
      %dma_start3A_138 = tpu.memref_slice %arg2[%add3A_13, %dma_start3A_137] : memref<10240x128xf32, #tpu.memory_space<hbm>> -> memref<128x128xf32, #tpu.memory_space<hbm>>
      tpu.enqueue_dma source(%dma_start3A_138 : memref<128x128xf32, #tpu.memory_space<hbm>>) target(%arg10 : memref<128x128xf32, #tpu.memory_space<vmem>>) target_semaphore(%run_scoped3A_134 : memref<!tpu.dma_semaphore, #tpu.memory_space<semaphore_mem>>)
      %dma_wait3A_139 = arith.constant 0 : i32
      %dma_wait3A_140 = tpu.memref_slice %arg2[%add3A_13, %dma_wait3A_139] : memref<10240x128xf32, #tpu.memory_space<hbm>> -> memref<128x128xf32, #tpu.memory_space<hbm>>
      %dma_wait3A_141 = arith.constant 0 : i32
      %dma_wait3A_142 = tpu.memref_slice %arg2[%add3A_13, %dma_wait3A_141] : memref<10240x128xf32, #tpu.memory_space<hbm>> -> memref<128x128xf32, #tpu.memory_space<hbm>>
      tpu.wait_dma2 semaphore(%run_scoped3A_134 : memref<!tpu.dma_semaphore, #tpu.memory_space<semaphore_mem>>) src(%dma_wait3A_142 : memref<128x128xf32, #tpu.memory_space<hbm>>) dst(%arg10 : memref<128x128xf32, #tpu.memory_space<vmem>>)
      tpu.yield
    }) : () -> ()
    %run_scoped3A_14 = arith.constant 2 : i32
    "tpu.region"() ({
      %run_scoped3A_134 = tpu.sem_alloc : memref<!tpu.dma_semaphore, #tpu.memory_space<semaphore_mem>>
      %dma_start3A_135 = arith.constant 0 : i32
      %dma_start3A_136 = tpu.memref_slice %arg9[%run_scoped3A_14, %dma_start3A_135] : memref<5x128xi32, #tpu.memory_space<vmem>> -> memref<1x128xi32, #tpu.memory_space<vmem>>
      %dma_start3A_137 = tpu.memref_squeeze %dma_start3A_136 : memref<1x128xi32, #tpu.memory_space<vmem>> -> memref<128xi32, #tpu.memory_space<vmem>>
      %dma_start3A_138 = arith.constant 0 : i32
      %dma_start3A_139 = arith.constant 0 : i32
      %dma_start3A_140 = tpu.memref_slice %arg11[%dma_start3A_138, %dma_start3A_139] : memref<10240x128xf32, #tpu.memory_space<vmem_shared>> -> memref<10240x128xf32, #tpu.memory_space<vmem_shared>>
      tpu.enqueue_indirect_dma source(%arg10 : memref<128x128xf32, #tpu.memory_space<vmem>>) target(%dma_start3A_140 : memref<10240x128xf32, #tpu.memory_space<vmem_shared>>) offsets(%dma_start3A_137 : memref<128xi32, #tpu.memory_space<vmem>>) semaphore(%run_scoped3A_134 : memref<!tpu.dma_semaphore, #tpu.memory_space<semaphore_mem>>)
      %dma_wait3A_141 = arith.constant 0 : i32
      %dma_wait3A_142 = tpu.memref_slice %arg9[%run_scoped3A_14, %dma_wait3A_141] : memref<5x128xi32, #tpu.memory_space<vmem>> -> memref<1x128xi32, #tpu.memory_space<vmem>>
      %dma_wait3A_143 = tpu.memref_squeeze %dma_wait3A_142 : memref<1x128xi32, #tpu.memory_space<vmem>> -> memref<128xi32, #tpu.memory_space<vmem>>
      %dma_wait3A_144 = arith.constant 0 : i32
      %dma_wait3A_145 = arith.constant 0 : i32
      %dma_wait3A_146 = tpu.memref_slice %arg11[%dma_wait3A_144, %dma_wait3A_145] : memref<10240x128xf32, #tpu.memory_space<vmem_shared>> -> memref<10240x128xf32, #tpu.memory_space<vmem_shared>>
      tpu.wait_indirect_dma semaphore(%run_scoped3A_134 : memref<!tpu.dma_semaphore, #tpu.memory_space<semaphore_mem>>) src(%arg10 : memref<128x128xf32, #tpu.memory_space<vmem>>) dst(%dma_wait3A_146 : memref<10240x128xf32, #tpu.memory_space<vmem_shared>>)
      tpu.yield
    }) : () -> ()
    %mul3A_15 = arith.constant 640 : i32
    %mul3A_16 = arith.muli %arg1, %mul3A_15 : i32
    %add3A_17 = arith.constant 384 : i32
    %add3A_18 = arith.addi %mul3A_16, %add3A_17 : i32
    "tpu.region"() ({
      %run_scoped3A_134 = tpu.sem_alloc : memref<!tpu.dma_semaphore, #tpu.memory_space<semaphore_mem>>
      %dma_start3A_135 = arith.constant 0 : i32
      %dma_start3A_136 = tpu.memref_slice %arg2[%add3A_18, %dma_start3A_135] : memref<10240x128xf32, #tpu.memory_space<hbm>> -> memref<128x128xf32, #tpu.memory_space<hbm>>
      %dma_start3A_137 = arith.constant 0 : i32
      %dma_start3A_138 = tpu.memref_slice %arg2[%add3A_18, %dma_start3A_137] : memref<10240x128xf32, #tpu.memory_space<hbm>> -> memref<128x128xf32, #tpu.memory_space<hbm>>
      tpu.enqueue_dma source(%dma_start3A_138 : memref<128x128xf32, #tpu.memory_space<hbm>>) target(%arg10 : memref<128x128xf32, #tpu.memory_space<vmem>>) target_semaphore(%run_scoped3A_134 : memref<!tpu.dma_semaphore, #tpu.memory_space<semaphore_mem>>)
      %dma_wait3A_139 = arith.constant 0 : i32
      %dma_wait3A_140 = tpu.memref_slice %arg2[%add3A_18, %dma_wait3A_139] : memref<10240x128xf32, #tpu.memory_space<hbm>> -> memref<128x128xf32, #tpu.memory_space<hbm>>
      %dma_wait3A_141 = arith.constant 0 : i32
      %dma_wait3A_142 = tpu.memref_slice %arg2[%add3A_18, %dma_wait3A_141] : memref<10240x128xf32, #tpu.memory_space<hbm>> -> memref<128x128xf32, #tpu.memory_space<hbm>>
      tpu.wait_dma2 semaphore(%run_scoped3A_134 : memref<!tpu.dma_semaphore, #tpu.memory_space<semaphore_mem>>) src(%dma_wait3A_142 : memref<128x128xf32, #tpu.memory_space<hbm>>) dst(%arg10 : memref<128x128xf32, #tpu.memory_space<vmem>>)
      tpu.yield
    }) : () -> ()
    %run_scoped3A_19 = arith.constant 3 : i32
    "tpu.region"() ({
      %run_scoped3A_134 = tpu.sem_alloc : memref<!tpu.dma_semaphore, #tpu.memory_space<semaphore_mem>>
      %dma_start3A_135 = arith.constant 0 : i32
      %dma_start3A_136 = tpu.memref_slice %arg9[%run_scoped3A_19, %dma_start3A_135] : memref<5x128xi32, #tpu.memory_space<vmem>> -> memref<1x128xi32, #tpu.memory_space<vmem>>
      %dma_start3A_137 = tpu.memref_squeeze %dma_start3A_136 : memref<1x128xi32, #tpu.memory_space<vmem>> -> memref<128xi32, #tpu.memory_space<vmem>>
      %dma_start3A_138 = arith.constant 0 : i32
      %dma_start3A_139 = arith.constant 0 : i32
      %dma_start3A_140 = tpu.memref_slice %arg11[%dma_start3A_138, %dma_start3A_139] : memref<10240x128xf32, #tpu.memory_space<vmem_shared>> -> memref<10240x128xf32, #tpu.memory_space<vmem_shared>>
      tpu.enqueue_indirect_dma source(%arg10 : memref<128x128xf32, #tpu.memory_space<vmem>>) target(%dma_start3A_140 : memref<10240x128xf32, #tpu.memory_space<vmem_shared>>) offsets(%dma_start3A_137 : memref<128xi32, #tpu.memory_space<vmem>>) semaphore(%run_scoped3A_134 : memref<!tpu.dma_semaphore, #tpu.memory_space<semaphore_mem>>)
      %dma_wait3A_141 = arith.constant 0 : i32
      %dma_wait3A_142 = tpu.memref_slice %arg9[%run_scoped3A_19, %dma_wait3A_141] : memref<5x128xi32, #tpu.memory_space<vmem>> -> memref<1x128xi32, #tpu.memory_space<vmem>>
      %dma_wait3A_143 = tpu.memref_squeeze %dma_wait3A_142 : memref<1x128xi32, #tpu.memory_space<vmem>> -> memref<128xi32, #tpu.memory_space<vmem>>
      %dma_wait3A_144 = arith.constant 0 : i32
      %dma_wait3A_145 = arith.constant 0 : i32
      %dma_wait3A_146 = tpu.memref_slice %arg11[%dma_wait3A_144, %dma_wait3A_145] : memref<10240x128xf32, #tpu.memory_space<vmem_shared>> -> memref<10240x128xf32, #tpu.memory_space<vmem_shared>>
      tpu.wait_indirect_dma semaphore(%run_scoped3A_134 : memref<!tpu.dma_semaphore, #tpu.memory_space<semaphore_mem>>) src(%arg10 : memref<128x128xf32, #tpu.memory_space<vmem>>) dst(%dma_wait3A_146 : memref<10240x128xf32, #tpu.memory_space<vmem_shared>>)
      tpu.yield
    }) : () -> ()
    %mul3A_20 = arith.constant 640 : i32
    %mul3A_21 = arith.muli %arg1, %mul3A_20 : i32
    %add3A_22 = arith.constant 512 : i32
    %add3A_23 = arith.addi %mul3A_21, %add3A_22 : i32
    "tpu.region"() ({
      %run_scoped3A_134 = tpu.sem_alloc : memref<!tpu.dma_semaphore, #tpu.memory_space<semaphore_mem>>
      %dma_start3A_135 = arith.constant 0 : i32
      %dma_start3A_136 = tpu.memref_slice %arg2[%add3A_23, %dma_start3A_135] : memref<10240x128xf32, #tpu.memory_space<hbm>> -> memref<128x128xf32, #tpu.memory_space<hbm>>
      %dma_start3A_137 = arith.constant 0 : i32
      %dma_start3A_138 = tpu.memref_slice %arg2[%add3A_23, %dma_start3A_137] : memref<10240x128xf32, #tpu.memory_space<hbm>> -> memref<128x128xf32, #tpu.memory_space<hbm>>
      tpu.enqueue_dma source(%dma_start3A_138 : memref<128x128xf32, #tpu.memory_space<hbm>>) target(%arg10 : memref<128x128xf32, #tpu.memory_space<vmem>>) target_semaphore(%run_scoped3A_134 : memref<!tpu.dma_semaphore, #tpu.memory_space<semaphore_mem>>)
      %dma_wait3A_139 = arith.constant 0 : i32
      %dma_wait3A_140 = tpu.memref_slice %arg2[%add3A_23, %dma_wait3A_139] : memref<10240x128xf32, #tpu.memory_space<hbm>> -> memref<128x128xf32, #tpu.memory_space<hbm>>
      %dma_wait3A_141 = arith.constant 0 : i32
      %dma_wait3A_142 = tpu.memref_slice %arg2[%add3A_23, %dma_wait3A_141] : memref<10240x128xf32, #tpu.memory_space<hbm>> -> memref<128x128xf32, #tpu.memory_space<hbm>>
      tpu.wait_dma2 semaphore(%run_scoped3A_134 : memref<!tpu.dma_semaphore, #tpu.memory_space<semaphore_mem>>) src(%dma_wait3A_142 : memref<128x128xf32, #tpu.memory_space<hbm>>) dst(%arg10 : memref<128x128xf32, #tpu.memory_space<vmem>>)
      tpu.yield
    }) : () -> ()
    %run_scoped3A_24 = arith.constant 4 : i32
    "tpu.region"() ({
      %run_scoped3A_134 = tpu.sem_alloc : memref<!tpu.dma_semaphore, #tpu.memory_space<semaphore_mem>>
      %dma_start3A_135 = arith.constant 0 : i32
      %dma_start3A_136 = tpu.memref_slice %arg9[%run_scoped3A_24, %dma_start3A_135] : memref<5x128xi32, #tpu.memory_space<vmem>> -> memref<1x128xi32, #tpu.memory_space<vmem>>
      %dma_start3A_137 = tpu.memref_squeeze %dma_start3A_136 : memref<1x128xi32, #tpu.memory_space<vmem>> -> memref<128xi32, #tpu.memory_space<vmem>>
      %dma_start3A_138 = arith.constant 0 : i32
      %dma_start3A_139 = arith.constant 0 : i32
      %dma_start3A_140 = tpu.memref_slice %arg11[%dma_start3A_138, %dma_start3A_139] : memref<10240x128xf32, #tpu.memory_space<vmem_shared>> -> memref<10240x128xf32, #tpu.memory_space<vmem_shared>>
      tpu.enqueue_indirect_dma source(%arg10 : memref<128x128xf32, #tpu.memory_space<vmem>>) target(%dma_start3A_140 : memref<10240x128xf32, #tpu.memory_space<vmem_shared>>) offsets(%dma_start3A_137 : memref<128xi32, #tpu.memory_space<vmem>>) semaphore(%run_scoped3A_134 : memref<!tpu.dma_semaphore, #tpu.memory_space<semaphore_mem>>)
      %dma_wait3A_141 = arith.constant 0 : i32
      %dma_wait3A_142 = tpu.memref_slice %arg9[%run_scoped3A_24, %dma_wait3A_141] : memref<5x128xi32, #tpu.memory_space<vmem>> -> memref<1x128xi32, #tpu.memory_space<vmem>>
      %dma_wait3A_143 = tpu.memref_squeeze %dma_wait3A_142 : memref<1x128xi32, #tpu.memory_space<vmem>> -> memref<128xi32, #tpu.memory_space<vmem>>
      %dma_wait3A_144 = arith.constant 0 : i32
      %dma_wait3A_145 = arith.constant 0 : i32
      %dma_wait3A_146 = tpu.memref_slice %arg11[%dma_wait3A_144, %dma_wait3A_145] : memref<10240x128xf32, #tpu.memory_space<vmem_shared>> -> memref<10240x128xf32, #tpu.memory_space<vmem_shared>>
      tpu.wait_indirect_dma semaphore(%run_scoped3A_134 : memref<!tpu.dma_semaphore, #tpu.memory_space<semaphore_mem>>) src(%arg10 : memref<128x128xf32, #tpu.memory_space<vmem>>) dst(%dma_wait3A_146 : memref<10240x128xf32, #tpu.memory_space<vmem_shared>>)
      tpu.yield
    }) : () -> ()
    "tpu.region"() ({
      %run_scoped3A_134 = tpu.sem_alloc : memref<!tpu.dma_semaphore, #tpu.memory_space<semaphore_mem>>
      %dma_start3A_135 = arith.constant 0 : i32
      %dma_start3A_136 = arith.constant 0 : i32
      %dma_start3A_137 = tpu.memref_slice %arg3[%add3A, %dma_start3A_135, %dma_start3A_136] : memref<32x79x128xi32, #tpu.memory_space<hbm>> -> memref<1x79x128xi32, #tpu.memory_space<hbm>>
      %dma_start3A_138 = tpu.memref_squeeze %dma_start3A_137 : memref<1x79x128xi32, #tpu.memory_space<hbm>> -> memref<79x128xi32, #tpu.memory_space<hbm>>
      %dma_start3A_139 = arith.constant 0 : i32
      %dma_start3A_140 = arith.constant 0 : i32
      %dma_start3A_141 = tpu.memref_slice %arg3[%add3A, %dma_start3A_139, %dma_start3A_140] : memref<32x79x128xi32, #tpu.memory_space<hbm>> -> memref<1x79x128xi32, #tpu.memory_space<hbm>>
      %dma_start3A_142 = tpu.memref_squeeze %dma_start3A_141 : memref<1x79x128xi32, #tpu.memory_space<hbm>> -> memref<79x128xi32, #tpu.memory_space<hbm>>
      tpu.enqueue_dma source(%dma_start3A_142 : memref<79x128xi32, #tpu.memory_space<hbm>>) target(%arg7 : memref<79x128xi32, #tpu.memory_space<vmem>>) target_semaphore(%run_scoped3A_134 : memref<!tpu.dma_semaphore, #tpu.memory_space<semaphore_mem>>)
      %dma_wait3A_143 = arith.constant 0 : i32
      %dma_wait3A_144 = arith.constant 0 : i32
      %dma_wait3A_145 = tpu.memref_slice %arg3[%add3A, %dma_wait3A_143, %dma_wait3A_144] : memref<32x79x128xi32, #tpu.memory_space<hbm>> -> memref<1x79x128xi32, #tpu.memory_space<hbm>>
      %dma_wait3A_146 = tpu.memref_squeeze %dma_wait3A_145 : memref<1x79x128xi32, #tpu.memory_space<hbm>> -> memref<79x128xi32, #tpu.memory_space<hbm>>
      %dma_wait3A_147 = arith.constant 0 : i32
      %dma_wait3A_148 = arith.constant 0 : i32
      %dma_wait3A_149 = tpu.memref_slice %arg3[%add3A, %dma_wait3A_147, %dma_wait3A_148] : memref<32x79x128xi32, #tpu.memory_space<hbm>> -> memref<1x79x128xi32, #tpu.memory_space<hbm>>
      %dma_wait3A_150 = tpu.memref_squeeze %dma_wait3A_149 : memref<1x79x128xi32, #tpu.memory_space<hbm>> -> memref<79x128xi32, #tpu.memory_space<hbm>>
      tpu.wait_dma2 semaphore(%run_scoped3A_134 : memref<!tpu.dma_semaphore, #tpu.memory_space<semaphore_mem>>) src(%dma_wait3A_150 : memref<79x128xi32, #tpu.memory_space<hbm>>) dst(%arg7 : memref<79x128xi32, #tpu.memory_space<vmem>>)
      tpu.yield
    }) : () -> ()
    "tpu.region"() ({
      %run_scoped3A_134 = tpu.sem_alloc : memref<!tpu.dma_semaphore, #tpu.memory_space<semaphore_mem>>
      %dma_start3A_135 = arith.constant 0 : i32
      %dma_start3A_136 = arith.constant 0 : i32
      %dma_start3A_137 = tpu.memref_slice %arg4[%add3A, %dma_start3A_135, %dma_start3A_136] : memref<32x79x128xi32, #tpu.memory_space<hbm>> -> memref<1x79x128xi32, #tpu.memory_space<hbm>>
      %dma_start3A_138 = tpu.memref_squeeze %dma_start3A_137 : memref<1x79x128xi32, #tpu.memory_space<hbm>> -> memref<79x128xi32, #tpu.memory_space<hbm>>
      %dma_start3A_139 = arith.constant 0 : i32
      %dma_start3A_140 = arith.constant 0 : i32
      %dma_start3A_141 = tpu.memref_slice %arg4[%add3A, %dma_start3A_139, %dma_start3A_140] : memref<32x79x128xi32, #tpu.memory_space<hbm>> -> memref<1x79x128xi32, #tpu.memory_space<hbm>>
      %dma_start3A_142 = tpu.memref_squeeze %dma_start3A_141 : memref<1x79x128xi32, #tpu.memory_space<hbm>> -> memref<79x128xi32, #tpu.memory_space<hbm>>
      tpu.enqueue_dma source(%dma_start3A_142 : memref<79x128xi32, #tpu.memory_space<hbm>>) target(%arg8 : memref<79x128xi32, #tpu.memory_space<vmem>>) target_semaphore(%run_scoped3A_134 : memref<!tpu.dma_semaphore, #tpu.memory_space<semaphore_mem>>)
      %dma_wait3A_143 = arith.constant 0 : i32
      %dma_wait3A_144 = arith.constant 0 : i32
      %dma_wait3A_145 = tpu.memref_slice %arg4[%add3A, %dma_wait3A_143, %dma_wait3A_144] : memref<32x79x128xi32, #tpu.memory_space<hbm>> -> memref<1x79x128xi32, #tpu.memory_space<hbm>>
      %dma_wait3A_146 = tpu.memref_squeeze %dma_wait3A_145 : memref<1x79x128xi32, #tpu.memory_space<hbm>> -> memref<79x128xi32, #tpu.memory_space<hbm>>
      %dma_wait3A_147 = arith.constant 0 : i32
      %dma_wait3A_148 = arith.constant 0 : i32
      %dma_wait3A_149 = tpu.memref_slice %arg4[%add3A, %dma_wait3A_147, %dma_wait3A_148] : memref<32x79x128xi32, #tpu.memory_space<hbm>> -> memref<1x79x128xi32, #tpu.memory_space<hbm>>
      %dma_wait3A_150 = tpu.memref_squeeze %dma_wait3A_149 : memref<1x79x128xi32, #tpu.memory_space<hbm>> -> memref<79x128xi32, #tpu.memory_space<hbm>>
      tpu.wait_dma2 semaphore(%run_scoped3A_134 : memref<!tpu.dma_semaphore, #tpu.memory_space<semaphore_mem>>) src(%dma_wait3A_150 : memref<79x128xi32, #tpu.memory_space<hbm>>) dst(%arg8 : memref<79x128xi32, #tpu.memory_space<vmem>>)
      tpu.yield
    }) : () -> ()
    %barrier3A = arith.constant 0 : index
    tpu.barrier barrier_id(%barrier3A)
    %scan3A = arith.constant 0 : i32
    %scan3A_25 = arith.constant 0 : i32
    %scan3A_26 = arith.constant 79 : i32
    %scan3A_27 = arith.addi %scan3A_25, %scan3A_26 : i32
    %scan3A_28 = arith.constant 1 : i32
    scf.for %scan3A_134 = %scan3A_25 to %scan3A_27 step %scan3A_28  : i32 {
      %dma_start3A_135 = arith.constant 0 : i32
      %dma_start3A_136 = tpu.memref_slice %arg7[%scan3A_134, %dma_start3A_135] : memref<79x128xi32, #tpu.memory_space<vmem>> -> memref<1x128xi32, #tpu.memory_space<vmem>>
      %dma_start3A_137 = tpu.memref_squeeze %dma_start3A_136 : memref<1x128xi32, #tpu.memory_space<vmem>> -> memref<128xi32, #tpu.memory_space<vmem>>
      %dma_start3A_138 = arith.constant 0 : i32
      %dma_start3A_139 = arith.constant 0 : i32
      %dma_start3A_140 = tpu.memref_slice %arg2[%dma_start3A_138, %dma_start3A_139] : memref<10240x128xf32, #tpu.memory_space<hbm>> -> memref<10240x128xf32, #tpu.memory_space<hbm>>
      tpu.enqueue_indirect_dma source(%dma_start3A_140 : memref<10240x128xf32, #tpu.memory_space<hbm>>) target(%arg10 : memref<128x128xf32, #tpu.memory_space<vmem>>) offsets(%dma_start3A_137 : memref<128xi32, #tpu.memory_space<vmem>>) semaphore(%arg12 : memref<!tpu.dma_semaphore, #tpu.memory_space<semaphore_mem>>)
      %dma_wait3A_141 = arith.constant 0 : i32
      %dma_wait3A_142 = tpu.memref_slice %arg7[%scan3A_134, %dma_wait3A_141] : memref<79x128xi32, #tpu.memory_space<vmem>> -> memref<1x128xi32, #tpu.memory_space<vmem>>
      %dma_wait3A_143 = tpu.memref_squeeze %dma_wait3A_142 : memref<1x128xi32, #tpu.memory_space<vmem>> -> memref<128xi32, #tpu.memory_space<vmem>>
      %dma_wait3A_144 = arith.constant 0 : i32
      %dma_wait3A_145 = arith.constant 0 : i32
      %dma_wait3A_146 = tpu.memref_slice %arg2[%dma_wait3A_144, %dma_wait3A_145] : memref<10240x128xf32, #tpu.memory_space<hbm>> -> memref<10240x128xf32, #tpu.memory_space<hbm>>
      tpu.wait_indirect_dma semaphore(%arg12 : memref<!tpu.dma_semaphore, #tpu.memory_space<semaphore_mem>>) src(%dma_wait3A_146 : memref<10240x128xf32, #tpu.memory_space<hbm>>) dst(%arg10 : memref<128x128xf32, #tpu.memory_space<vmem>>)
      "tpu.region"() ({
        %run_scoped3A_147 = tpu.sem_alloc : memref<!tpu.dma_semaphore, #tpu.memory_space<semaphore_mem>>
        %dma_start3A_148 = arith.constant 0 : i32
        %dma_start3A_149 = tpu.memref_slice %arg8[%scan3A_134, %dma_start3A_148] : memref<79x128xi32, #tpu.memory_space<vmem>> -> memref<1x128xi32, #tpu.memory_space<vmem>>
        %dma_start3A_150 = tpu.memref_squeeze %dma_start3A_149 : memref<1x128xi32, #tpu.memory_space<vmem>> -> memref<128xi32, #tpu.memory_space<vmem>>
        %dma_start3A_151 = arith.constant 0 : i32
        %dma_start3A_152 = arith.constant 0 : i32
        %dma_start3A_153 = tpu.memref_slice %arg11[%dma_start3A_151, %dma_start3A_152] : memref<10240x128xf32, #tpu.memory_space<vmem_shared>> -> memref<10240x128xf32, #tpu.memory_space<vmem_shared>>
        tpu.enqueue_indirect_dma source(%arg10 : memref<128x128xf32, #tpu.memory_space<vmem>>) target(%dma_start3A_153 : memref<10240x128xf32, #tpu.memory_space<vmem_shared>>) offsets(%dma_start3A_150 : memref<128xi32, #tpu.memory_space<vmem>>) semaphore(%run_scoped3A_147 : memref<!tpu.dma_semaphore, #tpu.memory_space<semaphore_mem>>) {add = true}
        %dma_wait3A_154 = arith.constant 0 : i32
        %dma_wait3A_155 = tpu.memref_slice %arg8[%scan3A_134, %dma_wait3A_154] : memref<79x128xi32, #tpu.memory_space<vmem>> -> memref<1x128xi32, #tpu.memory_space<vmem>>
        %dma_wait3A_156 = tpu.memref_squeeze %dma_wait3A_155 : memref<1x128xi32, #tpu.memory_space<vmem>> -> memref<128xi32, #tpu.memory_space<vmem>>
        %dma_wait3A_157 = arith.constant 0 : i32
        %dma_wait3A_158 = arith.constant 0 : i32
        %dma_wait3A_159 = tpu.memref_slice %arg11[%dma_wait3A_157, %dma_wait3A_158] : memref<10240x128xf32, #tpu.memory_space<vmem_shared>> -> memref<10240x128xf32, #tpu.memory_space<vmem_shared>>
        tpu.wait_indirect_dma semaphore(%run_scoped3A_147 : memref<!tpu.dma_semaphore, #tpu.memory_space<semaphore_mem>>) src(%arg10 : memref<128x128xf32, #tpu.memory_space<vmem>>) dst(%dma_wait3A_159 : memref<10240x128xf32, #tpu.memory_space<vmem_shared>>)
        tpu.yield
      }) : () -> ()
    }
    %scan3A_29 = arith.constant 79 : i32
    %barrier3A_30 = arith.constant 0 : index
    tpu.barrier barrier_id(%barrier3A_30)
    %dma_start3A = arith.constant 0 : i32
    %dma_start3A_31 = arith.constant 0 : i32
    %dma_start3A_32 = tpu.memref_slice %arg9[%dma_start3A, %dma_start3A_31] : memref<5x128xi32, #tpu.memory_space<vmem>> -> memref<1x128xi32, #tpu.memory_space<vmem>>
    %dma_start3A_33 = tpu.memref_squeeze %dma_start3A_32 : memref<1x128xi32, #tpu.memory_space<vmem>> -> memref<128xi32, #tpu.memory_space<vmem>>
    %dma_start3A_34 = arith.constant 0 : i32
    %dma_start3A_35 = arith.constant 0 : i32
    %dma_start3A_36 = tpu.memref_slice %arg11[%dma_start3A_34, %dma_start3A_35] : memref<10240x128xf32, #tpu.memory_space<vmem_shared>> -> memref<10240x128xf32, #tpu.memory_space<vmem_shared>>
    tpu.enqueue_indirect_dma source(%dma_start3A_36 : memref<10240x128xf32, #tpu.memory_space<vmem_shared>>) target(%arg10 : memref<128x128xf32, #tpu.memory_space<vmem>>) offsets(%dma_start3A_33 : memref<128xi32, #tpu.memory_space<vmem>>) semaphore(%arg12 : memref<!tpu.dma_semaphore, #tpu.memory_space<semaphore_mem>>)
    %dma_wait3A = arith.constant 0 : i32
    %dma_wait3A_37 = arith.constant 0 : i32
    %dma_wait3A_38 = tpu.memref_slice %arg9[%dma_wait3A, %dma_wait3A_37] : memref<5x128xi32, #tpu.memory_space<vmem>> -> memref<1x128xi32, #tpu.memory_space<vmem>>
    %dma_wait3A_39 = tpu.memref_squeeze %dma_wait3A_38 : memref<1x128xi32, #tpu.memory_space<vmem>> -> memref<128xi32, #tpu.memory_space<vmem>>
    %dma_wait3A_40 = arith.constant 0 : i32
    %dma_wait3A_41 = arith.constant 0 : i32
    %dma_wait3A_42 = tpu.memref_slice %arg11[%dma_wait3A_40, %dma_wait3A_41] : memref<10240x128xf32, #tpu.memory_space<vmem_shared>> -> memref<10240x128xf32, #tpu.memory_space<vmem_shared>>
    tpu.wait_indirect_dma semaphore(%arg12 : memref<!tpu.dma_semaphore, #tpu.memory_space<semaphore_mem>>) src(%dma_wait3A_42 : memref<10240x128xf32, #tpu.memory_space<vmem_shared>>) dst(%arg10 : memref<128x128xf32, #tpu.memory_space<vmem>>)
    %mul3A_43 = arith.constant 10240 : i32
    %mul3A_44 = arith.muli %arg0, %mul3A_43 : i32
    %mul3A_45 = arith.constant 640 : i32
    %mul3A_46 = arith.muli %arg1, %mul3A_45 : i32
    %add3A_47 = arith.addi %mul3A_44, %mul3A_46 : i32
    %add3A_48 = arith.constant 0 : i32
    %add3A_49 = arith.addi %add3A_47, %add3A_48 : i32
    "tpu.region"() ({
      %run_scoped3A_134 = tpu.sem_alloc : memref<!tpu.dma_semaphore, #tpu.memory_space<semaphore_mem>>
      %dma_start3A_135 = arith.constant 0 : i32
      %dma_start3A_136 = tpu.memref_slice %arg6[%add3A_49, %dma_start3A_135] : memref<20480x128xf32, #tpu.memory_space<hbm>> -> memref<128x128xf32, #tpu.memory_space<hbm>>
      %dma_start3A_137 = arith.constant 0 : i32
      %dma_start3A_138 = tpu.memref_slice %arg6[%add3A_49, %dma_start3A_137] : memref<20480x128xf32, #tpu.memory_space<hbm>> -> memref<128x128xf32, #tpu.memory_space<hbm>>
      tpu.enqueue_dma source(%arg10 : memref<128x128xf32, #tpu.memory_space<vmem>>) target(%dma_start3A_138 : memref<128x128xf32, #tpu.memory_space<hbm>>) target_semaphore(%run_scoped3A_134 : memref<!tpu.dma_semaphore, #tpu.memory_space<semaphore_mem>>)
      %dma_wait3A_139 = arith.constant 0 : i32
      %dma_wait3A_140 = tpu.memref_slice %arg6[%add3A_49, %dma_wait3A_139] : memref<20480x128xf32, #tpu.memory_space<hbm>> -> memref<128x128xf32, #tpu.memory_space<hbm>>
      %dma_wait3A_141 = arith.constant 0 : i32
      %dma_wait3A_142 = tpu.memref_slice %arg6[%add3A_49, %dma_wait3A_141] : memref<20480x128xf32, #tpu.memory_space<hbm>> -> memref<128x128xf32, #tpu.memory_space<hbm>>
      tpu.wait_dma2 semaphore(%run_scoped3A_134 : memref<!tpu.dma_semaphore, #tpu.memory_space<semaphore_mem>>) src(%arg10 : memref<128x128xf32, #tpu.memory_space<vmem>>) dst(%dma_wait3A_142 : memref<128x128xf32, #tpu.memory_space<hbm>>)
      tpu.yield
    }) : () -> ()
    %dma_start3A_50 = arith.constant 1 : i32
    %dma_start3A_51 = arith.constant 0 : i32
    %dma_start3A_52 = tpu.memref_slice %arg9[%dma_start3A_50, %dma_start3A_51] : memref<5x128xi32, #tpu.memory_space<vmem>> -> memref<1x128xi32, #tpu.memory_space<vmem>>
    %dma_start3A_53 = tpu.memref_squeeze %dma_start3A_52 : memref<1x128xi32, #tpu.memory_space<vmem>> -> memref<128xi32, #tpu.memory_space<vmem>>
    %dma_start3A_54 = arith.constant 0 : i32
    %dma_start3A_55 = arith.constant 0 : i32
    %dma_start3A_56 = tpu.memref_slice %arg11[%dma_start3A_54, %dma_start3A_55] : memref<10240x128xf32, #tpu.memory_space<vmem_shared>> -> memref<10240x128xf32, #tpu.memory_space<vmem_shared>>
    tpu.enqueue_indirect_dma source(%dma_start3A_56 : memref<10240x128xf32, #tpu.memory_space<vmem_shared>>) target(%arg10 : memref<128x128xf32, #tpu.memory_space<vmem>>) offsets(%dma_start3A_53 : memref<128xi32, #tpu.memory_space<vmem>>) semaphore(%arg12 : memref<!tpu.dma_semaphore, #tpu.memory_space<semaphore_mem>>)
    %dma_wait3A_57 = arith.constant 1 : i32
    %dma_wait3A_58 = arith.constant 0 : i32
    %dma_wait3A_59 = tpu.memref_slice %arg9[%dma_wait3A_57, %dma_wait3A_58] : memref<5x128xi32, #tpu.memory_space<vmem>> -> memref<1x128xi32, #tpu.memory_space<vmem>>
    %dma_wait3A_60 = tpu.memref_squeeze %dma_wait3A_59 : memref<1x128xi32, #tpu.memory_space<vmem>> -> memref<128xi32, #tpu.memory_space<vmem>>
    %dma_wait3A_61 = arith.constant 0 : i32
    %dma_wait3A_62 = arith.constant 0 : i32
    %dma_wait3A_63 = tpu.memref_slice %arg11[%dma_wait3A_61, %dma_wait3A_62] : memref<10240x128xf32, #tpu.memory_space<vmem_shared>> -> memref<10240x128xf32, #tpu.memory_space<vmem_shared>>
    tpu.wait_indirect_dma semaphore(%arg12 : memref<!tpu.dma_semaphore, #tpu.memory_space<semaphore_mem>>) src(%dma_wait3A_63 : memref<10240x128xf32, #tpu.memory_space<vmem_shared>>) dst(%arg10 : memref<128x128xf32, #tpu.memory_space<vmem>>)
    %mul3A_64 = arith.constant 10240 : i32
    %mul3A_65 = arith.muli %arg0, %mul3A_64 : i32
    %mul3A_66 = arith.constant 640 : i32
    %mul3A_67 = arith.muli %arg1, %mul3A_66 : i32
    %add3A_68 = arith.addi %mul3A_65, %mul3A_67 : i32
    %add3A_69 = arith.constant 128 : i32
    %add3A_70 = arith.addi %add3A_68, %add3A_69 : i32
    "tpu.region"() ({
      %run_scoped3A_134 = tpu.sem_alloc : memref<!tpu.dma_semaphore, #tpu.memory_space<semaphore_mem>>
      %dma_start3A_135 = arith.constant 0 : i32
      %dma_start3A_136 = tpu.memref_slice %arg6[%add3A_70, %dma_start3A_135] : memref<20480x128xf32, #tpu.memory_space<hbm>> -> memref<128x128xf32, #tpu.memory_space<hbm>>
      %dma_start3A_137 = arith.constant 0 : i32
      %dma_start3A_138 = tpu.memref_slice %arg6[%add3A_70, %dma_start3A_137] : memref<20480x128xf32, #tpu.memory_space<hbm>> -> memref<128x128xf32, #tpu.memory_space<hbm>>
      tpu.enqueue_dma source(%arg10 : memref<128x128xf32, #tpu.memory_space<vmem>>) target(%dma_start3A_138 : memref<128x128xf32, #tpu.memory_space<hbm>>) target_semaphore(%run_scoped3A_134 : memref<!tpu.dma_semaphore, #tpu.memory_space<semaphore_mem>>)
      %dma_wait3A_139 = arith.constant 0 : i32
      %dma_wait3A_140 = tpu.memref_slice %arg6[%add3A_70, %dma_wait3A_139] : memref<20480x128xf32, #tpu.memory_space<hbm>> -> memref<128x128xf32, #tpu.memory_space<hbm>>
      %dma_wait3A_141 = arith.constant 0 : i32
      %dma_wait3A_142 = tpu.memref_slice %arg6[%add3A_70, %dma_wait3A_141] : memref<20480x128xf32, #tpu.memory_space<hbm>> -> memref<128x128xf32, #tpu.memory_space<hbm>>
      tpu.wait_dma2 semaphore(%run_scoped3A_134 : memref<!tpu.dma_semaphore, #tpu.memory_space<semaphore_mem>>) src(%arg10 : memref<128x128xf32, #tpu.memory_space<vmem>>) dst(%dma_wait3A_142 : memref<128x128xf32, #tpu.memory_space<hbm>>)
      tpu.yield
    }) : () -> ()
    %dma_start3A_71 = arith.constant 2 : i32
    %dma_start3A_72 = arith.constant 0 : i32
    %dma_start3A_73 = tpu.memref_slice %arg9[%dma_start3A_71, %dma_start3A_72] : memref<5x128xi32, #tpu.memory_space<vmem>> -> memref<1x128xi32, #tpu.memory_space<vmem>>
    %dma_start3A_74 = tpu.memref_squeeze %dma_start3A_73 : memref<1x128xi32, #tpu.memory_space<vmem>> -> memref<128xi32, #tpu.memory_space<vmem>>
    %dma_start3A_75 = arith.constant 0 : i32
    %dma_start3A_76 = arith.constant 0 : i32
    %dma_start3A_77 = tpu.memref_slice %arg11[%dma_start3A_75, %dma_start3A_76] : memref<10240x128xf32, #tpu.memory_space<vmem_shared>> -> memref<10240x128xf32, #tpu.memory_space<vmem_shared>>
    tpu.enqueue_indirect_dma source(%dma_start3A_77 : memref<10240x128xf32, #tpu.memory_space<vmem_shared>>) target(%arg10 : memref<128x128xf32, #tpu.memory_space<vmem>>) offsets(%dma_start3A_74 : memref<128xi32, #tpu.memory_space<vmem>>) semaphore(%arg12 : memref<!tpu.dma_semaphore, #tpu.memory_space<semaphore_mem>>)
    %dma_wait3A_78 = arith.constant 2 : i32
    %dma_wait3A_79 = arith.constant 0 : i32
    %dma_wait3A_80 = tpu.memref_slice %arg9[%dma_wait3A_78, %dma_wait3A_79] : memref<5x128xi32, #tpu.memory_space<vmem>> -> memref<1x128xi32, #tpu.memory_space<vmem>>
    %dma_wait3A_81 = tpu.memref_squeeze %dma_wait3A_80 : memref<1x128xi32, #tpu.memory_space<vmem>> -> memref<128xi32, #tpu.memory_space<vmem>>
    %dma_wait3A_82 = arith.constant 0 : i32
    %dma_wait3A_83 = arith.constant 0 : i32
    %dma_wait3A_84 = tpu.memref_slice %arg11[%dma_wait3A_82, %dma_wait3A_83] : memref<10240x128xf32, #tpu.memory_space<vmem_shared>> -> memref<10240x128xf32, #tpu.memory_space<vmem_shared>>
    tpu.wait_indirect_dma semaphore(%arg12 : memref<!tpu.dma_semaphore, #tpu.memory_space<semaphore_mem>>) src(%dma_wait3A_84 : memref<10240x128xf32, #tpu.memory_space<vmem_shared>>) dst(%arg10 : memref<128x128xf32, #tpu.memory_space<vmem>>)
    %mul3A_85 = arith.constant 10240 : i32
    %mul3A_86 = arith.muli %arg0, %mul3A_85 : i32
    %mul3A_87 = arith.constant 640 : i32
    %mul3A_88 = arith.muli %arg1, %mul3A_87 : i32
    %add3A_89 = arith.addi %mul3A_86, %mul3A_88 : i32
    %add3A_90 = arith.constant 256 : i32
    %add3A_91 = arith.addi %add3A_89, %add3A_90 : i32
    "tpu.region"() ({
      %run_scoped3A_134 = tpu.sem_alloc : memref<!tpu.dma_semaphore, #tpu.memory_space<semaphore_mem>>
      %dma_start3A_135 = arith.constant 0 : i32
      %dma_start3A_136 = tpu.memref_slice %arg6[%add3A_91, %dma_start3A_135] : memref<20480x128xf32, #tpu.memory_space<hbm>> -> memref<128x128xf32, #tpu.memory_space<hbm>>
      %dma_start3A_137 = arith.constant 0 : i32
      %dma_start3A_138 = tpu.memref_slice %arg6[%add3A_91, %dma_start3A_137] : memref<20480x128xf32, #tpu.memory_space<hbm>> -> memref<128x128xf32, #tpu.memory_space<hbm>>
      tpu.enqueue_dma source(%arg10 : memref<128x128xf32, #tpu.memory_space<vmem>>) target(%dma_start3A_138 : memref<128x128xf32, #tpu.memory_space<hbm>>) target_semaphore(%run_scoped3A_134 : memref<!tpu.dma_semaphore, #tpu.memory_space<semaphore_mem>>)
      %dma_wait3A_139 = arith.constant 0 : i32
      %dma_wait3A_140 = tpu.memref_slice %arg6[%add3A_91, %dma_wait3A_139] : memref<20480x128xf32, #tpu.memory_space<hbm>> -> memref<128x128xf32, #tpu.memory_space<hbm>>
      %dma_wait3A_141 = arith.constant 0 : i32
      %dma_wait3A_142 = tpu.memref_slice %arg6[%add3A_91, %dma_wait3A_141] : memref<20480x128xf32, #tpu.memory_space<hbm>> -> memref<128x128xf32, #tpu.memory_space<hbm>>
      tpu.wait_dma2 semaphore(%run_scoped3A_134 : memref<!tpu.dma_semaphore, #tpu.memory_space<semaphore_mem>>) src(%arg10 : memref<128x128xf32, #tpu.memory_space<vmem>>) dst(%dma_wait3A_142 : memref<128x128xf32, #tpu.memory_space<hbm>>)
      tpu.yield
    }) : () -> ()
    %dma_start3A_92 = arith.constant 3 : i32
    %dma_start3A_93 = arith.constant 0 : i32
    %dma_start3A_94 = tpu.memref_slice %arg9[%dma_start3A_92, %dma_start3A_93] : memref<5x128xi32, #tpu.memory_space<vmem>> -> memref<1x128xi32, #tpu.memory_space<vmem>>
    %dma_start3A_95 = tpu.memref_squeeze %dma_start3A_94 : memref<1x128xi32, #tpu.memory_space<vmem>> -> memref<128xi32, #tpu.memory_space<vmem>>
    %dma_start3A_96 = arith.constant 0 : i32
    %dma_start3A_97 = arith.constant 0 : i32
    %dma_start3A_98 = tpu.memref_slice %arg11[%dma_start3A_96, %dma_start3A_97] : memref<10240x128xf32, #tpu.memory_space<vmem_shared>> -> memref<10240x128xf32, #tpu.memory_space<vmem_shared>>
    tpu.enqueue_indirect_dma source(%dma_start3A_98 : memref<10240x128xf32, #tpu.memory_space<vmem_shared>>) target(%arg10 : memref<128x128xf32, #tpu.memory_space<vmem>>) offsets(%dma_start3A_95 : memref<128xi32, #tpu.memory_space<vmem>>) semaphore(%arg12 : memref<!tpu.dma_semaphore, #tpu.memory_space<semaphore_mem>>)
    %dma_wait3A_99 = arith.constant 3 : i32
    %dma_wait3A_100 = arith.constant 0 : i32
    %dma_wait3A_101 = tpu.memref_slice %arg9[%dma_wait3A_99, %dma_wait3A_100] : memref<5x128xi32, #tpu.memory_space<vmem>> -> memref<1x128xi32, #tpu.memory_space<vmem>>
    %dma_wait3A_102 = tpu.memref_squeeze %dma_wait3A_101 : memref<1x128xi32, #tpu.memory_space<vmem>> -> memref<128xi32, #tpu.memory_space<vmem>>
    %dma_wait3A_103 = arith.constant 0 : i32
    %dma_wait3A_104 = arith.constant 0 : i32
    %dma_wait3A_105 = tpu.memref_slice %arg11[%dma_wait3A_103, %dma_wait3A_104] : memref<10240x128xf32, #tpu.memory_space<vmem_shared>> -> memref<10240x128xf32, #tpu.memory_space<vmem_shared>>
    tpu.wait_indirect_dma semaphore(%arg12 : memref<!tpu.dma_semaphore, #tpu.memory_space<semaphore_mem>>) src(%dma_wait3A_105 : memref<10240x128xf32, #tpu.memory_space<vmem_shared>>) dst(%arg10 : memref<128x128xf32, #tpu.memory_space<vmem>>)
    %mul3A_106 = arith.constant 10240 : i32
    %mul3A_107 = arith.muli %arg0, %mul3A_106 : i32
    %mul3A_108 = arith.constant 640 : i32
    %mul3A_109 = arith.muli %arg1, %mul3A_108 : i32
    %add3A_110 = arith.addi %mul3A_107, %mul3A_109 : i32
    %add3A_111 = arith.constant 384 : i32
    %add3A_112 = arith.addi %add3A_110, %add3A_111 : i32
    "tpu.region"() ({
      %run_scoped3A_134 = tpu.sem_alloc : memref<!tpu.dma_semaphore, #tpu.memory_space<semaphore_mem>>
      %dma_start3A_135 = arith.constant 0 : i32
      %dma_start3A_136 = tpu.memref_slice %arg6[%add3A_112, %dma_start3A_135] : memref<20480x128xf32, #tpu.memory_space<hbm>> -> memref<128x128xf32, #tpu.memory_space<hbm>>
      %dma_start3A_137 = arith.constant 0 : i32
      %dma_start3A_138 = tpu.memref_slice %arg6[%add3A_112, %dma_start3A_137] : memref<20480x128xf32, #tpu.memory_space<hbm>> -> memref<128x128xf32, #tpu.memory_space<hbm>>
      tpu.enqueue_dma source(%arg10 : memref<128x128xf32, #tpu.memory_space<vmem>>) target(%dma_start3A_138 : memref<128x128xf32, #tpu.memory_space<hbm>>) target_semaphore(%run_scoped3A_134 : memref<!tpu.dma_semaphore, #tpu.memory_space<semaphore_mem>>)
      %dma_wait3A_139 = arith.constant 0 : i32
      %dma_wait3A_140 = tpu.memref_slice %arg6[%add3A_112, %dma_wait3A_139] : memref<20480x128xf32, #tpu.memory_space<hbm>> -> memref<128x128xf32, #tpu.memory_space<hbm>>
      %dma_wait3A_141 = arith.constant 0 : i32
      %dma_wait3A_142 = tpu.memref_slice %arg6[%add3A_112, %dma_wait3A_141] : memref<20480x128xf32, #tpu.memory_space<hbm>> -> memref<128x128xf32, #tpu.memory_space<hbm>>
      tpu.wait_dma2 semaphore(%run_scoped3A_134 : memref<!tpu.dma_semaphore, #tpu.memory_space<semaphore_mem>>) src(%arg10 : memref<128x128xf32, #tpu.memory_space<vmem>>) dst(%dma_wait3A_142 : memref<128x128xf32, #tpu.memory_space<hbm>>)
      tpu.yield
    }) : () -> ()
    %dma_start3A_113 = arith.constant 4 : i32
    %dma_start3A_114 = arith.constant 0 : i32
    %dma_start3A_115 = tpu.memref_slice %arg9[%dma_start3A_113, %dma_start3A_114] : memref<5x128xi32, #tpu.memory_space<vmem>> -> memref<1x128xi32, #tpu.memory_space<vmem>>
    %dma_start3A_116 = tpu.memref_squeeze %dma_start3A_115 : memref<1x128xi32, #tpu.memory_space<vmem>> -> memref<128xi32, #tpu.memory_space<vmem>>
    %dma_start3A_117 = arith.constant 0 : i32
    %dma_start3A_118 = arith.constant 0 : i32
    %dma_start3A_119 = tpu.memref_slice %arg11[%dma_start3A_117, %dma_start3A_118] : memref<10240x128xf32, #tpu.memory_space<vmem_shared>> -> memref<10240x128xf32, #tpu.memory_space<vmem_shared>>
    tpu.enqueue_indirect_dma source(%dma_start3A_119 : memref<10240x128xf32, #tpu.memory_space<vmem_shared>>) target(%arg10 : memref<128x128xf32, #tpu.memory_space<vmem>>) offsets(%dma_start3A_116 : memref<128xi32, #tpu.memory_space<vmem>>) semaphore(%arg12 : memref<!tpu.dma_semaphore, #tpu.memory_space<semaphore_mem>>)
    %dma_wait3A_120 = arith.constant 4 : i32
    %dma_wait3A_121 = arith.constant 0 : i32
    %dma_wait3A_122 = tpu.memref_slice %arg9[%dma_wait3A_120, %dma_wait3A_121] : memref<5x128xi32, #tpu.memory_space<vmem>> -> memref<1x128xi32, #tpu.memory_space<vmem>>
    %dma_wait3A_123 = tpu.memref_squeeze %dma_wait3A_122 : memref<1x128xi32, #tpu.memory_space<vmem>> -> memref<128xi32, #tpu.memory_space<vmem>>
    %dma_wait3A_124 = arith.constant 0 : i32
    %dma_wait3A_125 = arith.constant 0 : i32
    %dma_wait3A_126 = tpu.memref_slice %arg11[%dma_wait3A_124, %dma_wait3A_125] : memref<10240x128xf32, #tpu.memory_space<vmem_shared>> -> memref<10240x128xf32, #tpu.memory_space<vmem_shared>>
    tpu.wait_indirect_dma semaphore(%arg12 : memref<!tpu.dma_semaphore, #tpu.memory_space<semaphore_mem>>) src(%dma_wait3A_126 : memref<10240x128xf32, #tpu.memory_space<vmem_shared>>) dst(%arg10 : memref<128x128xf32, #tpu.memory_space<vmem>>)
    %mul3A_127 = arith.constant 10240 : i32
    %mul3A_128 = arith.muli %arg0, %mul3A_127 : i32
    %mul3A_129 = arith.constant 640 : i32
    %mul3A_130 = arith.muli %arg1, %mul3A_129 : i32
    %add3A_131 = arith.addi %mul3A_128, %mul3A_130 : i32
    %add3A_132 = arith.constant 512 : i32
    %add3A_133 = arith.addi %add3A_131, %add3A_132 : i32
    "tpu.region"() ({
      %run_scoped3A_134 = tpu.sem_alloc : memref<!tpu.dma_semaphore, #tpu.memory_space<semaphore_mem>>
      %dma_start3A_135 = arith.constant 0 : i32
      %dma_start3A_136 = tpu.memref_slice %arg6[%add3A_133, %dma_start3A_135] : memref<20480x128xf32, #tpu.memory_space<hbm>> -> memref<128x128xf32, #tpu.memory_space<hbm>>
      %dma_start3A_137 = arith.constant 0 : i32
      %dma_start3A_138 = tpu.memref_slice %arg6[%add3A_133, %dma_start3A_137] : memref<20480x128xf32, #tpu.memory_space<hbm>> -> memref<128x128xf32, #tpu.memory_space<hbm>>
      tpu.enqueue_dma source(%arg10 : memref<128x128xf32, #tpu.memory_space<vmem>>) target(%dma_start3A_138 : memref<128x128xf32, #tpu.memory_space<hbm>>) target_semaphore(%run_scoped3A_134 : memref<!tpu.dma_semaphore, #tpu.memory_space<semaphore_mem>>)
      %dma_wait3A_139 = arith.constant 0 : i32
      %dma_wait3A_140 = tpu.memref_slice %arg6[%add3A_133, %dma_wait3A_139] : memref<20480x128xf32, #tpu.memory_space<hbm>> -> memref<128x128xf32, #tpu.memory_space<hbm>>
      %dma_wait3A_141 = arith.constant 0 : i32
      %dma_wait3A_142 = tpu.memref_slice %arg6[%add3A_133, %dma_wait3A_141] : memref<20480x128xf32, #tpu.memory_space<hbm>> -> memref<128x128xf32, #tpu.memory_space<hbm>>
      tpu.wait_dma2 semaphore(%run_scoped3A_134 : memref<!tpu.dma_semaphore, #tpu.memory_space<semaphore_mem>>) src(%arg10 : memref<128x128xf32, #tpu.memory_space<vmem>>) dst(%dma_wait3A_142 : memref<128x128xf32, #tpu.memory_space<hbm>>)
      tpu.yield
    }) : () -> ()
    return
  }
}

module attributes {stable_mosaic.version = 14 : i64} {
  func.func @body(%arg0: i32, %arg1: memref<1024x128xf32, #tpu.memory_space<vmem>>, %arg2: memref<128x128xf32, #tpu.memory_space<vmem>>, %arg3: memref<1024x128xf32, #tpu.memory_space<vmem>>, %arg4: memref<1024x128xf32, #tpu.memory_space<vmem>>, %arg5: memref<1024x128xf32, #tpu.memory_space<vmem>>, %arg6: memref<1024x1xf32, #tpu.memory_space<vmem>>) attributes {dimension_semantics = [#tpu.dimension_semantics<arbitrary>], iteration_bounds = array<i64: 10>, scalar_prefetch = 0 : i64, scratch_operands = 0 : i64, tpu.core_type = #tpu.core_type<tc>, window_params = [{transform_indices = @transform_0, window_bounds = array<i64: 1024, 128>}, {pipeline_mode = #tpu.pipeline_mode<synchronous>, transform_indices = @transform_1, window_bounds = array<i64: 128, 128>}, {transform_indices = @transform_2, window_bounds = array<i64: 1024, 128>}, {transform_indices = @transform_3, window_bounds = array<i64: 1024, 128>}, {transform_indices = @transform_4, window_bounds = array<i64: 1024, 128>}, {transform_indices = @transform_5, window_bounds = array<i64: 1024, 1>}]} {
    %get3A = arith.constant 0 : index
    %get3A_0 = arith.constant 0 : index
    %get3A_1 = vector.load %arg3[%get3A, %get3A_0] : memref<1024x128xf32, #tpu.memory_space<vmem>>, vector<1024x1xf32>
    %get3A_2 = arith.constant 0 : index
    %get3A_3 = arith.constant 0 : index
    %get3A_4 = vector.load %arg4[%get3A_2, %get3A_3] : memref<1024x128xf32, #tpu.memory_space<vmem>>, vector<1024x1xf32>
    %add3A = arith.addf %get3A_1, %get3A_4 : vector<1024x1xf32>
    %add3A_5 = arith.constant 1.000000e+00 : f32
    %add3A_6 = vector.broadcast %add3A_5 : f32 to vector<1024x1xf32>
    %add3A_7 = arith.addf %add3A, %add3A_6 : vector<1024x1xf32>
    %rsqrt3A = math.rsqrt %add3A_7 : vector<1024x1xf32>
    %get3A_8 = arith.constant 0 : index
    %get3A_9 = arith.constant 0 : index
    %get3A_10 = vector.load %arg1[%get3A_8, %get3A_9] : memref<1024x128xf32, #tpu.memory_space<vmem>>, vector<1024x128xf32>
    %get3A_11 = arith.constant 0 : index
    %get3A_12 = arith.constant 0 : index
    %get3A_13 = vector.load %arg2[%get3A_11, %get3A_12] : memref<128x128xf32, #tpu.memory_space<vmem>>, vector<128x128xf32>
    %dot_general3A = arith.constant dense<0.000000e+00> : vector<1024x128xf32>
    %dot_general3A_14 = tpu.matmul %get3A_10, %get3A_13, %dot_general3A {dimension_numbers = #tpu.dot_dimension_numbers<[1], [0], [0], [1], [0, 0, 1, 1], [], []>, transpose_lhs_hint = false} : vector<1024x128xf32>, vector<128x128xf32>, vector<1024x128xf32> -> vector<1024x128xf32>
    %mul3A = vector.broadcast %rsqrt3A : vector<1024x1xf32> to vector<1024x128xf32>
    %mul3A_15 = arith.mulf %dot_general3A_14, %mul3A : vector<1024x128xf32>
    %swap3A = arith.constant 0 : index
    %swap3A_16 = arith.constant 0 : index
    %swap3A_17 = vector.load %arg5[%swap3A, %swap3A_16] : memref<1024x128xf32, #tpu.memory_space<vmem>>, vector<1024x128xf32>
    tpu.vector_store %arg5[%swap3A, %swap3A_16], %mul3A_15 {strides = array<i32>} : memref<1024x128xf32, #tpu.memory_space<vmem>>, vector<1024x128xf32>,
    %swap3A_18 = arith.constant 0 : index
    %swap3A_19 = arith.constant 0 : index
    %swap3A_20 = vector.load %arg6[%swap3A_18, %swap3A_19] : memref<1024x1xf32, #tpu.memory_space<vmem>>, vector<1024x1xf32>
    tpu.vector_store %arg6[%swap3A_18, %swap3A_19], %rsqrt3A {strides = array<i32>} : memref<1024x1xf32, #tpu.memory_space<vmem>>, vector<1024x1xf32>,
    return
  }
  func.func @transform_0(%arg0: i32) -> (i32, i32) {
    %c0_i32 = arith.constant 0 : i32
    %c0_i32_0 = arith.constant 0 : i32
    return %arg0, %c0_i32 : i32, i32
  }
  func.func @transform_1(%arg0: i32) -> (i32, i32) {
    %c0_i32 = arith.constant 0 : i32
    %c0_i32_0 = arith.constant 0 : i32
    %c0_i32_1 = arith.constant 0 : i32
    return %c0_i32, %c0_i32_0 : i32, i32
  }
  func.func @transform_2(%arg0: i32) -> (i32, i32) {
    %c0_i32 = arith.constant 0 : i32
    %c0_i32_0 = arith.constant 0 : i32
    return %arg0, %c0_i32 : i32, i32
  }
  func.func @transform_3(%arg0: i32) -> (i32, i32) {
    %add3A = arith.constant 10 : i32
    %add3A_0 = arith.addi %arg0, %add3A : i32
    %c0_i32 = arith.constant 0 : i32
    %c0_i32_1 = arith.constant 0 : i32
    return %add3A_0, %c0_i32 : i32, i32
  }
  func.func @transform_4(%arg0: i32) -> (i32, i32) {
    %c0_i32 = arith.constant 0 : i32
    %c0_i32_0 = arith.constant 0 : i32
    return %arg0, %c0_i32 : i32, i32
  }
  func.func @transform_5(%arg0: i32) -> (i32, i32) {
    %c0_i32 = arith.constant 0 : i32
    %c0_i32_0 = arith.constant 0 : i32
    return %arg0, %c0_i32 : i32, i32
  }
}

module attributes {stable_mosaic.version = 14 : i64} {
  func.func @body(%arg0: i32, %arg1: memref<1024x128xf32, #tpu.memory_space<vmem>>, %arg2: memref<1024x128xf32, #tpu.memory_space<vmem>>, %arg3: memref<1024x128xf32, #tpu.memory_space<vmem>>, %arg4: memref<1024x1xf32, #tpu.memory_space<vmem>>, %arg5: memref<1x128xf32, #tpu.memory_space<vmem>>, %arg6: memref<128x128xf32, #tpu.memory_space<vmem>>, %arg7: memref<1024x128xf32, #tpu.memory_space<vmem>>) attributes {dimension_semantics = [#tpu.dimension_semantics<arbitrary>], iteration_bounds = array<i64: 10>, scalar_prefetch = 0 : i64, scratch_operands = 0 : i64, tpu.core_type = #tpu.core_type<tc>, window_params = [{transform_indices = @transform_0, window_bounds = array<i64: 1024, 128>}, {transform_indices = @transform_1, window_bounds = array<i64: 1024, 128>}, {transform_indices = @transform_2, window_bounds = array<i64: 1024, 128>}, {transform_indices = @transform_3, window_bounds = array<i64: 1024, 1>}, {pipeline_mode = #tpu.pipeline_mode<synchronous>, transform_indices = @transform_4, window_bounds = array<i64: 1, 128>}, {pipeline_mode = #tpu.pipeline_mode<synchronous>, transform_indices = @transform_5, window_bounds = array<i64: 128, 128>}, {transform_indices = @transform_6, window_bounds = array<i64: 1024, 128>}]} {
    %get3A = arith.constant 0 : index
    %get3A_0 = arith.constant 0 : index
    %get3A_1 = vector.load %arg4[%get3A, %get3A_0] : memref<1024x1xf32, #tpu.memory_space<vmem>>, vector<1024x1xf32>
    %get3A_2 = arith.constant 0 : index
    %get3A_3 = arith.constant 0 : index
    %get3A_4 = vector.load %arg1[%get3A_2, %get3A_3] : memref<1024x128xf32, #tpu.memory_space<vmem>>, vector<1024x128xf32>
    %get3A_5 = arith.constant 0 : index
    %get3A_6 = arith.constant 0 : index
    %get3A_7 = vector.load %arg2[%get3A_5, %get3A_6] : memref<1024x128xf32, #tpu.memory_space<vmem>>, vector<1024x128xf32>
    %add3A = arith.addf %get3A_4, %get3A_7 : vector<1024x128xf32>
    %get3A_8 = arith.constant 0 : index
    %get3A_9 = arith.constant 0 : index
    %get3A_10 = vector.load %arg3[%get3A_8, %get3A_9] : memref<1024x128xf32, #tpu.memory_space<vmem>>, vector<1024x128xf32>
    %sub3A = arith.subf %add3A, %get3A_10 : vector<1024x128xf32>
    %mul3A = vector.broadcast %get3A_1 : vector<1024x1xf32> to vector<1024x128xf32>
    %mul3A_11 = arith.mulf %sub3A, %mul3A : vector<1024x128xf32>
    %get3A_12 = arith.constant 0 : index
    %get3A_13 = arith.constant 0 : index
    %get3A_14 = vector.load %arg5[%get3A_12, %get3A_13] : memref<1x128xf32, #tpu.memory_space<vmem>>, vector<1x128xf32>
    %add3A_15 = vector.broadcast %get3A_14 : vector<1x128xf32> to vector<1024x128xf32>
    %add3A_16 = arith.addf %mul3A_11, %add3A_15 : vector<1024x128xf32>
    %max3A = arith.constant 0.000000e+00 : f32
    %max3A_17 = vector.broadcast %max3A : f32 to vector<1024x128xf32>
    %max3A_18 = arith.maximumf %add3A_16, %max3A_17 : vector<1024x128xf32>
    %get3A_19 = arith.constant 0 : index
    %get3A_20 = arith.constant 0 : index
    %get3A_21 = vector.load %arg6[%get3A_19, %get3A_20] : memref<128x128xf32, #tpu.memory_space<vmem>>, vector<128x128xf32>
    %dot_general3A = arith.constant dense<0.000000e+00> : vector<1024x128xf32>
    %dot_general3A_22 = tpu.matmul %max3A_18, %get3A_21, %dot_general3A {dimension_numbers = #tpu.dot_dimension_numbers<[1], [0], [0], [1], [0, 0, 1, 1], [], []>, transpose_lhs_hint = false} : vector<1024x128xf32>, vector<128x128xf32>, vector<1024x128xf32> -> vector<1024x128xf32>
    %mul3A_23 = vector.broadcast %get3A_1 : vector<1024x1xf32> to vector<1024x128xf32>
    %mul3A_24 = arith.mulf %dot_general3A_22, %mul3A_23 : vector<1024x128xf32>
    %swap3A = arith.constant 0 : index
    %swap3A_25 = arith.constant 0 : index
    %swap3A_26 = vector.load %arg7[%swap3A, %swap3A_25] : memref<1024x128xf32, #tpu.memory_space<vmem>>, vector<1024x128xf32>
    tpu.vector_store %arg7[%swap3A, %swap3A_25], %mul3A_24 {strides = array<i32>} : memref<1024x128xf32, #tpu.memory_space<vmem>>, vector<1024x128xf32>,
    return
  }
  func.func @transform_0(%arg0: i32) -> (i32, i32) {
    %c0_i32 = arith.constant 0 : i32
    %c0_i32_0 = arith.constant 0 : i32
    return %arg0, %c0_i32 : i32, i32
  }
  func.func @transform_1(%arg0: i32) -> (i32, i32) {
    %add3A = arith.constant 10 : i32
    %add3A_0 = arith.addi %arg0, %add3A : i32
    %c0_i32 = arith.constant 0 : i32
    %c0_i32_1 = arith.constant 0 : i32
    return %add3A_0, %c0_i32 : i32, i32
  }
  func.func @transform_2(%arg0: i32) -> (i32, i32) {
    %c0_i32 = arith.constant 0 : i32
    %c0_i32_0 = arith.constant 0 : i32
    return %arg0, %c0_i32 : i32, i32
  }
  func.func @transform_3(%arg0: i32) -> (i32, i32) {
    %c0_i32 = arith.constant 0 : i32
    %c0_i32_0 = arith.constant 0 : i32
    return %arg0, %c0_i32 : i32, i32
  }
  func.func @transform_4(%arg0: i32) -> (i32, i32) {
    %c0_i32 = arith.constant 0 : i32
    %c0_i32_0 = arith.constant 0 : i32
    %c0_i32_1 = arith.constant 0 : i32
    return %c0_i32, %c0_i32_0 : i32, i32
  }
  func.func @transform_5(%arg0: i32) -> (i32, i32) {
    %c0_i32 = arith.constant 0 : i32
    %c0_i32_0 = arith.constant 0 : i32
    %c0_i32_1 = arith.constant 0 : i32
    return %c0_i32, %c0_i32_0 : i32, i32
  }
  func.func @transform_6(%arg0: i32) -> (i32, i32) {
    %c0_i32 = arith.constant 0 : i32
    %c0_i32_0 = arith.constant 0 : i32
    return %arg0, %c0_i32 : i32, i32
  }
}

module attributes {stable_mosaic.version = 14 : i64} {
  func.func @body(%arg0: i32, %arg1: memref<1024x128xf32, #tpu.memory_space<vmem>>, %arg2: memref<1024x128xf32, #tpu.memory_space<vmem>>, %arg3: memref<1024x128xf32, #tpu.memory_space<vmem>>, %arg4: memref<1024x1xf32, #tpu.memory_space<vmem>>, %arg5: memref<1x128xf32, #tpu.memory_space<vmem>>, %arg6: memref<1024x128xf32, #tpu.memory_space<vmem>>) attributes {dimension_semantics = [#tpu.dimension_semantics<arbitrary>], iteration_bounds = array<i64: 10>, scalar_prefetch = 0 : i64, scratch_operands = 0 : i64, tpu.core_type = #tpu.core_type<tc>, window_params = [{transform_indices = @transform_0, window_bounds = array<i64: 1024, 128>}, {transform_indices = @transform_1, window_bounds = array<i64: 1024, 128>}, {transform_indices = @transform_2, window_bounds = array<i64: 1024, 128>}, {transform_indices = @transform_3, window_bounds = array<i64: 1024, 1>}, {pipeline_mode = #tpu.pipeline_mode<synchronous>, transform_indices = @transform_4, window_bounds = array<i64: 1, 128>}, {transform_indices = @transform_5, window_bounds = array<i64: 1024, 128>}]} {
    %get3A = arith.constant 0 : index
    %get3A_0 = arith.constant 0 : index
    %get3A_1 = vector.load %arg1[%get3A, %get3A_0] : memref<1024x128xf32, #tpu.memory_space<vmem>>, vector<1024x128xf32>
    %get3A_2 = arith.constant 0 : index
    %get3A_3 = arith.constant 0 : index
    %get3A_4 = vector.load %arg2[%get3A_2, %get3A_3] : memref<1024x128xf32, #tpu.memory_space<vmem>>, vector<1024x128xf32>
    %add3A = arith.addf %get3A_1, %get3A_4 : vector<1024x128xf32>
    %get3A_5 = arith.constant 0 : index
    %get3A_6 = arith.constant 0 : index
    %get3A_7 = vector.load %arg3[%get3A_5, %get3A_6] : memref<1024x128xf32, #tpu.memory_space<vmem>>, vector<1024x128xf32>
    %sub3A = arith.subf %add3A, %get3A_7 : vector<1024x128xf32>
    %get3A_8 = arith.constant 0 : index
    %get3A_9 = arith.constant 0 : index
    %get3A_10 = vector.load %arg4[%get3A_8, %get3A_9] : memref<1024x1xf32, #tpu.memory_space<vmem>>, vector<1024x1xf32>
    %mul3A = vector.broadcast %get3A_10 : vector<1024x1xf32> to vector<1024x128xf32>
    %mul3A_11 = arith.mulf %sub3A, %mul3A : vector<1024x128xf32>
    %get3A_12 = arith.constant 0 : index
    %get3A_13 = arith.constant 0 : index
    %get3A_14 = vector.load %arg5[%get3A_12, %get3A_13] : memref<1x128xf32, #tpu.memory_space<vmem>>, vector<1x128xf32>
    %add3A_15 = vector.broadcast %get3A_14 : vector<1x128xf32> to vector<1024x128xf32>
    %add3A_16 = arith.addf %mul3A_11, %add3A_15 : vector<1024x128xf32>
    %reduce_max3A = arith.constant dense<0xFF800000> : vector<1024xf32>
    %reduce_max3A_17 = vector.multi_reduction <maximumf>, %add3A_16, %reduce_max3A [1] : vector<1024x128xf32> to vector<1024xf32>
    %broadcast_in_dim3A = vector.shape_cast %reduce_max3A_17 : vector<1024xf32> to vector<1024x1xf32>
    %sub3A_18 = vector.broadcast %broadcast_in_dim3A : vector<1024x1xf32> to vector<1024x128xf32>
    %sub3A_19 = arith.subf %add3A_16, %sub3A_18 : vector<1024x128xf32>
    %exp3A = math.exp %sub3A_19 : vector<1024x128xf32>
    %reduce_sum3A = arith.constant dense<0.000000e+00> : vector<1024xf32>
    %reduce_sum3A_20 = vector.multi_reduction <add>, %exp3A, %reduce_sum3A [1] : vector<1024x128xf32> to vector<1024xf32>
    %broadcast_in_dim3A_21 = vector.shape_cast %reduce_sum3A_20 : vector<1024xf32> to vector<1024x1xf32>
    %log3A = math.log %broadcast_in_dim3A_21 : vector<1024x1xf32>
    %add3A_22 = arith.addf %log3A, %broadcast_in_dim3A : vector<1024x1xf32>
    %sub3A_23 = vector.broadcast %add3A_22 : vector<1024x1xf32> to vector<1024x128xf32>
    %sub3A_24 = arith.subf %add3A_16, %sub3A_23 : vector<1024x128xf32>
    %swap3A = arith.constant 0 : index
    %swap3A_25 = arith.constant 0 : index
    %swap3A_26 = vector.load %arg6[%swap3A, %swap3A_25] : memref<1024x128xf32, #tpu.memory_space<vmem>>, vector<1024x128xf32>
    tpu.vector_store %arg6[%swap3A, %swap3A_25], %sub3A_24 {strides = array<i32>} : memref<1024x128xf32, #tpu.memory_space<vmem>>, vector<1024x128xf32>,
    return
  }
  func.func @transform_0(%arg0: i32) -> (i32, i32) {
    %c0_i32 = arith.constant 0 : i32
    %c0_i32_0 = arith.constant 0 : i32
    return %arg0, %c0_i32 : i32, i32
  }
  func.func @transform_1(%arg0: i32) -> (i32, i32) {
    %add3A = arith.constant 10 : i32
    %add3A_0 = arith.addi %arg0, %add3A : i32
    %c0_i32 = arith.constant 0 : i32
    %c0_i32_1 = arith.constant 0 : i32
    return %add3A_0, %c0_i32 : i32, i32
  }
  func.func @transform_2(%arg0: i32) -> (i32, i32) {
    %c0_i32 = arith.constant 0 : i32
    %c0_i32_0 = arith.constant 0 : i32
    return %arg0, %c0_i32 : i32, i32
  }
  func.func @transform_3(%arg0: i32) -> (i32, i32) {
    %c0_i32 = arith.constant 0 : i32
    %c0_i32_0 = arith.constant 0 : i32
    return %arg0, %c0_i32 : i32, i32
  }
  func.func @transform_4(%arg0: i32) -> (i32, i32) {
    %c0_i32 = arith.constant 0 : i32
    %c0_i32_0 = arith.constant 0 : i32
    %c0_i32_1 = arith.constant 0 : i32
    return %c0_i32, %c0_i32_0 : i32, i32
  }
  func.func @transform_5(%arg0: i32) -> (i32, i32) {
    %c0_i32 = arith.constant 0 : i32
    %c0_i32_0 = arith.constant 0 : i32
    return %arg0, %c0_i32 : i32, i32
  }
}

</mosaic_0001>

<sc_bundles>
// kernel: kernel.11.cloned.1.call-start
scs
__scs_entry_jumppad:
0x0: {  	(pc) =	sbr.rel $0x88, $3  }
0x1: {  	(tag) =	ssettag $0x0;
	lr =	simm.s32 $0x1  }
0x2: {  	[smem:$0x3F9B] =	sst lr;
	_ =	strace $0xD0000000  }
0x3: {  	_ = 	snop  }
0x4: {  	_ = 	snop  }
0x5: {  	_ = 	snop  }
0x6: {  	_ = 	snop  }
0x7: {  	_ = 	snop  }
__scs_overlays_trampoline_lowered:
0x8: {  	[smem:$0x3FAA] =	sst s0  }
0x9: {  	[smem:$0x3FAB] =	sst s1  }
0xa: {  	[smem:$0x3FAC] =	sst s2  }
0xb: {  	[smem:$0x3FAD] =	sst s3  }
0xc: {  	[smem:$0x3FAE] =	sst s4  }
0xd: {  	[smem:$0x3FAF] =	sst s5  }
0xe: {  	[smem:$0x3FB0] =	sst s6  }
0xf: {  	[smem:$0x3FB1] =	sst s7  }
0x10: {  	[smem:$0x3FB2] =	sst s8  }
0x11: {  	[smem:$0x3FB3] =	sst s9;
	s0 =	simm.s32 @!p0 $0x0  }
0x12: {  	s1 =	sld [smem:$0x3F99];
	s0 =	simm.s32 @p0 $0x1  }
0x13: {  	[smem:$0x3FB4] =	sst s0;
	s0 =	simm.s32 @!p1 $0x0  }
0x14: {  	s2 =	sld [smem:$0x3F98];
	s0 =	simm.s32 @p1 $0x1  }
0x15: {  	[smem:$0x3FB5] =	sst s0;
	s0 =	simm.s32 @!p2 $0x0  }
0x16: {  	s3 =	sld [smem:$0x3FDB];
	s0 =	simm.s32 @p2 $0x1  }
0x17: {  	s4 =	simm.s32 $0x1BF5;
	[smem:$0x3FB7] =	sst s0  }
0x18: {  	s0 =	sld [smem:$0x3F9A];
	_ =	swait.ge [sflag:s4], $0x0  }
0x19: {  	s7 =	sld [smem:$0x3F9B]  }
0x1a: {  	s8 =	sadd.s32 $0xFFFFE003, lr  }
0x1b: {  	s9 =	sadd.s32 $0xFFFFFEF7, lr;
	s5 =	simm.s32 $0xFFFFFFFF;
	p2 =	slt.u32 s8, $0xFFFFF086  }
0x1c: {  	p1 =	slt.u32 s9, $0xF7A;
	s5 =	simm.s32 @!p2 $0x0  }
0x1d: {  	s5 =	simm.s32 @p1 $0x1;
	p0 =	seq.s32 s7, s2  }
0x1e: {  	s7 =	smul.u32 @!p0 $0xF7A, s2;
	p2 =	seq.s32 @!p0 s5, $0x0  }
0x1f: {  	s9 =	smul.u32 $0xF7A, s1;
	s8 =	simm.s32 @!p0 $0x1BF5;
	p2 =	por !p2, p0  }
0x20: {  	[sflag:s8] =	ssyncset.s32 @!p0 $0xFFFFF086;
	s6 =	sadd.s32 @!p0 s3, s7;
	s7 =	simm.s32 @!p0 $0x108  }
0x21: {  	s3 =	sadd.s32 s3, s9;
	s6 =	sadd.s32 @!p0 $0x88, s6;
	s7 =	simm.s32 @p2 $0x1082  }
0x22: {  	[simem:s7], [sflag:s8] =	dma.local @!p0 [hbm:s6], $0xF7A  }
0x23: {  	s9 =	sor.u32 $0xD0000000, s2;
	s6 =	simm.s32 $0x108;
	_ =	swait.ge @!p0 [sflag:s8], $0x0  }
0x24: {  	s3 =	sadd.s32 $0x88, s3;
	s6 =	simm.s32 @!p1 $0x1082;
	[sflag:s4] =	ssyncset.s32 $0xFFFFF086  }
0x25: {  	[simem:s6], [sflag:s4] =	dma.local [hbm:s3], $0xF7A  }
0x26: {  	[smem:$0x3F9B] =	sst s1;
	(tag) =	ssettag s2;
	_ =	strace s9  }
0x27: {  	s1 =	sld [smem:$0x3FAB]  }
0x28: {  	s2 =	sld [smem:$0x3FAC]  }
0x29: {  	s4 =	sld [smem:$0x3FAE]  }
0x2a: {  	p0 =	seq.s32 s5, $0x0;
	s5 =	sld [smem:$0x3FAF]  }
0x2b: {  	s6 =	sld [smem:$0x3FB0]  }
0x2c: {  	s7 =	sld [smem:$0x3FB1]  }
0x2d: {  	s3 =	simm.s32 $0x108;
	s8 =	sld [smem:$0x3FB2]  }
0x2e: {  	s3 =	simm.s32 @!p0 $0x1082;
	s9 =	sld [smem:$0x3FB3]  }
0x2f: {  	lr =	sadd.s32 s0, s3;
	s0 =	sld [smem:$0x3FAA]  }
0x30: {  	s3 =	sld [smem:$0x3FAD]  }
0x31: {  	[smem:$0x3FB6] =	sst s10  }
0x32: {  	s10 =	sld [smem:$0x3FB4];
	_ =	sdelay $0x3  }
0x33: {  	p0 =	seq.s32 s10, $0x1;
	s10 =	sld [smem:$0x3FB6];
	_ =	sdelay $0x3  }
0x34: {  	[smem:$0x3FB6] =	sst s10  }
0x35: {  	s10 =	sld [smem:$0x3FB5];
	_ =	sdelay $0x3  }
0x36: {  	p1 =	seq.s32 s10, $0x1;
	s10 =	sld [smem:$0x3FB6];
	_ =	sdelay $0x3  }
0x37: {  	[smem:$0x3FB6] =	sst s10  }
0x38: {  	s10 =	sld [smem:$0x3FB7]  }
0x39: {  	_ = 	snop;
	(pc) =	sbr.ind lr, $3  }
0x3a: {  	_ = 	snop  }
0x3b: {  	_ = 	snop  }
0x3c: {  	p2 =	seq.s32 s10, $0x1;
	s10 =	sld [smem:$0x3FB6]  }
0x3d: {  	_ =	shalt  }
0x3e: {  	_ =	shalt  }
0x3f: {  	_ =	shalt  }
0x40: {  	_ =	shalt  }
0x41: {  	_ =	shalt  }
0x42: {  	_ =	shalt  }
0x43: {  	_ =	shalt  }
0x44: {  	_ =	shalt  }
0x45: {  	_ =	shalt  }
0x46: {  	_ =	shalt  }
0x47: {  	_ =	shalt  }
0x48: {  	_ =	shalt  }
0x49: {  	_ =	shalt  }
0x4a: {  	_ =	shalt  }
0x4b: {  	_ =	shalt  }
0x4c: {  	_ =	shalt  }
0x4d: {  	_ =	shalt  }
0x4e: {  	_ =	shalt  }
0x4f: {  	_ =	shalt  }
0x50: {  	_ =	shalt  }
0x51: {  	_ =	shalt  }
0x52: {  	_ =	shalt  }
0x53: {  	_ =	shalt  }
0x54: {  	_ =	shalt  }
0x55: {  	_ =	shalt  }
0x56: {  	_ =	shalt  }
0x57: {  	_ =	shalt  }
0x58: {  	_ =	shalt  }
0x59: {  	_ =	shalt  }
0x5a: {  	_ =	shalt  }
0x5b: {  	_ =	shalt  }
0x5c: {  	_ =	shalt  }
0x5d: {  	_ =	shalt  }
0x5e: {  	_ =	shalt  }
0x5f: {  	_ =	shalt  }
0x60: {  	_ =	shalt  }
0x61: {  	_ =	shalt  }
0x62: {  	_ =	shalt  }
0x63: {  	_ =	shalt  }
0x64: {  	_ =	shalt  }
0x65: {  	_ =	shalt  }
0x66: {  	_ =	shalt  }
0x67: {  	_ =	shalt  }
0x68: {  	_ =	shalt  }
0x69: {  	_ =	shalt  }
0x6a: {  	_ =	shalt  }
0x6b: {  	_ =	shalt  }
0x6c: {  	_ =	shalt  }
0x6d: {  	_ =	shalt  }
0x6e: {  	_ =	shalt  }
0x6f: {  	_ =	shalt  }
0x70: {  	_ =	shalt  }
0x71: {  	_ =	shalt  }
0x72: {  	_ =	shalt  }
0x73: {  	_ =	shalt  }
0x74: {  	_ =	shalt  }
0x75: {  	_ =	shalt  }
0x76: {  	_ =	shalt  }
0x77: {  	_ =	shalt  }
0x78: {  	_ =	shalt  }
0x79: {  	_ =	shalt  }
0x7a: {  	_ =	shalt  }
0x7b: {  	_ =	shalt  }
0x7c: {  	_ =	shalt  }
0x7d: {  	_ =	shalt  }
0x7e: {  	_ =	shalt  }
0x7f: {  	_ =	shalt  }
0x80: {  	_ =	shalt  }
0x81: {  	_ =	shalt  }
0x82: {  	_ =	shalt  }
0x83: {  	_ =	shalt  }
0x84: {  	_ =	shalt  }
0x85: {  	_ =	shalt  }
0x86: {  	_ =	shalt  }
0x87: {  	_ =	shalt  }
.Lfunc_end0:
.L_simem_size_0:
called_computation.1_lowered:
.L_overlay_start_0:
0x88: {  	s2 =	sld [smem:$0x3FD9]  }
0x89: {  	s3 =	sld [smem:$0x3FFE];
	_ =	sdelay $0x1  }
0x8a: {  	s1 =	srdreg.scid  }
0x8b: {  	s0 =	sand.u32 $0x1, s1  }
0x8c: {  	s17 =	sshll.u32 s0, $0xA;
	s2 =	sadd.s32 s3, s2  }
0x8d: {  	s2 =	sadd.s32 s2, s17  }
0x8e: {  	[smem:$0x3FC2] =	sst s2  }
0x8f: {  	_ = 	snop  }
0x90: {  	s2 =	sld [smem:$0x3FD0];
	(tm) =	ssettm $0x1  }
0x91: {  	s18 =	sld [smem:$0x3FFB];
	_ =	sdelay $0x3  }
0x92: {  	_ =	strace s18  }
0x93: {  	s3 =	sld [smem:$0x3FFC];
	_ =	sdelay $0x3  }
0x94: {  	_ =	strace s3  }
0x95: {  	s3 =	sld [smem:$0x3FFD];
	_ =	sdelay $0x3  }
0x96: {  	_ =	strace s3  }
0x97: {  	_ =	strace $0x8FFFFFFF  }
0x98: {  	s19 =	sld [smem:$0x3FDB];
	_ =	sdelay $0x1  }
0x99: {  	s4 =	simm.s32 $_scs_section_size  }
0x9a: {  	s5 =	simm.s32 $_size__tile_overlayer_lowered;
	s6 =	simm.s32 $_tile_overlayer_lowered  }
0x9b: {  	s22 =	simm.s32 $0x1BFF;
	s21 =	sshll.u32 s6, $0x1;
	s3 =	sadd.s32 s4, s19  }
0x9c: {  	s7 =	simm.s32 $0x0;
	s20 =	sshll.u32 s5, $0x1;
	s5 =	sadd.s32 s21, s3  }
0x9d: {  	[timem:s7], [sflag:s22] =	dma.local [hbm:s5], s20  }
0x9e: {  	_ =	swait.ge [sflag:s22], s20  }
0x9f: {  	s4 =	ssub.s32 $0x0, s20;
	[sflag:s22] =	ssyncset.done $0x0  }
0xa0: {  	[sflag:s22] =	ssyncadd.s32 s4;
	_ =	sdelay $0x1  }
0xa1: {  	s23 =	simm.s32 $0x1B8B  }
0xa2: {  	_ =	swait.ge [sflag:s23], $0x1  }
0xa3: {  	[sflag:s23] =	ssyncset.done $0x0  }
0xa4: {  	s25 =	simm.s32 $0x1B8E;
	s24 =	sld [smem:$0x3FFE];
	[sflag:s23] =	ssyncadd.s32 $0xFFFFFFFF  }
0xa5: {  	s26 =	simm.s32 $execute0_lowered;
	[smem:$0x3FD2] =	sst s25  }
0xa6: {  	s5 =	sshll.u32 s26, $0x1;
	_ =	strace $0x80000049;
	[dreg:$0x1] =	wrdreg $0xFFFFFFFF  }
0xa7: {  	s28 =	simm.s32 $_size_execute0_lowered;
	s3 =	sadd.s32 s3, s5;
	[dreg:$0x0] =	wrdreg $0x0  }
0xa8: {  	s5 =	sshll.u32 s28, $0x1;
	[dreg:$0x2] =	wrdreg s3  }
0xa9: {  	[dreg:$0x3] =	wrdreg s5  }
0xaa: {  	[dreg:$0x4] =	wrdreg $0xC0  }
0xab: {  	_ =	task [dreg:s7], $0x5FFFF  }
0xac: {  	[dreg:$0x1] =	wrdreg $0xFFFFFFFF  }
0xad: {  	[dreg:$0x0] =	wrdreg $0x60  }
0xae: {  	[dreg:$0x2] =	wrdreg s24  }
0xaf: {  	[dreg:$0x3] =	wrdreg s2  }
0xb0: {  	[dreg:$0x4] =	wrdreg $0x94000  }
0xb1: {  	[dreg:$0x5] =	wrdreg $0x9  }
0xb2: {  	_ =	task.clear_ibuf [dreg:s7], $0x6FFFF;
	_ =	strace $0x90000049  }
0xb3: {  	s29 =	simm.s32 $0x9;
	_ =	strace $0x8000004B  }
0xb4: {  	_ =	swait.ge [sflag:s29], $0x1  }
0xb5: {  	[sflag:s29] =	ssyncadd.s32 $0xFFFFFFFF  }
0xb6: {  	_ =	strace $0x9000004B  }
0xb7: {  	_ =	sfence  }
0xb8: {  	s30 =	sld [smem:$0x0];
	_ =	sdelay $0x2  }
0xb9: {  	s31 =	sshll.u32 s1, $0xD;
	s1 =	sshrl.u32 s1, $0x2  }
0xba: {  	s3 =	sand.u32 $0x4000, s31;
	s1 =	sadd.s32 s1, s30  }
0xbb: {  	s0 =	sor.u32 s3, s0;
	s1 =	sshll.u32 s1, $0x11  }
0xbc: {  	s0 =	sor.u32 s1, s0  }
0xbd: {  	s0 =	sadd.s32 $0x8F2B, s0  }
0xbe: {  	[sflag:s0] =	ssyncadd.remote.s32 $0x1  }
0xbf: {  	_ =	sfence.sel $0xFFFF  }
0xc0: {  	[dreg:$0x0] =	wrdreg $0xFFFFFFFF;
	(pc) =	sbr.abs _section_cstart, $3  }
0xc1: {  	[dreg:$0x1] =	wrdreg $0xFFFFFFFF  }
0xc2: {  	_ =	task.clear_ibuf [dreg:s7], $0x2FFFF;
	_ =	strace $0x9FFFFFFF  }
0xc3: {  	(tm) =	ssettm $0x7FFFFFFF  }
tec
execute0_lowered:
.L_overlay_start_1:
0x0: {  	(tag) =	ssettag $0x1  }
0x1: {  	s0 =	srdreg.scid;
	s5 =	rddreg [dreg:$0x0]  }
0x2: {  	s25 =	stileid.u32;
	s12 =	rddreg [dreg:$0x1]  }
0x3: {  	s19 =	simm.s32 $0x5000;
	s20 =	simm.s32 $0x2;
	s21 =	simm.s32 $0x5400  }
0x4: {  	s22 =	simm.s32 $0x80;
	s23 =	simm.s32 $0x5080;
	s24 =	simm.s32 $0x5100  }
0x5: {  	s29 =	simm.s32 $0x1;
	s30 =	simm.s32 $0x0;
	s6 =	smul.u32 $0x280, s25  }
0x6: {  	s1 =	sand.u32 $0x1, s0;
	s4 =	sadd.s32 $0x2C00, s5;
	s8 =	smul.u32 $0x14000, s25  }
0x7: {  	s26 =	sshll.u32 s25, $0x7;
	s31 =	smul.u32 $0x2800, s25;
	s2 =	sshll.u32 s1, $0x4  }
0x8: {  	s7 =	smul.u32 $0x2800, s1;
	s1 =	ssub.s32 $0x2, s1;
	s3 =	sor.u32 s25, s2  }
0x9: {  	s2 =	rddreg [dreg:$0x2];
	s28 =	sshrl.u32 s1, $0x1;
	s8 =	sshrl.u32 s8, $0x3  }
0xa: {  	s25 =	simm.s32 $0x5180;
	s13 =	smul.u32 $0x500, s3;
	s3 =	simm.s32 $0x0  }
0xb: {  	s6 =	sadd.s32 s6, s7;
	s7 =	sadd.s32 s26, s5;
	s1 =	ssub.s32 s1, s28  }
0xc: {  	s10 =	sadd.s32 s4, s8;
	s26 =	simm.s32 $0x5200;
	[smem:$0x7FF] =	sst s3  }
0xd: {  	s6 =	sshll.u32 s6, $0x4;
	s8 =	sadd.s32 $0x1000, s10;
	s9 =	sadd.s32 $0x1800, s10  }
0xe: {  	s18 =	smax.u32 s1, $0x1;
	_ =	strace $0x8000004A;
	s11 =	sadd.s32 s13, s5  }
0xf: {  	s17 =	sadd.s32 s6, s5;
	s5 =	sadd.s32 $0x2400, s7;
	s6 =	sadd.s32 s4, s31  }
0x10: {  	s7 =	sadd.s32 $0x800, s10;
	s10 =	sadd.s32 $0x2000, s10;
	s12 =	sadd.s32 s12, s13  }
0x11: {  	s11 =	sadd.s32 $0x52C00, s11;
	s13 =	sadd.s32 $0x5CC00, s17;
	s14 =	sadd.s32 $0x5D400, s17  }
0x12: {  	s15 =	sadd.s32 $0x5DC00, s17;
	s16 =	sadd.s32 $0x5E400, s17;
	s17 =	sadd.s32 $0x5EC00, s17  }
.LBB2_1:
0x13: {  	[tilespmem:s19], [sflag:$0x2] =	stream.linear.gather [hbm4b:s5+s3], $0x280, $0x38;
	[tilespmem:$0x1D400] =	vst v63  }
0x14: {  	_ =	swait.ge [sflag:s20], $0x280  }
0x15: {  	[sflag:s20] =	ssyncset.done $0x0  }
0x16: {  	[sflag:s20] =	ssyncadd.s32 $0xFFFFFD80  }
0x17: {  	[tilespmem:s21], [sflag:$0x2] =	stream.linear.gather [hbm4b:s6+s3], $0x4000, $0x38;
	[tilespmem:$0x1D400] =	vst v63  }
0x18: {  	_ =	swait.ge [sflag:s20], $0x4000  }
0x19: {  	[sflag:s20] =	ssyncset.done $0x0  }
0x1a: {  	[sflag:s20] =	ssyncadd.s32 $0xFFFFC000  }
0x1b: {  	[spmem:s2] =	stream.indirect.scatter [tilespmem:s21], [sflag:$0x2], $0x80, s19, s22, $0xb8;
	[tilespmem:$0x1D400] =	vst v63  }
0x1c: {  	_ =	swait.ge [sflag:s20], $0x4000  }
0x1d: {  	[sflag:s20] =	ssyncset.done $0x0  }
0x1e: {  	[sflag:s20] =	ssyncadd.s32 $0xFFFFC000  }
0x1f: {  	[tilespmem:s21], [sflag:$0x2] =	stream.linear.gather [hbm4b:s7+s3], $0x4000, $0x38;
	[tilespmem:$0x1D400] =	vst v63  }
0x20: {  	_ =	swait.ge [sflag:s20], $0x4000  }
0x21: {  	[sflag:s20] =	ssyncset.done $0x0  }
0x22: {  	[sflag:s20] =	ssyncadd.s32 $0xFFFFC000  }
0x23: {  	[spmem:s2] =	stream.indirect.scatter [tilespmem:s21], [sflag:$0x2], $0x80, s23, s22, $0xb8;
	[tilespmem:$0x1D400] =	vst v63  }
0x24: {  	_ =	swait.ge [sflag:s20], $0x4000  }
0x25: {  	[sflag:s20] =	ssyncset.done $0x0  }
0x26: {  	[sflag:s20] =	ssyncadd.s32 $0xFFFFC000  }
0x27: {  	[tilespmem:s21], [sflag:$0x2] =	stream.linear.gather [hbm4b:s8+s3], $0x4000, $0x38;
	[tilespmem:$0x1D400] =	vst v63  }
0x28: {  	_ =	swait.ge [sflag:s20], $0x4000  }
0x29: {  	[sflag:s20] =	ssyncset.done $0x0  }
0x2a: {  	[sflag:s20] =	ssyncadd.s32 $0xFFFFC000  }
0x2b: {  	[spmem:s2] =	stream.indirect.scatter [tilespmem:s21], [sflag:$0x2], $0x80, s24, s22, $0xb8;
	[tilespmem:$0x1D400] =	vst v63  }
0x2c: {  	_ =	swait.ge [sflag:s20], $0x4000  }
0x2d: {  	[sflag:s20] =	ssyncset.done $0x0  }
0x2e: {  	[sflag:s20] =	ssyncadd.s32 $0xFFFFC000  }
0x2f: {  	[tilespmem:s21], [sflag:$0x2] =	stream.linear.gather [hbm4b:s9+s3], $0x4000, $0x38;
	[tilespmem:$0x1D400] =	vst v63  }
0x30: {  	_ =	swait.ge [sflag:s20], $0x4000  }
0x31: {  	[sflag:s20] =	ssyncset.done $0x0  }
0x32: {  	[sflag:s20] =	ssyncadd.s32 $0xFFFFC000  }
0x33: {  	[spmem:s2] =	stream.indirect.scatter [tilespmem:s21], [sflag:$0x2], $0x80, s25, s22, $0xb8;
	[tilespmem:$0x1D400] =	vst v63  }
0x34: {  	_ =	swait.ge [sflag:s20], $0x4000  }
0x35: {  	[sflag:s20] =	ssyncset.done $0x0  }
0x36: {  	[sflag:s20] =	ssyncadd.s32 $0xFFFFC000  }
0x37: {  	[tilespmem:s21], [sflag:$0x2] =	stream.linear.gather [hbm4b:s10+s3], $0x4000, $0x38;
	[tilespmem:$0x1D400] =	vst v63  }
0x38: {  	_ =	swait.ge [sflag:s20], $0x4000  }
0x39: {  	[sflag:s20] =	ssyncset.done $0x0  }
0x3a: {  	[sflag:s20] =	ssyncadd.s32 $0xFFFFC000  }
0x3b: {  	[spmem:s2] =	stream.indirect.scatter [tilespmem:s21], [sflag:$0x2], $0x80, s26, s22, $0xb8;
	[tilespmem:$0x1D400] =	vst v63  }
0x3c: {  	_ =	swait.ge [sflag:s20], $0x4000  }
0x3d: {  	[sflag:s20] =	ssyncset.done $0x0  }
0x3e: {  	[sflag:s20] =	ssyncadd.s32 $0xFFFFC000  }
0x3f: {  	[tilespmem:s3], [sflag:$0x2] =	stream.linear.gather [hbm4b:s11+s3], $0x2780, $0x38;
	[tilespmem:$0x1D400] =	vst v63  }
0x40: {  	_ =	swait.ge [sflag:s20], $0x2780  }
0x41: {  	[sflag:s20] =	ssyncset.done $0x0  }
0x42: {  	s0 =	simm.s32 $0x2800;
	[sflag:s20] =	ssyncadd.s32 $0xFFFFD880  }
0x43: {  	[tilespmem:s0], [sflag:$0x2] =	stream.linear.gather [hbm4b:s12+s3], $0x2780, $0x38;
	[tilespmem:$0x1D400] =	vst v63  }
0x44: {  	_ =	swait.ge [sflag:s20], $0x2780  }
0x45: {  	[sflag:s20] =	ssyncset.done $0x0  }
0x46: {  	[sflag:s20] =	ssyncadd.s32 $0xFFFFD880  }
0x47: {  	s1 =	simm.s32 $0x0;
	[bflag:$0x0] =	sbarrier.arrive $0xFFFF  }
0x48: {  	[tilespmem:s21], [sflag:$0x1] =	stream.indirect.gather [hbm4b:s4+s22], $0x80, s1, s22, $0xb8;
	[tilespmem:$0x1D400] =	vst v63  }
0x49: {  	_ =	swait.ge [sflag:s29], $0x4000  }
0x4a: {  	[sflag:s29] =	ssyncset.done $0x0  }
0x4b: {  	s28 =	simm.s32 $0x2800;
	[sflag:s29] =	ssyncadd.s32 $0xFFFFC000  }
0x4c: {  	[spmem:s2] =	stream.indirect.scatter.add.f32 [tilespmem:s21], [sflag:$0x2], $0x80, s28, s22, $0xb8;
	[tilespmem:$0x1D400] =	vst v63  }
0x4d: {  	_ =	swait.ge [sflag:s20], $0x4000  }
0x4e: {  	s31 =	simm.s32 $0x200;
	s1 =	simm.s32 $0x400;
	[sflag:s20] =	ssyncset.done $0x0  }
.LBB2_2:
0x4f: {  	s0 =	sshra.s32 s31, $0x2  }
0x50: {  	[sflag:s20] =	ssyncadd.s32 $0xFFFFC000;
	s31 =	smov.u32 s1;
	s28 =	sadd.s32 $0x200, s1  }
0x51: {  	[tilespmem:s21], [sflag:$0x1] =	stream.indirect.gather [hbm4b:s4+s22], $0x80, s0, s22, $0xb8;
	[tilespmem:$0x1D400] =	vst v63  }
0x52: {  	p0 =	sne.s32 s1, $0x9C00;
	_ =	swait.ge [sflag:s29], $0x4000  }
.Ltmp0:
0x53: {  	[sflag:s29] =	ssyncset.done $0x0;
	(pc) =	sbr.rel @p0 .LBB2_2-.Ltmp0, $4  }
0x54: {  	s0 =	sadd.s32 $0x2800, s0;
	[sflag:s29] =	ssyncadd.s32 $0xFFFFC000  }
0x55: {  	[spmem:s2] =	stream.indirect.scatter.add.f32 [tilespmem:s21], [sflag:$0x2], $0x80, s0, s22, $0xb8;
	[tilespmem:$0x1D400] =	vst v63  }
0x56: {  	_ =	swait.ge [sflag:s20], $0x4000  }
0x57: {  	s1 =	smov.u32 s28;
	[sflag:s20] =	ssyncset.done $0x0  }
0x58: {  	s0 =	sshra.s32 s31, $0x2;
	[sflag:s20] =	ssyncadd.s32 $0xFFFFC000  }
0x59: {  	[tilespmem:s21], [sflag:$0x1] =	stream.indirect.gather [hbm4b:s4+s22], $0x80, s0, s22, $0xb8;
	[tilespmem:$0x1D400] =	vst v63  }
0x5a: {  	_ =	swait.ge [sflag:s29], $0x4000  }
0x5b: {  	[sflag:s29] =	ssyncset.done $0x0  }
0x5c: {  	s0 =	sadd.s32 $0x2800, s0;
	[sflag:s29] =	ssyncadd.s32 $0xFFFFC000  }
0x5d: {  	[spmem:s2] =	stream.indirect.scatter.add.f32 [tilespmem:s21], [sflag:$0x2], $0x80, s0, s22, $0xb8;
	[tilespmem:$0x1D400] =	vst v63  }
0x5e: {  	_ =	swait.ge [sflag:s20], $0x4000  }
0x5f: {  	[sflag:s20] =	ssyncset.done $0x0  }
0x60: {  	[sflag:s20] =	ssyncadd.s32 $0xFFFFC000  }
0x61: {  	[bflag:$0x0] =	sbarrier.arrive $0xFFFF  }
0x62: {  	[tilespmem:s21], [sflag:$0x1] =	stream.indirect.gather [spmem:s2], $0x80, s19, s22, $0xb8;
	[tilespmem:$0x1D400] =	vst v63  }
0x63: {  	_ =	swait.ge [sflag:s29], $0x4000  }
0x64: {  	[sflag:s29] =	ssyncset.done $0x0  }
0x65: {  	[sflag:s29] =	ssyncadd.s32 $0xFFFFC000  }
0x66: {  	[hbm4b:s13+s3] =	stream.linear.scatter [tilespmem:s21], [sflag:$0x2], $0x4000, $0x38;
	[tilespmem:$0x1D400] =	vst v63  }
0x67: {  	_ =	swait.ge [sflag:s20], $0x4000  }
0x68: {  	[sflag:s20] =	ssyncset.done $0x0  }
0x69: {  	[sflag:s20] =	ssyncadd.s32 $0xFFFFC000  }
0x6a: {  	[tilespmem:s21], [sflag:$0x1] =	stream.indirect.gather [spmem:s2], $0x80, s23, s22, $0xb8;
	[tilespmem:$0x1D400] =	vst v63  }
0x6b: {  	_ =	swait.ge [sflag:s29], $0x4000  }
0x6c: {  	[sflag:s29] =	ssyncset.done $0x0  }
0x6d: {  	[sflag:s29] =	ssyncadd.s32 $0xFFFFC000  }
0x6e: {  	[hbm4b:s14+s3] =	stream.linear.scatter [tilespmem:s21], [sflag:$0x2], $0x4000, $0x38;
	[tilespmem:$0x1D400] =	vst v63  }
0x6f: {  	_ =	swait.ge [sflag:s20], $0x4000  }
0x70: {  	[sflag:s20] =	ssyncset.done $0x0  }
0x71: {  	[sflag:s20] =	ssyncadd.s32 $0xFFFFC000  }
0x72: {  	[tilespmem:s21], [sflag:$0x1] =	stream.indirect.gather [spmem:s2], $0x80, s24, s22, $0xb8;
	[tilespmem:$0x1D400] =	vst v63  }
0x73: {  	_ =	swait.ge [sflag:s29], $0x4000  }
0x74: {  	[sflag:s29] =	ssyncset.done $0x0  }
0x75: {  	[sflag:s29] =	ssyncadd.s32 $0xFFFFC000  }
0x76: {  	[hbm4b:s15+s3] =	stream.linear.scatter [tilespmem:s21], [sflag:$0x2], $0x4000, $0x38;
	[tilespmem:$0x1D400] =	vst v63  }
0x77: {  	_ =	swait.ge [sflag:s20], $0x4000  }
0x78: {  	[sflag:s20] =	ssyncset.done $0x0  }
0x79: {  	[sflag:s20] =	ssyncadd.s32 $0xFFFFC000  }
0x7a: {  	[tilespmem:s21], [sflag:$0x1] =	stream.indirect.gather [spmem:s2], $0x80, s25, s22, $0xb8;
	[tilespmem:$0x1D400] =	vst v63  }
0x7b: {  	_ =	swait.ge [sflag:s29], $0x4000  }
0x7c: {  	[sflag:s29] =	ssyncset.done $0x0  }
0x7d: {  	[sflag:s29] =	ssyncadd.s32 $0xFFFFC000  }
0x7e: {  	[hbm4b:s16+s3] =	stream.linear.scatter [tilespmem:s21], [sflag:$0x2], $0x4000, $0x38;
	[tilespmem:$0x1D400] =	vst v63  }
0x7f: {  	_ =	swait.ge [sflag:s20], $0x4000  }
0x80: {  	[sflag:s20] =	ssyncset.done $0x0  }
0x81: {  	[sflag:s20] =	ssyncadd.s32 $0xFFFFC000  }
0x82: {  	[tilespmem:s21], [sflag:$0x1] =	stream.indirect.gather [spmem:s2], $0x80, s26, s22, $0xb8;
	[tilespmem:$0x1D400] =	vst v63  }
0x83: {  	s30 =	sadd.s32 $0x1, s30;
	_ =	swait.ge [sflag:s29], $0x4000  }
0x84: {  	p0 =	sne.s32 s30, s18;
	[sflag:s29] =	ssyncset.done $0x0  }
.Ltmp1:
0x85: {  	[sflag:s29] =	ssyncadd.s32 $0xFFFFC000;
	(pc) =	sbr.rel @p0 .LBB2_1-.Ltmp1, $4  }
0x86: {  	[hbm4b:s17+s3] =	stream.linear.scatter [tilespmem:s21], [sflag:$0x2], $0x4000, $0x38;
	[tilespmem:$0x1D400] =	vst v63  }
0x87: {  	_ =	swait.ge [sflag:s20], $0x4000  }
0x88: {  	[sflag:s20] =	ssyncset.done $0x0  }
0x89: {  	[sflag:s20] =	ssyncadd.s32 $0xFFFFC000  }
0x8a: {  	_ =	sfence.sel $0x180000  }
0x8b: {  	[bflag:$0x0] =	sbarrier.arrive $0xFFFF  }
0x8c: {  	_ =	strace $0x9000004A  }
0x8d: {  	s0 =	stileid.u32;
	[bflag:$0x2] =	sbarrier.arrive $0xFFFF  }
0x8e: {  	p0 =	sne.s32 s0, $0x0;
	s0 =	rddreg [dreg:$0x3]  }
0x8f: {  	s0 =	sadd.s32 @!p0 $0x100000, s0  }
0x90: {  	[sflag:s0] =	ssyncadd.tile.s32 @!p0 $0x1;
	_ =	shalt  }
.Lfunc_end2:
_tile_overlayer_lowered:
.L_overlay_start_2:
0x91: {  	(tag) =	ssettag $0x2  }
0x92: {  	s0 =	rddreg [dreg:$0x0];
	s2 =	stileid.u32  }
0x93: {  	s1 =	rddreg [dreg:$0x1];
	p0 =	sne.s32 s2, $0x0  }
0x94: {  	s3 =	rddreg [dreg:$0x2];
	[bflag:$0x3] =	sbarrier.arrive $0xFFFF;
	s2 =	simm.s32 @!p0 $0x1C02  }
0x95: {  	[timem:s3], [sflag:s2] =	dma.local @!p0 [hbm:s0], s1  }
0x96: {  	s0 =	simm.s32 @!p0 $0x2  }
0x97: {  	_ =	swait.ge @!p0 [sflag:s0], s1  }
0x98: {  	s1 =	ssub.s32 @!p0 $0x0, s1;
	[sflag:s0] =	ssyncset.done @!p0 $0x0  }
0x99: {  	[sflag:s0] =	ssyncadd.s32 @!p0 s1  }
0x9a: {  	[bflag:$0x3] =	sbarrier.arrive $0xFFFF  }
0x9b: {  	_ =	shalt  }

// kernel: kernel.14.cloned.1.call-start
scs
__scs_entry_jumppad:
0x0: {  	(pc) =	sbr.rel $0x88, $3  }
0x1: {  	(tag) =	ssettag $0x0;
	lr =	simm.s32 $0x1  }
0x2: {  	[smem:$0x3F9B] =	sst lr;
	_ =	strace $0xD0000000  }
0x3: {  	_ = 	snop  }
0x4: {  	_ = 	snop  }
0x5: {  	_ = 	snop  }
0x6: {  	_ = 	snop  }
0x7: {  	_ = 	snop  }
__scs_overlays_trampoline_lowered:
0x8: {  	[smem:$0x3FAA] =	sst s0  }
0x9: {  	[smem:$0x3FAB] =	sst s1  }
0xa: {  	[smem:$0x3FAC] =	sst s2  }
0xb: {  	[smem:$0x3FAD] =	sst s3  }
0xc: {  	[smem:$0x3FAE] =	sst s4  }
0xd: {  	[smem:$0x3FAF] =	sst s5  }
0xe: {  	[smem:$0x3FB0] =	sst s6  }
0xf: {  	[smem:$0x3FB1] =	sst s7  }
0x10: {  	[smem:$0x3FB2] =	sst s8  }
0x11: {  	[smem:$0x3FB3] =	sst s9;
	s0 =	simm.s32 @!p0 $0x0  }
0x12: {  	s1 =	sld [smem:$0x3F99];
	s0 =	simm.s32 @p0 $0x1  }
0x13: {  	[smem:$0x3FB4] =	sst s0;
	s0 =	simm.s32 @!p1 $0x0  }
0x14: {  	s2 =	sld [smem:$0x3F98];
	s0 =	simm.s32 @p1 $0x1  }
0x15: {  	[smem:$0x3FB5] =	sst s0;
	s0 =	simm.s32 @!p2 $0x0  }
0x16: {  	s3 =	sld [smem:$0x3FDB];
	s0 =	simm.s32 @p2 $0x1  }
0x17: {  	s4 =	simm.s32 $0x1BF5;
	[smem:$0x3FB7] =	sst s0  }
0x18: {  	s0 =	sld [smem:$0x3F9A];
	_ =	swait.ge [sflag:s4], $0x0  }
0x19: {  	s7 =	sld [smem:$0x3F9B]  }
0x1a: {  	s8 =	sadd.s32 $0xFFFFE003, lr  }
0x1b: {  	s9 =	sadd.s32 $0xFFFFFEF7, lr;
	s5 =	simm.s32 $0xFFFFFFFF;
	p2 =	slt.u32 s8, $0xFFFFF086  }
0x1c: {  	p1 =	slt.u32 s9, $0xF7A;
	s5 =	simm.s32 @!p2 $0x0  }
0x1d: {  	s5 =	simm.s32 @p1 $0x1;
	p0 =	seq.s32 s7, s2  }
0x1e: {  	s7 =	smul.u32 @!p0 $0xF7A, s2;
	p2 =	seq.s32 @!p0 s5, $0x0  }
0x1f: {  	s9 =	smul.u32 $0xF7A, s1;
	s8 =	simm.s32 @!p0 $0x1BF5;
	p2 =	por !p2, p0  }
0x20: {  	[sflag:s8] =	ssyncset.s32 @!p0 $0xFFFFF086;
	s6 =	sadd.s32 @!p0 s3, s7;
	s7 =	simm.s32 @!p0 $0x108  }
0x21: {  	s3 =	sadd.s32 s3, s9;
	s6 =	sadd.s32 @!p0 $0x88, s6;
	s7 =	simm.s32 @p2 $0x1082  }
0x22: {  	[simem:s7], [sflag:s8] =	dma.local @!p0 [hbm:s6], $0xF7A  }
0x23: {  	s9 =	sor.u32 $0xD0000000, s2;
	s6 =	simm.s32 $0x108;
	_ =	swait.ge @!p0 [sflag:s8], $0x0  }
0x24: {  	s3 =	sadd.s32 $0x88, s3;
	s6 =	simm.s32 @!p1 $0x1082;
	[sflag:s4] =	ssyncset.s32 $0xFFFFF086  }
0x25: {  	[simem:s6], [sflag:s4] =	dma.local [hbm:s3], $0xF7A  }
0x26: {  	[smem:$0x3F9B] =	sst s1;
	(tag) =	ssettag s2;
	_ =	strace s9  }
0x27: {  	s1 =	sld [smem:$0x3FAB]  }
0x28: {  	s2 =	sld [smem:$0x3FAC]  }
0x29: {  	s4 =	sld [smem:$0x3FAE]  }
0x2a: {  	p0 =	seq.s32 s5, $0x0;
	s5 =	sld [smem:$0x3FAF]  }
0x2b: {  	s6 =	sld [smem:$0x3FB0]  }
0x2c: {  	s7 =	sld [smem:$0x3FB1]  }
0x2d: {  	s3 =	simm.s32 $0x108;
	s8 =	sld [smem:$0x3FB2]  }
0x2e: {  	s3 =	simm.s32 @!p0 $0x1082;
	s9 =	sld [smem:$0x3FB3]  }
0x2f: {  	lr =	sadd.s32 s0, s3;
	s0 =	sld [smem:$0x3FAA]  }
0x30: {  	s3 =	sld [smem:$0x3FAD]  }
0x31: {  	[smem:$0x3FB6] =	sst s10  }
0x32: {  	s10 =	sld [smem:$0x3FB4];
	_ =	sdelay $0x3  }
0x33: {  	p0 =	seq.s32 s10, $0x1;
	s10 =	sld [smem:$0x3FB6];
	_ =	sdelay $0x3  }
0x34: {  	[smem:$0x3FB6] =	sst s10  }
0x35: {  	s10 =	sld [smem:$0x3FB5];
	_ =	sdelay $0x3  }
0x36: {  	p1 =	seq.s32 s10, $0x1;
	s10 =	sld [smem:$0x3FB6];
	_ =	sdelay $0x3  }
0x37: {  	[smem:$0x3FB6] =	sst s10  }
0x38: {  	s10 =	sld [smem:$0x3FB7]  }
0x39: {  	_ = 	snop;
	(pc) =	sbr.ind lr, $3  }
0x3a: {  	_ = 	snop  }
0x3b: {  	_ = 	snop  }
0x3c: {  	p2 =	seq.s32 s10, $0x1;
	s10 =	sld [smem:$0x3FB6]  }
0x3d: {  	_ =	shalt  }
0x3e: {  	_ =	shalt  }
0x3f: {  	_ =	shalt  }
0x40: {  	_ =	shalt  }
0x41: {  	_ =	shalt  }
0x42: {  	_ =	shalt  }
0x43: {  	_ =	shalt  }
0x44: {  	_ =	shalt  }
0x45: {  	_ =	shalt  }
0x46: {  	_ =	shalt  }
0x47: {  	_ =	shalt  }
0x48: {  	_ =	shalt  }
0x49: {  	_ =	shalt  }
0x4a: {  	_ =	shalt  }
0x4b: {  	_ =	shalt  }
0x4c: {  	_ =	shalt  }
0x4d: {  	_ =	shalt  }
0x4e: {  	_ =	shalt  }
0x4f: {  	_ =	shalt  }
0x50: {  	_ =	shalt  }
0x51: {  	_ =	shalt  }
0x52: {  	_ =	shalt  }
0x53: {  	_ =	shalt  }
0x54: {  	_ =	shalt  }
0x55: {  	_ =	shalt  }
0x56: {  	_ =	shalt  }
0x57: {  	_ =	shalt  }
0x58: {  	_ =	shalt  }
0x59: {  	_ =	shalt  }
0x5a: {  	_ =	shalt  }
0x5b: {  	_ =	shalt  }
0x5c: {  	_ =	shalt  }
0x5d: {  	_ =	shalt  }
0x5e: {  	_ =	shalt  }
0x5f: {  	_ =	shalt  }
0x60: {  	_ =	shalt  }
0x61: {  	_ =	shalt  }
0x62: {  	_ =	shalt  }
0x63: {  	_ =	shalt  }
0x64: {  	_ =	shalt  }
0x65: {  	_ =	shalt  }
0x66: {  	_ =	shalt  }
0x67: {  	_ =	shalt  }
0x68: {  	_ =	shalt  }
0x69: {  	_ =	shalt  }
0x6a: {  	_ =	shalt  }
0x6b: {  	_ =	shalt  }
0x6c: {  	_ =	shalt  }
0x6d: {  	_ =	shalt  }
0x6e: {  	_ =	shalt  }
0x6f: {  	_ =	shalt  }
0x70: {  	_ =	shalt  }
0x71: {  	_ =	shalt  }
0x72: {  	_ =	shalt  }
0x73: {  	_ =	shalt  }
0x74: {  	_ =	shalt  }
0x75: {  	_ =	shalt  }
0x76: {  	_ =	shalt  }
0x77: {  	_ =	shalt  }
0x78: {  	_ =	shalt  }
0x79: {  	_ =	shalt  }
0x7a: {  	_ =	shalt  }
0x7b: {  	_ =	shalt  }
0x7c: {  	_ =	shalt  }
0x7d: {  	_ =	shalt  }
0x7e: {  	_ =	shalt  }
0x7f: {  	_ =	shalt  }
0x80: {  	_ =	shalt  }
0x81: {  	_ =	shalt  }
0x82: {  	_ =	shalt  }
0x83: {  	_ =	shalt  }
0x84: {  	_ =	shalt  }
0x85: {  	_ =	shalt  }
0x86: {  	_ =	shalt  }
0x87: {  	_ =	shalt  }
.Lfunc_end0:
.L_simem_size_0:
called_computation.2_lowered:
.L_overlay_start_0:
0x88: {  	s2 =	sld [smem:$0x3FD9]  }
0x89: {  	s3 =	sld [smem:$0x3FFE];
	_ =	sdelay $0x1  }
0x8a: {  	s1 =	srdreg.scid  }
0x8b: {  	s0 =	sand.u32 $0x1, s1  }
0x8c: {  	s17 =	sshll.u32 s0, $0xA;
	s2 =	sadd.s32 s3, s2  }
0x8d: {  	s2 =	sadd.s32 s2, s17  }
0x8e: {  	[smem:$0x3FC2] =	sst s2  }
0x8f: {  	_ = 	snop  }
0x90: {  	s2 =	sld [smem:$0x3FD0];
	(tm) =	ssettm $0x1  }
0x91: {  	s18 =	sld [smem:$0x3FFB];
	_ =	sdelay $0x3  }
0x92: {  	_ =	strace s18  }
0x93: {  	s3 =	sld [smem:$0x3FFC];
	_ =	sdelay $0x3  }
0x94: {  	_ =	strace s3  }
0x95: {  	s3 =	sld [smem:$0x3FFD];
	_ =	sdelay $0x3  }
0x96: {  	_ =	strace s3  }
0x97: {  	_ =	strace $0x8FFFFFFF  }
0x98: {  	s19 =	sld [smem:$0x3FDB];
	_ =	sdelay $0x1  }
0x99: {  	s4 =	simm.s32 $_scs_section_size  }
0x9a: {  	s5 =	simm.s32 $_size__tile_overlayer_lowered;
	s6 =	simm.s32 $_tile_overlayer_lowered  }
0x9b: {  	s22 =	simm.s32 $0x1BFF;
	s21 =	sshll.u32 s6, $0x1;
	s3 =	sadd.s32 s4, s19  }
0x9c: {  	s7 =	simm.s32 $0x0;
	s20 =	sshll.u32 s5, $0x1;
	s5 =	sadd.s32 s21, s3  }
0x9d: {  	[timem:s7], [sflag:s22] =	dma.local [hbm:s5], s20  }
0x9e: {  	_ =	swait.ge [sflag:s22], s20  }
0x9f: {  	s4 =	ssub.s32 $0x0, s20;
	[sflag:s22] =	ssyncset.done $0x0  }
0xa0: {  	[sflag:s22] =	ssyncadd.s32 s4;
	_ =	sdelay $0x1  }
0xa1: {  	s23 =	simm.s32 $0x1B8B  }
0xa2: {  	_ =	swait.ge [sflag:s23], $0x1  }
0xa3: {  	[sflag:s23] =	ssyncset.done $0x0  }
0xa4: {  	s25 =	simm.s32 $0x1B8E;
	s24 =	sld [smem:$0x3FFE];
	[sflag:s23] =	ssyncadd.s32 $0xFFFFFFFF  }
0xa5: {  	s26 =	simm.s32 $execute0_lowered;
	[smem:$0x3FD2] =	sst s25  }
0xa6: {  	s5 =	sshll.u32 s26, $0x1;
	_ =	strace $0x8000004C;
	[dreg:$0x1] =	wrdreg $0xFFFFFFFF  }
0xa7: {  	s28 =	simm.s32 $_size_execute0_lowered;
	s3 =	sadd.s32 s3, s5;
	[dreg:$0x0] =	wrdreg $0x0  }
0xa8: {  	s5 =	sshll.u32 s28, $0x1;
	[dreg:$0x2] =	wrdreg s3  }
0xa9: {  	[dreg:$0x3] =	wrdreg s5  }
0xaa: {  	[dreg:$0x4] =	wrdreg $0xC0  }
0xab: {  	_ =	task [dreg:s7], $0x5FFFF  }
0xac: {  	[dreg:$0x1] =	wrdreg $0xFFFFFFFF  }
0xad: {  	[dreg:$0x0] =	wrdreg $0x60  }
0xae: {  	[dreg:$0x2] =	wrdreg s24  }
0xaf: {  	[dreg:$0x3] =	wrdreg s2  }
0xb0: {  	[dreg:$0x4] =	wrdreg $0x94000  }
0xb1: {  	[dreg:$0x5] =	wrdreg $0x9  }
0xb2: {  	_ =	task.clear_ibuf [dreg:s7], $0x6FFFF;
	_ =	strace $0x9000004C  }
0xb3: {  	s29 =	simm.s32 $0x9;
	_ =	strace $0x8000004E  }
0xb4: {  	_ =	swait.ge [sflag:s29], $0x1  }
0xb5: {  	[sflag:s29] =	ssyncadd.s32 $0xFFFFFFFF  }
0xb6: {  	_ =	strace $0x9000004E  }
0xb7: {  	_ =	sfence  }
0xb8: {  	s30 =	sld [smem:$0x0];
	_ =	sdelay $0x2  }
0xb9: {  	s31 =	sshll.u32 s1, $0xD;
	s1 =	sshrl.u32 s1, $0x2  }
0xba: {  	s3 =	sand.u32 $0x4000, s31;
	s1 =	sadd.s32 s1, s30  }
0xbb: {  	s0 =	sor.u32 s3, s0;
	s1 =	sshll.u32 s1, $0x11  }
0xbc: {  	s0 =	sor.u32 s1, s0  }
0xbd: {  	s0 =	sadd.s32 $0x8F2B, s0  }
0xbe: {  	[sflag:s0] =	ssyncadd.remote.s32 $0x1  }
0xbf: {  	_ =	sfence.sel $0xFFFF  }
0xc0: {  	[dreg:$0x0] =	wrdreg $0xFFFFFFFF;
	(pc) =	sbr.abs _section_cstart, $3  }
0xc1: {  	[dreg:$0x1] =	wrdreg $0xFFFFFFFF  }
0xc2: {  	_ =	task.clear_ibuf [dreg:s7], $0x2FFFF;
	_ =	strace $0x9FFFFFFF  }
0xc3: {  	(tm) =	ssettm $0x7FFFFFFF  }
tec
execute0_lowered:
.L_overlay_start_1:
0x0: {  	(tag) =	ssettag $0x1  }
0x1: {  	s0 =	srdreg.scid;
	s5 =	rddreg [dreg:$0x0]  }
0x2: {  	s25 =	stileid.u32;
	s12 =	rddreg [dreg:$0x1]  }
0x3: {  	s19 =	simm.s32 $0x5000;
	s20 =	simm.s32 $0x2;
	s21 =	simm.s32 $0x5400  }
0x4: {  	s22 =	simm.s32 $0x80;
	s23 =	simm.s32 $0x5080;
	s24 =	simm.s32 $0x5100  }
0x5: {  	s29 =	simm.s32 $0x1;
	s30 =	simm.s32 $0x0;
	s6 =	smul.u32 $0x280, s25  }
0x6: {  	s1 =	sand.u32 $0x1, s0;
	s4 =	sadd.s32 $0x2C00, s5;
	s8 =	smul.u32 $0x14000, s25  }
0x7: {  	s26 =	sshll.u32 s25, $0x7;
	s31 =	smul.u32 $0x2800, s25;
	s2 =	sshll.u32 s1, $0x4  }
0x8: {  	s7 =	smul.u32 $0x2800, s1;
	s1 =	ssub.s32 $0x2, s1;
	s3 =	sor.u32 s25, s2  }
0x9: {  	s2 =	rddreg [dreg:$0x2];
	s28 =	sshrl.u32 s1, $0x1;
	s8 =	sshrl.u32 s8, $0x3  }
0xa: {  	s25 =	simm.s32 $0x5180;
	s13 =	smul.u32 $0x500, s3;
	s3 =	simm.s32 $0x0  }
0xb: {  	s6 =	sadd.s32 s6, s7;
	s7 =	sadd.s32 s26, s5;
	s1 =	ssub.s32 s1, s28  }
0xc: {  	s10 =	sadd.s32 s4, s8;
	s26 =	simm.s32 $0x5200;
	[smem:$0x7FF] =	sst s3  }
0xd: {  	s6 =	sshll.u32 s6, $0x4;
	s8 =	sadd.s32 $0x1000, s10;
	s9 =	sadd.s32 $0x1800, s10  }
0xe: {  	s18 =	smax.u32 s1, $0x1;
	_ =	strace $0x8000004D;
	s11 =	sadd.s32 s13, s5  }
0xf: {  	s17 =	sadd.s32 s6, s5;
	s5 =	sadd.s32 $0x2400, s7;
	s6 =	sadd.s32 s4, s31  }
0x10: {  	s7 =	sadd.s32 $0x800, s10;
	s10 =	sadd.s32 $0x2000, s10;
	s12 =	sadd.s32 s12, s13  }
0x11: {  	s11 =	sadd.s32 $0x52C00, s11;
	s13 =	sadd.s32 $0x5CC00, s17;
	s14 =	sadd.s32 $0x5D400, s17  }
0x12: {  	s15 =	sadd.s32 $0x5DC00, s17;
	s16 =	sadd.s32 $0x5E400, s17;
	s17 =	sadd.s32 $0x5EC00, s17  }
.LBB2_1:
0x13: {  	[tilespmem:s19], [sflag:$0x2] =	stream.linear.gather [hbm4b:s5+s3], $0x280, $0x38;
	[tilespmem:$0x1D400] =	vst v63  }
0x14: {  	_ =	swait.ge [sflag:s20], $0x280  }
0x15: {  	[sflag:s20] =	ssyncset.done $0x0  }
0x16: {  	[sflag:s20] =	ssyncadd.s32 $0xFFFFFD80  }
0x17: {  	[tilespmem:s21], [sflag:$0x2] =	stream.linear.gather [hbm4b:s6+s3], $0x4000, $0x38;
	[tilespmem:$0x1D400] =	vst v63  }
0x18: {  	_ =	swait.ge [sflag:s20], $0x4000  }
0x19: {  	[sflag:s20] =	ssyncset.done $0x0  }
0x1a: {  	[sflag:s20] =	ssyncadd.s32 $0xFFFFC000  }
0x1b: {  	[spmem:s2] =	stream.indirect.scatter [tilespmem:s21], [sflag:$0x2], $0x80, s19, s22, $0xb8;
	[tilespmem:$0x1D400] =	vst v63  }
0x1c: {  	_ =	swait.ge [sflag:s20], $0x4000  }
0x1d: {  	[sflag:s20] =	ssyncset.done $0x0  }
0x1e: {  	[sflag:s20] =	ssyncadd.s32 $0xFFFFC000  }
0x1f: {  	[tilespmem:s21], [sflag:$0x2] =	stream.linear.gather [hbm4b:s7+s3], $0x4000, $0x38;
	[tilespmem:$0x1D400] =	vst v63  }
0x20: {  	_ =	swait.ge [sflag:s20], $0x4000  }
0x21: {  	[sflag:s20] =	ssyncset.done $0x0  }
0x22: {  	[sflag:s20] =	ssyncadd.s32 $0xFFFFC000  }
0x23: {  	[spmem:s2] =	stream.indirect.scatter [tilespmem:s21], [sflag:$0x2], $0x80, s23, s22, $0xb8;
	[tilespmem:$0x1D400] =	vst v63  }
0x24: {  	_ =	swait.ge [sflag:s20], $0x4000  }
0x25: {  	[sflag:s20] =	ssyncset.done $0x0  }
0x26: {  	[sflag:s20] =	ssyncadd.s32 $0xFFFFC000  }
0x27: {  	[tilespmem:s21], [sflag:$0x2] =	stream.linear.gather [hbm4b:s8+s3], $0x4000, $0x38;
	[tilespmem:$0x1D400] =	vst v63  }
0x28: {  	_ =	swait.ge [sflag:s20], $0x4000  }
0x29: {  	[sflag:s20] =	ssyncset.done $0x0  }
0x2a: {  	[sflag:s20] =	ssyncadd.s32 $0xFFFFC000  }
0x2b: {  	[spmem:s2] =	stream.indirect.scatter [tilespmem:s21], [sflag:$0x2], $0x80, s24, s22, $0xb8;
	[tilespmem:$0x1D400] =	vst v63  }
0x2c: {  	_ =	swait.ge [sflag:s20], $0x4000  }
0x2d: {  	[sflag:s20] =	ssyncset.done $0x0  }
0x2e: {  	[sflag:s20] =	ssyncadd.s32 $0xFFFFC000  }
0x2f: {  	[tilespmem:s21], [sflag:$0x2] =	stream.linear.gather [hbm4b:s9+s3], $0x4000, $0x38;
	[tilespmem:$0x1D400] =	vst v63  }
0x30: {  	_ =	swait.ge [sflag:s20], $0x4000  }
0x31: {  	[sflag:s20] =	ssyncset.done $0x0  }
0x32: {  	[sflag:s20] =	ssyncadd.s32 $0xFFFFC000  }
0x33: {  	[spmem:s2] =	stream.indirect.scatter [tilespmem:s21], [sflag:$0x2], $0x80, s25, s22, $0xb8;
	[tilespmem:$0x1D400] =	vst v63  }
0x34: {  	_ =	swait.ge [sflag:s20], $0x4000  }
0x35: {  	[sflag:s20] =	ssyncset.done $0x0  }
0x36: {  	[sflag:s20] =	ssyncadd.s32 $0xFFFFC000  }
0x37: {  	[tilespmem:s21], [sflag:$0x2] =	stream.linear.gather [hbm4b:s10+s3], $0x4000, $0x38;
	[tilespmem:$0x1D400] =	vst v63  }
0x38: {  	_ =	swait.ge [sflag:s20], $0x4000  }
0x39: {  	[sflag:s20] =	ssyncset.done $0x0  }
0x3a: {  	[sflag:s20] =	ssyncadd.s32 $0xFFFFC000  }
0x3b: {  	[spmem:s2] =	stream.indirect.scatter [tilespmem:s21], [sflag:$0x2], $0x80, s26, s22, $0xb8;
	[tilespmem:$0x1D400] =	vst v63  }
0x3c: {  	_ =	swait.ge [sflag:s20], $0x4000  }
0x3d: {  	[sflag:s20] =	ssyncset.done $0x0  }
0x3e: {  	[sflag:s20] =	ssyncadd.s32 $0xFFFFC000  }
0x3f: {  	[tilespmem:s3], [sflag:$0x2] =	stream.linear.gather [hbm4b:s11+s3], $0x2780, $0x38;
	[tilespmem:$0x1D400] =	vst v63  }
0x40: {  	_ =	swait.ge [sflag:s20], $0x2780  }
0x41: {  	[sflag:s20] =	ssyncset.done $0x0  }
0x42: {  	s0 =	simm.s32 $0x2800;
	[sflag:s20] =	ssyncadd.s32 $0xFFFFD880  }
0x43: {  	[tilespmem:s0], [sflag:$0x2] =	stream.linear.gather [hbm4b:s12+s3], $0x2780, $0x38;
	[tilespmem:$0x1D400] =	vst v63  }
0x44: {  	_ =	swait.ge [sflag:s20], $0x2780  }
0x45: {  	[sflag:s20] =	ssyncset.done $0x0  }
0x46: {  	[sflag:s20] =	ssyncadd.s32 $0xFFFFD880  }
0x47: {  	s1 =	simm.s32 $0x0;
	[bflag:$0x0] =	sbarrier.arrive $0xFFFF  }
0x48: {  	[tilespmem:s21], [sflag:$0x1] =	stream.indirect.gather [hbm4b:s4+s22], $0x80, s1, s22, $0xb8;
	[tilespmem:$0x1D400] =	vst v63  }
0x49: {  	_ =	swait.ge [sflag:s29], $0x4000  }
0x4a: {  	[sflag:s29] =	ssyncset.done $0x0  }
0x4b: {  	s28 =	simm.s32 $0x2800;
	[sflag:s29] =	ssyncadd.s32 $0xFFFFC000  }
0x4c: {  	[spmem:s2] =	stream.indirect.scatter.add.f32 [tilespmem:s21], [sflag:$0x2], $0x80, s28, s22, $0xb8;
	[tilespmem:$0x1D400] =	vst v63  }
0x4d: {  	_ =	swait.ge [sflag:s20], $0x4000  }
0x4e: {  	s31 =	simm.s32 $0x200;
	s1 =	simm.s32 $0x400;
	[sflag:s20] =	ssyncset.done $0x0  }
.LBB2_2:
0x4f: {  	s0 =	sshra.s32 s31, $0x2  }
0x50: {  	[sflag:s20] =	ssyncadd.s32 $0xFFFFC000;
	s31 =	smov.u32 s1;
	s28 =	sadd.s32 $0x200, s1  }
0x51: {  	[tilespmem:s21], [sflag:$0x1] =	stream.indirect.gather [hbm4b:s4+s22], $0x80, s0, s22, $0xb8;
	[tilespmem:$0x1D400] =	vst v63  }
0x52: {  	p0 =	sne.s32 s1, $0x9C00;
	_ =	swait.ge [sflag:s29], $0x4000  }
.Ltmp0:
0x53: {  	[sflag:s29] =	ssyncset.done $0x0;
	(pc) =	sbr.rel @p0 .LBB2_2-.Ltmp0, $4  }
0x54: {  	s0 =	sadd.s32 $0x2800, s0;
	[sflag:s29] =	ssyncadd.s32 $0xFFFFC000  }
0x55: {  	[spmem:s2] =	stream.indirect.scatter.add.f32 [tilespmem:s21], [sflag:$0x2], $0x80, s0, s22, $0xb8;
	[tilespmem:$0x1D400] =	vst v63  }
0x56: {  	_ =	swait.ge [sflag:s20], $0x4000  }
0x57: {  	s1 =	smov.u32 s28;
	[sflag:s20] =	ssyncset.done $0x0  }
0x58: {  	s0 =	sshra.s32 s31, $0x2;
	[sflag:s20] =	ssyncadd.s32 $0xFFFFC000  }
0x59: {  	[tilespmem:s21], [sflag:$0x1] =	stream.indirect.gather [hbm4b:s4+s22], $0x80, s0, s22, $0xb8;
	[tilespmem:$0x1D400] =	vst v63  }
0x5a: {  	_ =	swait.ge [sflag:s29], $0x4000  }
0x5b: {  	[sflag:s29] =	ssyncset.done $0x0  }
0x5c: {  	s0 =	sadd.s32 $0x2800, s0;
	[sflag:s29] =	ssyncadd.s32 $0xFFFFC000  }
0x5d: {  	[spmem:s2] =	stream.indirect.scatter.add.f32 [tilespmem:s21], [sflag:$0x2], $0x80, s0, s22, $0xb8;
	[tilespmem:$0x1D400] =	vst v63  }
0x5e: {  	_ =	swait.ge [sflag:s20], $0x4000  }
0x5f: {  	[sflag:s20] =	ssyncset.done $0x0  }
0x60: {  	[sflag:s20] =	ssyncadd.s32 $0xFFFFC000  }
0x61: {  	[bflag:$0x0] =	sbarrier.arrive $0xFFFF  }
0x62: {  	[tilespmem:s21], [sflag:$0x1] =	stream.indirect.gather [spmem:s2], $0x80, s19, s22, $0xb8;
	[tilespmem:$0x1D400] =	vst v63  }
0x63: {  	_ =	swait.ge [sflag:s29], $0x4000  }
0x64: {  	[sflag:s29] =	ssyncset.done $0x0  }
0x65: {  	[sflag:s29] =	ssyncadd.s32 $0xFFFFC000  }
0x66: {  	[hbm4b:s13+s3] =	stream.linear.scatter [tilespmem:s21], [sflag:$0x2], $0x4000, $0x38;
	[tilespmem:$0x1D400] =	vst v63  }
0x67: {  	_ =	swait.ge [sflag:s20], $0x4000  }
0x68: {  	[sflag:s20] =	ssyncset.done $0x0  }
0x69: {  	[sflag:s20] =	ssyncadd.s32 $0xFFFFC000  }
0x6a: {  	[tilespmem:s21], [sflag:$0x1] =	stream.indirect.gather [spmem:s2], $0x80, s23, s22, $0xb8;
	[tilespmem:$0x1D400] =	vst v63  }
0x6b: {  	_ =	swait.ge [sflag:s29], $0x4000  }
0x6c: {  	[sflag:s29] =	ssyncset.done $0x0  }
0x6d: {  	[sflag:s29] =	ssyncadd.s32 $0xFFFFC000  }
0x6e: {  	[hbm4b:s14+s3] =	stream.linear.scatter [tilespmem:s21], [sflag:$0x2], $0x4000, $0x38;
	[tilespmem:$0x1D400] =	vst v63  }
0x6f: {  	_ =	swait.ge [sflag:s20], $0x4000  }
0x70: {  	[sflag:s20] =	ssyncset.done $0x0  }
0x71: {  	[sflag:s20] =	ssyncadd.s32 $0xFFFFC000  }
0x72: {  	[tilespmem:s21], [sflag:$0x1] =	stream.indirect.gather [spmem:s2], $0x80, s24, s22, $0xb8;
	[tilespmem:$0x1D400] =	vst v63  }
0x73: {  	_ =	swait.ge [sflag:s29], $0x4000  }
0x74: {  	[sflag:s29] =	ssyncset.done $0x0  }
0x75: {  	[sflag:s29] =	ssyncadd.s32 $0xFFFFC000  }
0x76: {  	[hbm4b:s15+s3] =	stream.linear.scatter [tilespmem:s21], [sflag:$0x2], $0x4000, $0x38;
	[tilespmem:$0x1D400] =	vst v63  }
0x77: {  	_ =	swait.ge [sflag:s20], $0x4000  }
0x78: {  	[sflag:s20] =	ssyncset.done $0x0  }
0x79: {  	[sflag:s20] =	ssyncadd.s32 $0xFFFFC000  }
0x7a: {  	[tilespmem:s21], [sflag:$0x1] =	stream.indirect.gather [spmem:s2], $0x80, s25, s22, $0xb8;
	[tilespmem:$0x1D400] =	vst v63  }
0x7b: {  	_ =	swait.ge [sflag:s29], $0x4000  }
0x7c: {  	[sflag:s29] =	ssyncset.done $0x0  }
0x7d: {  	[sflag:s29] =	ssyncadd.s32 $0xFFFFC000  }
0x7e: {  	[hbm4b:s16+s3] =	stream.linear.scatter [tilespmem:s21], [sflag:$0x2], $0x4000, $0x38;
	[tilespmem:$0x1D400] =	vst v63  }
0x7f: {  	_ =	swait.ge [sflag:s20], $0x4000  }
0x80: {  	[sflag:s20] =	ssyncset.done $0x0  }
0x81: {  	[sflag:s20] =	ssyncadd.s32 $0xFFFFC000  }
0x82: {  	[tilespmem:s21], [sflag:$0x1] =	stream.indirect.gather [spmem:s2], $0x80, s26, s22, $0xb8;
	[tilespmem:$0x1D400] =	vst v63  }
0x83: {  	s30 =	sadd.s32 $0x1, s30;
	_ =	swait.ge [sflag:s29], $0x4000  }
0x84: {  	p0 =	sne.s32 s30, s18;
	[sflag:s29] =	ssyncset.done $0x0  }
.Ltmp1:
0x85: {  	[sflag:s29] =	ssyncadd.s32 $0xFFFFC000;
	(pc) =	sbr.rel @p0 .LBB2_1-.Ltmp1, $4  }
0x86: {  	[hbm4b:s17+s3] =	stream.linear.scatter [tilespmem:s21], [sflag:$0x2], $0x4000, $0x38;
	[tilespmem:$0x1D400] =	vst v63  }
0x87: {  	_ =	swait.ge [sflag:s20], $0x4000  }
0x88: {  	[sflag:s20] =	ssyncset.done $0x0  }
0x89: {  	[sflag:s20] =	ssyncadd.s32 $0xFFFFC000  }
0x8a: {  	_ =	sfence.sel $0x180000  }
0x8b: {  	[bflag:$0x0] =	sbarrier.arrive $0xFFFF  }
0x8c: {  	_ =	strace $0x9000004D  }
0x8d: {  	s0 =	stileid.u32;
	[bflag:$0x2] =	sbarrier.arrive $0xFFFF  }
0x8e: {  	p0 =	sne.s32 s0, $0x0;
	s0 =	rddreg [dreg:$0x3]  }
0x8f: {  	s0 =	sadd.s32 @!p0 $0x100000, s0  }
0x90: {  	[sflag:s0] =	ssyncadd.tile.s32 @!p0 $0x1;
	_ =	shalt  }
.Lfunc_end2:
_tile_overlayer_lowered:
.L_overlay_start_2:
0x91: {  	(tag) =	ssettag $0x2  }
0x92: {  	s0 =	rddreg [dreg:$0x0];
	s2 =	stileid.u32  }
0x93: {  	s1 =	rddreg [dreg:$0x1];
	p0 =	sne.s32 s2, $0x0  }
0x94: {  	s3 =	rddreg [dreg:$0x2];
	[bflag:$0x3] =	sbarrier.arrive $0xFFFF;
	s2 =	simm.s32 @!p0 $0x1C02  }
0x95: {  	[timem:s3], [sflag:s2] =	dma.local @!p0 [hbm:s0], s1  }
0x96: {  	s0 =	simm.s32 @!p0 $0x2  }
0x97: {  	_ =	swait.ge @!p0 [sflag:s0], s1  }
0x98: {  	s1 =	ssub.s32 @!p0 $0x0, s1;
	[sflag:s0] =	ssyncset.done @!p0 $0x0  }
0x99: {  	[sflag:s0] =	ssyncadd.s32 @!p0 s1  }
0x9a: {  	[bflag:$0x3] =	sbarrier.arrive $0xFFFF  }
0x9b: {  	_ =	shalt  }

// kernel: kernel.8.cloned.1.call-start
scs
__scs_entry_jumppad:
0x0: {  	(pc) =	sbr.rel $0x88, $3  }
0x1: {  	(tag) =	ssettag $0x0;
	lr =	simm.s32 $0x1  }
0x2: {  	[smem:$0x3F9B] =	sst lr;
	_ =	strace $0xD0000000  }
0x3: {  	_ = 	snop  }
0x4: {  	_ = 	snop  }
0x5: {  	_ = 	snop  }
0x6: {  	_ = 	snop  }
0x7: {  	_ = 	snop  }
__scs_overlays_trampoline_lowered:
0x8: {  	[smem:$0x3FAA] =	sst s0  }
0x9: {  	[smem:$0x3FAB] =	sst s1  }
0xa: {  	[smem:$0x3FAC] =	sst s2  }
0xb: {  	[smem:$0x3FAD] =	sst s3  }
0xc: {  	[smem:$0x3FAE] =	sst s4  }
0xd: {  	[smem:$0x3FAF] =	sst s5  }
0xe: {  	[smem:$0x3FB0] =	sst s6  }
0xf: {  	[smem:$0x3FB1] =	sst s7  }
0x10: {  	[smem:$0x3FB2] =	sst s8  }
0x11: {  	[smem:$0x3FB3] =	sst s9;
	s0 =	simm.s32 @!p0 $0x0  }
0x12: {  	s1 =	sld [smem:$0x3F99];
	s0 =	simm.s32 @p0 $0x1  }
0x13: {  	[smem:$0x3FB4] =	sst s0;
	s0 =	simm.s32 @!p1 $0x0  }
0x14: {  	s2 =	sld [smem:$0x3F98];
	s0 =	simm.s32 @p1 $0x1  }
0x15: {  	[smem:$0x3FB5] =	sst s0;
	s0 =	simm.s32 @!p2 $0x0  }
0x16: {  	s3 =	sld [smem:$0x3FDB];
	s0 =	simm.s32 @p2 $0x1  }
0x17: {  	s4 =	simm.s32 $0x1BF5;
	[smem:$0x3FB7] =	sst s0  }
0x18: {  	s0 =	sld [smem:$0x3F9A];
	_ =	swait.ge [sflag:s4], $0x0  }
0x19: {  	s7 =	sld [smem:$0x3F9B]  }
0x1a: {  	s8 =	sadd.s32 $0xFFFFE003, lr  }
0x1b: {  	s9 =	sadd.s32 $0xFFFFFEF7, lr;
	s5 =	simm.s32 $0xFFFFFFFF;
	p2 =	slt.u32 s8, $0xFFFFF086  }
0x1c: {  	p1 =	slt.u32 s9, $0xF7A;
	s5 =	simm.s32 @!p2 $0x0  }
0x1d: {  	s5 =	simm.s32 @p1 $0x1;
	p0 =	seq.s32 s7, s2  }
0x1e: {  	s7 =	smul.u32 @!p0 $0xF7A, s2;
	p2 =	seq.s32 @!p0 s5, $0x0  }
0x1f: {  	s9 =	smul.u32 $0xF7A, s1;
	s8 =	simm.s32 @!p0 $0x1BF5;
	p2 =	por !p2, p0  }
0x20: {  	[sflag:s8] =	ssyncset.s32 @!p0 $0xFFFFF086;
	s6 =	sadd.s32 @!p0 s3, s7;
	s7 =	simm.s32 @!p0 $0x108  }
0x21: {  	s3 =	sadd.s32 s3, s9;
	s6 =	sadd.s32 @!p0 $0x88, s6;
	s7 =	simm.s32 @p2 $0x1082  }
0x22: {  	[simem:s7], [sflag:s8] =	dma.local @!p0 [hbm:s6], $0xF7A  }
0x23: {  	s9 =	sor.u32 $0xD0000000, s2;
	s6 =	simm.s32 $0x108;
	_ =	swait.ge @!p0 [sflag:s8], $0x0  }
0x24: {  	s3 =	sadd.s32 $0x88, s3;
	s6 =	simm.s32 @!p1 $0x1082;
	[sflag:s4] =	ssyncset.s32 $0xFFFFF086  }
0x25: {  	[simem:s6], [sflag:s4] =	dma.local [hbm:s3], $0xF7A  }
0x26: {  	[smem:$0x3F9B] =	sst s1;
	(tag) =	ssettag s2;
	_ =	strace s9  }
0x27: {  	s1 =	sld [smem:$0x3FAB]  }
0x28: {  	s2 =	sld [smem:$0x3FAC]  }
0x29: {  	s4 =	sld [smem:$0x3FAE]  }
0x2a: {  	p0 =	seq.s32 s5, $0x0;
	s5 =	sld [smem:$0x3FAF]  }
0x2b: {  	s6 =	sld [smem:$0x3FB0]  }
0x2c: {  	s7 =	sld [smem:$0x3FB1]  }
0x2d: {  	s3 =	simm.s32 $0x108;
	s8 =	sld [smem:$0x3FB2]  }
0x2e: {  	s3 =	simm.s32 @!p0 $0x1082;
	s9 =	sld [smem:$0x3FB3]  }
0x2f: {  	lr =	sadd.s32 s0, s3;
	s0 =	sld [smem:$0x3FAA]  }
0x30: {  	s3 =	sld [smem:$0x3FAD]  }
0x31: {  	[smem:$0x3FB6] =	sst s10  }
0x32: {  	s10 =	sld [smem:$0x3FB4];
	_ =	sdelay $0x3  }
0x33: {  	p0 =	seq.s32 s10, $0x1;
	s10 =	sld [smem:$0x3FB6];
	_ =	sdelay $0x3  }
0x34: {  	[smem:$0x3FB6] =	sst s10  }
0x35: {  	s10 =	sld [smem:$0x3FB5];
	_ =	sdelay $0x3  }
0x36: {  	p1 =	seq.s32 s10, $0x1;
	s10 =	sld [smem:$0x3FB6];
	_ =	sdelay $0x3  }
0x37: {  	[smem:$0x3FB6] =	sst s10  }
0x38: {  	s10 =	sld [smem:$0x3FB7]  }
0x39: {  	_ = 	snop;
	(pc) =	sbr.ind lr, $3  }
0x3a: {  	_ = 	snop  }
0x3b: {  	_ = 	snop  }
0x3c: {  	p2 =	seq.s32 s10, $0x1;
	s10 =	sld [smem:$0x3FB6]  }
0x3d: {  	_ =	shalt  }
0x3e: {  	_ =	shalt  }
0x3f: {  	_ =	shalt  }
0x40: {  	_ =	shalt  }
0x41: {  	_ =	shalt  }
0x42: {  	_ =	shalt  }
0x43: {  	_ =	shalt  }
0x44: {  	_ =	shalt  }
0x45: {  	_ =	shalt  }
0x46: {  	_ =	shalt  }
0x47: {  	_ =	shalt  }
0x48: {  	_ =	shalt  }
0x49: {  	_ =	shalt  }
0x4a: {  	_ =	shalt  }
0x4b: {  	_ =	shalt  }
0x4c: {  	_ =	shalt  }
0x4d: {  	_ =	shalt  }
0x4e: {  	_ =	shalt  }
0x4f: {  	_ =	shalt  }
0x50: {  	_ =	shalt  }
0x51: {  	_ =	shalt  }
0x52: {  	_ =	shalt  }
0x53: {  	_ =	shalt  }
0x54: {  	_ =	shalt  }
0x55: {  	_ =	shalt  }
0x56: {  	_ =	shalt  }
0x57: {  	_ =	shalt  }
0x58: {  	_ =	shalt  }
0x59: {  	_ =	shalt  }
0x5a: {  	_ =	shalt  }
0x5b: {  	_ =	shalt  }
0x5c: {  	_ =	shalt  }
0x5d: {  	_ =	shalt  }
0x5e: {  	_ =	shalt  }
0x5f: {  	_ =	shalt  }
0x60: {  	_ =	shalt  }
0x61: {  	_ =	shalt  }
0x62: {  	_ =	shalt  }
0x63: {  	_ =	shalt  }
0x64: {  	_ =	shalt  }
0x65: {  	_ =	shalt  }
0x66: {  	_ =	shalt  }
0x67: {  	_ =	shalt  }
0x68: {  	_ =	shalt  }
0x69: {  	_ =	shalt  }
0x6a: {  	_ =	shalt  }
0x6b: {  	_ =	shalt  }
0x6c: {  	_ =	shalt  }
0x6d: {  	_ =	shalt  }
0x6e: {  	_ =	shalt  }
0x6f: {  	_ =	shalt  }
0x70: {  	_ =	shalt  }
0x71: {  	_ =	shalt  }
0x72: {  	_ =	shalt  }
0x73: {  	_ =	shalt  }
0x74: {  	_ =	shalt  }
0x75: {  	_ =	shalt  }
0x76: {  	_ =	shalt  }
0x77: {  	_ =	shalt  }
0x78: {  	_ =	shalt  }
0x79: {  	_ =	shalt  }
0x7a: {  	_ =	shalt  }
0x7b: {  	_ =	shalt  }
0x7c: {  	_ =	shalt  }
0x7d: {  	_ =	shalt  }
0x7e: {  	_ =	shalt  }
0x7f: {  	_ =	shalt  }
0x80: {  	_ =	shalt  }
0x81: {  	_ =	shalt  }
0x82: {  	_ =	shalt  }
0x83: {  	_ =	shalt  }
0x84: {  	_ =	shalt  }
0x85: {  	_ =	shalt  }
0x86: {  	_ =	shalt  }
0x87: {  	_ =	shalt  }
.Lfunc_end0:
.L_simem_size_0:
called_computation_lowered:
.L_overlay_start_0:
0x88: {  	s2 =	sld [smem:$0x3FD9]  }
0x89: {  	s3 =	sld [smem:$0x3FFE];
	_ =	sdelay $0x1  }
0x8a: {  	s1 =	srdreg.scid  }
0x8b: {  	s0 =	sand.u32 $0x1, s1  }
0x8c: {  	s17 =	sshll.u32 s0, $0xA;
	s2 =	sadd.s32 s3, s2  }
0x8d: {  	s2 =	sadd.s32 s2, s17  }
0x8e: {  	[smem:$0x3FC2] =	sst s2  }
0x8f: {  	_ = 	snop  }
0x90: {  	s2 =	sld [smem:$0x3FD0];
	(tm) =	ssettm $0x1  }
0x91: {  	s18 =	sld [smem:$0x3FFB];
	_ =	sdelay $0x3  }
0x92: {  	_ =	strace s18  }
0x93: {  	s3 =	sld [smem:$0x3FFC];
	_ =	sdelay $0x3  }
0x94: {  	_ =	strace s3  }
0x95: {  	s3 =	sld [smem:$0x3FFD];
	_ =	sdelay $0x3  }
0x96: {  	_ =	strace s3  }
0x97: {  	_ =	strace $0x8FFFFFFF  }
0x98: {  	s19 =	sld [smem:$0x3FDB];
	_ =	sdelay $0x1  }
0x99: {  	s4 =	simm.s32 $_scs_section_size  }
0x9a: {  	s5 =	simm.s32 $_size__tile_overlayer_lowered;
	s6 =	simm.s32 $_tile_overlayer_lowered  }
0x9b: {  	s22 =	simm.s32 $0x1BFF;
	s21 =	sshll.u32 s6, $0x1;
	s3 =	sadd.s32 s4, s19  }
0x9c: {  	s7 =	simm.s32 $0x0;
	s20 =	sshll.u32 s5, $0x1;
	s5 =	sadd.s32 s21, s3  }
0x9d: {  	[timem:s7], [sflag:s22] =	dma.local [hbm:s5], s20  }
0x9e: {  	_ =	swait.ge [sflag:s22], s20  }
0x9f: {  	s4 =	ssub.s32 $0x0, s20;
	[sflag:s22] =	ssyncset.done $0x0  }
0xa0: {  	[sflag:s22] =	ssyncadd.s32 s4;
	_ =	sdelay $0x1  }
0xa1: {  	s23 =	simm.s32 $0x1B8B  }
0xa2: {  	_ =	swait.ge [sflag:s23], $0x1  }
0xa3: {  	[sflag:s23] =	ssyncset.done $0x0  }
0xa4: {  	s25 =	simm.s32 $0x1B8E;
	s24 =	sld [smem:$0x3FFE];
	[sflag:s23] =	ssyncadd.s32 $0xFFFFFFFF  }
0xa5: {  	s26 =	simm.s32 $execute0_lowered;
	[smem:$0x3FD2] =	sst s25  }
0xa6: {  	s5 =	sshll.u32 s26, $0x1;
	_ =	strace $0x80000046;
	[dreg:$0x1] =	wrdreg $0xFFFFFFFF  }
0xa7: {  	s28 =	simm.s32 $_size_execute0_lowered;
	s3 =	sadd.s32 s3, s5;
	[dreg:$0x0] =	wrdreg $0x0  }
0xa8: {  	s5 =	sshll.u32 s28, $0x1;
	[dreg:$0x2] =	wrdreg s3  }
0xa9: {  	[dreg:$0x3] =	wrdreg s5  }
0xaa: {  	[dreg:$0x4] =	wrdreg $0xC0  }
0xab: {  	_ =	task [dreg:s7], $0x5FFFF  }
0xac: {  	[dreg:$0x1] =	wrdreg $0xFFFFFFFF  }
0xad: {  	[dreg:$0x0] =	wrdreg $0x60  }
0xae: {  	[dreg:$0x2] =	wrdreg s2  }
0xaf: {  	[dreg:$0x3] =	wrdreg s24  }
0xb0: {  	[dreg:$0x4] =	wrdreg $0xAC000  }
0xb1: {  	[dreg:$0x5] =	wrdreg $0x9  }
0xb2: {  	_ =	task.clear_ibuf [dreg:s7], $0x6FFFF;
	_ =	strace $0x90000046  }
0xb3: {  	s29 =	simm.s32 $0x9;
	_ =	strace $0x80000048  }
0xb4: {  	_ =	swait.ge [sflag:s29], $0x1  }
0xb5: {  	[sflag:s29] =	ssyncadd.s32 $0xFFFFFFFF  }
0xb6: {  	_ =	strace $0x90000048  }
0xb7: {  	_ =	sfence  }
0xb8: {  	s30 =	sld [smem:$0x0];
	_ =	sdelay $0x2  }
0xb9: {  	s31 =	sshll.u32 s1, $0xD;
	s1 =	sshrl.u32 s1, $0x2  }
0xba: {  	s3 =	sand.u32 $0x4000, s31;
	s1 =	sadd.s32 s1, s30  }
0xbb: {  	s0 =	sor.u32 s3, s0;
	s1 =	sshll.u32 s1, $0x11  }
0xbc: {  	s0 =	sor.u32 s1, s0  }
0xbd: {  	s0 =	sadd.s32 $0x8F2B, s0  }
0xbe: {  	[sflag:s0] =	ssyncadd.remote.s32 $0x1  }
0xbf: {  	_ =	sfence.sel $0xFFFF  }
0xc0: {  	[dreg:$0x0] =	wrdreg $0xFFFFFFFF;
	(pc) =	sbr.abs _section_cstart, $3  }
0xc1: {  	[dreg:$0x1] =	wrdreg $0xFFFFFFFF  }
0xc2: {  	_ =	task.clear_ibuf [dreg:s7], $0x2FFFF;
	_ =	strace $0x9FFFFFFF  }
0xc3: {  	(tm) =	ssettm $0x7FFFFFFF  }
tec
execute0_lowered:
.L_overlay_start_1:
0x0: {  	(tag) =	ssettag $0x1  }
0x1: {  	s5 =	rddreg [dreg:$0x0]  }
0x2: {  	s4 =	rddreg [dreg:$0x1]  }
0x3: {  	s1 =	rddreg [dreg:$0x2]  }
0x4: {  	s2 =	srdreg.scid;
	s0 =	rddreg [dreg:$0x3];
	s3 =	simm.s32 $0x0  }
0x5: {  	s13 =	simm.s32 $0x2;
	s14 =	simm.s32 $0x80;
	s15 =	simm.s32 $0x6C00  }
0x6: {  	s16 =	simm.s32 $0x2880;
	s17 =	simm.s32 $0x2900;
	s18 =	simm.s32 $0x2980  }
0x7: {  	s19 =	simm.s32 $0x2A00;
	s20 =	simm.s32 $0x2C00;
	s6 =	sand.u32 $0x1, s2  }
0x8: {  	s21 =	simm.s32 $0x1;
	s2 =	stileid.u32;
	s7 =	smul.u32 $0x2800, s6  }
0x9: {  	s22 =	simm.s32 $0x0;
	[smem:$0x7FF] =	sst s3;
	s9 =	smul.u32 $0x280, s2  }
0xa: {  	s8 =	sshll.u32 s2, $0x7;
	_ =	strace $0x80000047;
	s10 =	sshll.u32 s6, $0x4  }
0xb: {  	s6 =	ssub.s32 $0x2, s6;
	s30 =	sor.u32 s2, s10;
	s7 =	sadd.s32 s9, s7  }
0xc: {  	s31 =	sshrl.u32 s6, $0x1;
	s9 =	smul.u32 $0x500, s30;
	s7 =	sshll.u32 s7, $0x4  }
0xd: {  	s8 =	sadd.s32 s8, s4;
	s12 =	ssub.s32 s6, s31;
	s11 =	sadd.s32 s7, s4  }
0xe: {  	s4 =	sadd.s32 $0x2400, s8;
	s5 =	sadd.s32 s5, s9;
	s6 =	sadd.s32 $0x2C00, s11  }
0xf: {  	s7 =	sadd.s32 $0x3400, s11;
	s8 =	sadd.s32 $0x3C00, s11;
	s9 =	sadd.s32 $0x4400, s11  }
0x10: {  	v0 =	vimm.f32 $1.000000000e+00;
	v1 =	vimm.f32 $0.0e+00;
	s10 =	sadd.s32 $0x4C00, s11;
	s11 =	smax.u32 s12, $0x1;
	s12 =	simm.s32 $0x2800  }
.LBB2_1:
0x11: {  	s23 =	simm.s32 $0x0;
	s24 =	simm.s32 $0x200  }
.LBB2_2:
0x12: {  	p0 =	sne.s32 s24, $0xFE00;
	[tilespmem:s23+$0x6C70] =	vst v1  }
0x13: {  	[tilespmem:s23+$0x2C00] =	vst v0  }
0x14: {  	[tilespmem:s23+$0x6C00] =	vst v1  }
0x15: {  	[tilespmem:s23+$0x2C10] =	vst v0  }
0x16: {  	[tilespmem:s23+$0x6C10] =	vst v1  }
0x17: {  	[tilespmem:s23+$0x2C20] =	vst v0  }
0x18: {  	[tilespmem:s23+$0x6C20] =	vst v1  }
0x19: {  	[tilespmem:s23+$0x2C30] =	vst v0  }
0x1a: {  	[tilespmem:s23+$0x6C30] =	vst v1  }
0x1b: {  	[tilespmem:s23+$0x2C40] =	vst v0  }
0x1c: {  	[tilespmem:s23+$0x6C40] =	vst v1  }
.Ltmp0:
0x1d: {  	[tilespmem:s23+$0x2C50] =	vst v0;
	(pc) =	sbr.rel @p0 .LBB2_2-.Ltmp0, $4  }
0x1e: {  	[tilespmem:s23+$0x6C50] =	vst v1  }
0x1f: {  	[tilespmem:s23+$0x2C60] =	vst v0  }
0x20: {  	[tilespmem:s23+$0x6C60] =	vst v1  }
0x21: {  	[tilespmem:s23+$0x2C70] =	vst v0;
	s23 =	sshra.s32 s24, $0x2;
	s24 =	sadd.s32 $0x200, s24  }
0x22: {  	[tilespmem:s23+$0x6C70] =	vst v1  }
0x23: {  	[tilespmem:s23+$0x2C00] =	vst v0  }
0x24: {  	[tilespmem:s23+$0x6C00] =	vst v1  }
0x25: {  	[tilespmem:s23+$0x2C10] =	vst v0  }
0x26: {  	[tilespmem:s23+$0x6C10] =	vst v1  }
0x27: {  	[tilespmem:s23+$0x2C20] =	vst v0  }
0x28: {  	[tilespmem:s23+$0x6C20] =	vst v1  }
0x29: {  	[tilespmem:s23+$0x2C30] =	vst v0  }
0x2a: {  	[tilespmem:s23+$0x6C30] =	vst v1  }
0x2b: {  	[tilespmem:s23+$0x2C40] =	vst v0  }
0x2c: {  	[tilespmem:s23+$0x6C40] =	vst v1  }
0x2d: {  	[tilespmem:s23+$0x2C50] =	vst v0  }
0x2e: {  	[tilespmem:s23+$0x6C50] =	vst v1  }
0x2f: {  	[tilespmem:s23+$0x2C60] =	vst v0  }
0x30: {  	[tilespmem:s23+$0x6C60] =	vst v1  }
0x31: {  	[tilespmem:s23+$0x2C70] =	vst v0;
	s30 =	simm.s32 $0x0  }
0x32: {  	[tilespmem:s12], [sflag:$0x2] =	stream.linear.gather [hbm4b:s4+s30], $0x280, $0x38;
	[tilespmem:$0x1EC00] =	vst v63  }
0x33: {  	_ =	swait.ge [sflag:s13], $0x280  }
0x34: {  	[sflag:s13] =	ssyncset.done $0x0  }
0x35: {  	[sflag:s13] =	ssyncadd.s32 $0xFFFFFD80  }
0x36: {  	[spmem:s1] =	stream.indirect.scatter [tilespmem:s15], [sflag:$0x2], $0x80, s12, s14, $0xb8;
	[tilespmem:$0x1EC00] =	vst v63  }
0x37: {  	_ =	swait.ge [sflag:s13], $0x4000  }
0x38: {  	[sflag:s13] =	ssyncset.done $0x0  }
0x39: {  	[sflag:s13] =	ssyncadd.s32 $0xFFFFC000  }
0x3a: {  	[spmem:s1] =	stream.indirect.scatter [tilespmem:s15], [sflag:$0x2], $0x80, s16, s14, $0xb8;
	[tilespmem:$0x1EC00] =	vst v63  }
0x3b: {  	_ =	swait.ge [sflag:s13], $0x4000  }
0x3c: {  	[sflag:s13] =	ssyncset.done $0x0  }
0x3d: {  	[sflag:s13] =	ssyncadd.s32 $0xFFFFC000  }
0x3e: {  	[spmem:s1] =	stream.indirect.scatter [tilespmem:s15], [sflag:$0x2], $0x80, s17, s14, $0xb8;
	[tilespmem:$0x1EC00] =	vst v63  }
0x3f: {  	_ =	swait.ge [sflag:s13], $0x4000  }
0x40: {  	[sflag:s13] =	ssyncset.done $0x0  }
0x41: {  	[sflag:s13] =	ssyncadd.s32 $0xFFFFC000  }
0x42: {  	[spmem:s1] =	stream.indirect.scatter [tilespmem:s15], [sflag:$0x2], $0x80, s18, s14, $0xb8;
	[tilespmem:$0x1EC00] =	vst v63  }
0x43: {  	_ =	swait.ge [sflag:s13], $0x4000  }
0x44: {  	[sflag:s13] =	ssyncset.done $0x0  }
0x45: {  	[sflag:s13] =	ssyncadd.s32 $0xFFFFC000  }
0x46: {  	[spmem:s1] =	stream.indirect.scatter [tilespmem:s15], [sflag:$0x2], $0x80, s19, s14, $0xb8;
	[tilespmem:$0x1EC00] =	vst v63  }
0x47: {  	_ =	swait.ge [sflag:s13], $0x4000  }
0x48: {  	[sflag:s13] =	ssyncset.done $0x0  }
0x49: {  	[sflag:s13] =	ssyncadd.s32 $0xFFFFC000  }
0x4a: {  	[tilespmem:s30], [sflag:$0x2] =	stream.linear.gather [hbm4b:s5+s30], $0x2780, $0x38;
	[tilespmem:$0x1EC00] =	vst v63  }
0x4b: {  	_ =	swait.ge [sflag:s13], $0x2780  }
0x4c: {  	[sflag:s13] =	ssyncset.done $0x0  }
0x4d: {  	[sflag:s13] =	ssyncadd.s32 $0xFFFFD880  }
0x4e: {  	s31 =	simm.s32 $0x0;
	[bflag:$0x0] =	sbarrier.arrive $0xFFFF  }
0x4f: {  	[spmem:s1] =	stream.indirect.scatter.add.f32 [tilespmem:s20], [sflag:$0x2], $0x80, s31, s14, $0xb8;
	[tilespmem:$0x1EC00] =	vst v63  }
0x50: {  	_ =	swait.ge [sflag:s13], $0x4000  }
0x51: {  	s23 =	simm.s32 $0x200;
	[sflag:s13] =	ssyncset.done $0x0  }
.LBB2_4:
0x52: {  	s24 =	sshra.s32 s23, $0x2;
	[sflag:s13] =	ssyncadd.s32 $0xFFFFC000;
	p0 =	sne.s32 s23, $0x9C00  }
0x53: {  	[spmem:s1] =	stream.indirect.scatter.add.f32 [tilespmem:s20], [sflag:$0x2], $0x80, s24, s14, $0xb8;
	[tilespmem:$0x1EC00] =	vst v63  }
.Ltmp1:
0x54: {  	_ = 	snop;
	(pc) =	sbr.rel @p0 .LBB2_4-.Ltmp1, $4  }
0x55: {  	_ = 	snop  }
0x56: {  	s23 =	sadd.s32 $0x200, s23  }
0x57: {  	_ =	swait.ge [sflag:s13], $0x4000  }
0x58: {  	[sflag:s13] =	ssyncset.done $0x0  }
0x59: {  	[sflag:s13] =	ssyncadd.s32 $0xFFFFC000  }
0x5a: {  	[bflag:$0x0] =	sbarrier.arrive $0xFFFF  }
0x5b: {  	[tilespmem:s15], [sflag:$0x1] =	stream.indirect.gather [spmem:s1], $0x80, s12, s14, $0xb8;
	[tilespmem:$0x1EC00] =	vst v63  }
0x5c: {  	_ =	swait.ge [sflag:s21], $0x4000  }
0x5d: {  	[sflag:s21] =	ssyncset.done $0x0  }
0x5e: {  	[sflag:s21] =	ssyncadd.s32 $0xFFFFC000  }
0x5f: {  	[hbm4b:s6+s3] =	stream.linear.scatter [tilespmem:s15], [sflag:$0x2], $0x4000, $0x38;
	[tilespmem:$0x1EC00] =	vst v63  }
0x60: {  	_ =	swait.ge [sflag:s13], $0x4000  }
0x61: {  	[sflag:s13] =	ssyncset.done $0x0  }
0x62: {  	[sflag:s13] =	ssyncadd.s32 $0xFFFFC000  }
0x63: {  	[tilespmem:s15], [sflag:$0x1] =	stream.indirect.gather [spmem:s1], $0x80, s16, s14, $0xb8;
	[tilespmem:$0x1EC00] =	vst v63  }
0x64: {  	_ =	swait.ge [sflag:s21], $0x4000  }
0x65: {  	[sflag:s21] =	ssyncset.done $0x0  }
0x66: {  	[sflag:s21] =	ssyncadd.s32 $0xFFFFC000  }
0x67: {  	[hbm4b:s7+s3] =	stream.linear.scatter [tilespmem:s15], [sflag:$0x2], $0x4000, $0x38;
	[tilespmem:$0x1EC00] =	vst v63  }
0x68: {  	_ =	swait.ge [sflag:s13], $0x4000  }
0x69: {  	[sflag:s13] =	ssyncset.done $0x0  }
0x6a: {  	[sflag:s13] =	ssyncadd.s32 $0xFFFFC000  }
0x6b: {  	[tilespmem:s15], [sflag:$0x1] =	stream.indirect.gather [spmem:s1], $0x80, s17, s14, $0xb8;
	[tilespmem:$0x1EC00] =	vst v63  }
0x6c: {  	_ =	swait.ge [sflag:s21], $0x4000  }
0x6d: {  	[sflag:s21] =	ssyncset.done $0x0  }
0x6e: {  	[sflag:s21] =	ssyncadd.s32 $0xFFFFC000  }
0x6f: {  	[hbm4b:s8+s3] =	stream.linear.scatter [tilespmem:s15], [sflag:$0x2], $0x4000, $0x38;
	[tilespmem:$0x1EC00] =	vst v63  }
0x70: {  	_ =	swait.ge [sflag:s13], $0x4000  }
0x71: {  	[sflag:s13] =	ssyncset.done $0x0  }
0x72: {  	[sflag:s13] =	ssyncadd.s32 $0xFFFFC000  }
0x73: {  	[tilespmem:s15], [sflag:$0x1] =	stream.indirect.gather [spmem:s1], $0x80, s18, s14, $0xb8;
	[tilespmem:$0x1EC00] =	vst v63  }
0x74: {  	_ =	swait.ge [sflag:s21], $0x4000  }
0x75: {  	[sflag:s21] =	ssyncset.done $0x0  }
0x76: {  	[sflag:s21] =	ssyncadd.s32 $0xFFFFC000  }
0x77: {  	[hbm4b:s9+s3] =	stream.linear.scatter [tilespmem:s15], [sflag:$0x2], $0x4000, $0x38;
	[tilespmem:$0x1EC00] =	vst v63  }
0x78: {  	_ =	swait.ge [sflag:s13], $0x4000  }
0x79: {  	[sflag:s13] =	ssyncset.done $0x0  }
0x7a: {  	[sflag:s13] =	ssyncadd.s32 $0xFFFFC000  }
0x7b: {  	[tilespmem:s15], [sflag:$0x1] =	stream.indirect.gather [spmem:s1], $0x80, s19, s14, $0xb8;
	[tilespmem:$0x1EC00] =	vst v63  }
0x7c: {  	s22 =	sadd.s32 $0x1, s22;
	_ =	swait.ge [sflag:s21], $0x4000  }
0x7d: {  	p0 =	sne.s32 s22, s11;
	[sflag:s21] =	ssyncset.done $0x0  }
.Ltmp2:
0x7e: {  	[sflag:s21] =	ssyncadd.s32 $0xFFFFC000;
	(pc) =	sbr.rel @p0 .LBB2_1-.Ltmp2, $4  }
0x7f: {  	[hbm4b:s10+s3] =	stream.linear.scatter [tilespmem:s15], [sflag:$0x2], $0x4000, $0x38;
	[tilespmem:$0x1EC00] =	vst v63  }
0x80: {  	_ =	swait.ge [sflag:s13], $0x4000  }
0x81: {  	[sflag:s13] =	ssyncset.done $0x0  }
0x82: {  	[sflag:s13] =	ssyncadd.s32 $0xFFFFC000  }
0x83: {  	_ =	sfence.sel $0x180000  }
0x84: {  	[bflag:$0x0] =	sbarrier.arrive $0xFFFF  }
0x85: {  	p0 =	sne.s32 s2, $0x0;
	_ =	strace $0x90000047  }
0x86: {  	s0 =	sadd.s32 @!p0 $0x100000, s0;
	[bflag:$0x2] =	sbarrier.arrive $0xFFFF  }
0x87: {  	[sflag:s0] =	ssyncadd.tile.s32 @!p0 $0x1;
	_ =	shalt  }
.Lfunc_end2:
_tile_overlayer_lowered:
.L_overlay_start_2:
0x88: {  	(tag) =	ssettag $0x2  }
0x89: {  	s0 =	rddreg [dreg:$0x0];
	s2 =	stileid.u32  }
0x8a: {  	s1 =	rddreg [dreg:$0x1];
	p0 =	sne.s32 s2, $0x0  }
0x8b: {  	s3 =	rddreg [dreg:$0x2];
	[bflag:$0x3] =	sbarrier.arrive $0xFFFF;
	s2 =	simm.s32 @!p0 $0x1C02  }
0x8c: {  	[timem:s3], [sflag:s2] =	dma.local @!p0 [hbm:s0], s1  }
0x8d: {  	s0 =	simm.s32 @!p0 $0x2  }
0x8e: {  	_ =	swait.ge @!p0 [sflag:s0], s1  }
0x8f: {  	s1 =	ssub.s32 @!p0 $0x0, s1;
	[sflag:s0] =	ssyncset.done @!p0 $0x0  }
0x90: {  	[sflag:s0] =	ssyncadd.s32 @!p0 s1  }
0x91: {  	[bflag:$0x3] =	sbarrier.arrive $0xFFFF  }
0x92: {  	_ =	shalt  }

</sc_bundles>
